<compile_context>
chip_gen: v7x
topology: tpu7x:2x2x1
jax: 0.10.2.dev20260603
libtpu: 0.0.44.dev20260713+nightly
codegen_flags: <defaults>
</compile_context>

<pallas_src>
import functools

import jax
import jax.numpy as jnp
from jax import lax
from jax.experimental import pallas as pl
from jax.experimental.pallas import tpu as pltpu
from jax.experimental.pallas import tpu_sc as plsc

_NC = 2
_NS = 16
_LANES = 16
_CHUNK = 4000


@functools.lru_cache(maxsize=None)
def _make_sc_segsum(n_edges: int, n_nodes: int, chunk: int):
    n_workers = _NC * _NS
    e_per_w = n_edges // n_workers
    n_chunks = e_per_w // chunk
    assert e_per_w * n_workers == n_edges
    assert n_chunks * chunk == e_per_w and n_chunks % 2 == 0
    assert chunk % _LANES == 0 and chunk % 8 == 0 and e_per_w % 8 == 0

    seg = -(-n_nodes // (_NS * 8)) * 8
    n_pad = seg * _NS

    mesh = plsc.VectorSubcoreMesh(core_axis_name="c", subcore_axis_name="s")

    @functools.partial(
        pl.kernel,
        mesh=mesh,
        out_type=(
            jax.ShapeDtypeStruct((n_workers * n_pad,), jnp.float32),
            jax.ShapeDtypeStruct((_NC * n_pad,), jnp.float32),
        ),
        scratch_types=[
            pltpu.VMEM((chunk + _LANES,), jnp.int32),
            pltpu.VMEM((chunk + _LANES,), jnp.int32),
            pltpu.VMEM((chunk,), jnp.float32),
            pltpu.VMEM((chunk,), jnp.float32),
            pltpu.VMEM((seg,), jnp.float32),
            pltpu.VMEM((seg,), jnp.float32),
            pltpu.VMEM_SHARED((_NS * _LANES,), jnp.int32),
            pltpu.SemaphoreType.DMA,
            pltpu.SemaphoreType.DMA,
            pltpu.VMEM((n_pad,), jnp.float32),
        ],
        compiler_params=pltpu.CompilerParams(needs_layout_passes=False),
    )
    def segsum(edge_src_hbm, vals_hbm, stage_hbm, out_hbm,
               ib0, ib1, vb0, vb1, mrg, tmp, rng_sh, sem0, sem1, acc):
        cid = lax.axis_index("c")
        sid = lax.axis_index("s")
        wid = cid * _NS + sid

        def chunk_copies(j, ib, vb, sem):
            base = wid * e_per_w + j * chunk
            return (
                pltpu.make_async_copy(edge_src_hbm.at[pl.ds(base, chunk)],
                                      ib.at[pl.ds(0, chunk)], sem),
                pltpu.make_async_copy(vals_hbm.at[pl.ds(base, chunk)],
                                      vb, sem),
            )

        def start(j, ib, vb, sem):
            a, b = chunk_copies(j, ib, vb, sem)
            a.start()
            b.start()

        def wait(j, ib, vb, sem):
            a, b = chunk_copies(j, ib, vb, sem)
            a.wait()
            b.wait()

        start(0, ib0, vb0, sem0)

        zero16 = jnp.zeros((_LANES,), jnp.float32)

        @plsc.parallel_loop(0, n_pad, _LANES, unroll=8)
        def _(o):
            acc[pl.ds(o, _LANES)] = zero16

        lane = lax.iota(jnp.int32, _LANES)
        m15 = lane == (_LANES - 1)

        def process(ib, vb):
            @plsc.parallel_loop(0, chunk, _LANES, unroll=8)
            def _(o):
                idx = ib[pl.ds(o, _LANES)]
                nxt = ib[pl.ds(o + 1, _LANES)]
                val = vb[pl.ds(o, _LANES)]
                s = plsc.cumsum(val)
                mb = idx != nxt
                plsc.addupdate_scatter(acc, [idx], s, mask=mb | m15)
                plsc.addupdate_scatter(acc, [nxt], -s, mask=mb & ~m15)

        def pair_body(j2, carry):
            j0 = 2 * j2
            start(j0 + 1, ib1, vb1, sem1)
            wait(j0, ib0, vb0, sem0)
            process(ib0, vb0)

            @pl.when(j0 + 2 < n_chunks)
            def _():
                start(j0 + 2, ib0, vb0, sem0)

            wait(j0 + 1, ib1, vb1, sem1)
            process(ib1, vb1)
            return carry

        lax.fori_loop(0, n_chunks // 2, pair_body, 0)

        pltpu.sync_copy(edge_src_hbm.at[pl.ds(wid * e_per_w, _LANES)],
                        ib0.at[pl.ds(0, _LANES)])
        idx_first = ib0[pl.ds(0, _LANES)][0]
        idx_last = ib1[pl.ds(chunk - _LANES, _LANES)][_LANES - 1]

        def page_of(x):
            p = jnp.int32(0)
            for t in range(1, _NS):
                p = p + jnp.where(x >= t * seg, 1, 0).astype(jnp.int32)
            return p

        p_lo = page_of(idx_first)
        p_hi = page_of(idx_last)

        def flush_body(p, carry):
            pltpu.sync_copy(
                acc.at[pl.ds(p * seg, seg)],
                stage_hbm.at[pl.ds(wid * n_pad + p * seg, seg)])
            return carry

        lax.fori_loop(p_lo, p_hi + 1, flush_body, 0)

        ib1[pl.ds(0, _LANES)] = jnp.where(
            lane == 0, p_lo, jnp.where(lane == 1, p_hi, 0)).astype(jnp.int32)
        pltpu.sync_copy(ib1.at[pl.ds(0, _LANES)],
                        rng_sh.at[pl.ds(sid * _LANES, _LANES)])
        plsc.subcore_barrier()
        pltpu.sync_copy(rng_sh, ib0.at[pl.ds(0, _NS * _LANES)])

        @plsc.parallel_loop(0, seg, _LANES, unroll=8)
        def _(o):
            mrg[pl.ds(o, _LANES)] = zero16

        col = sid * seg
        for t in range(_NS):
            rng_t = ib0[pl.ds(t * _LANES, _LANES)]
            lo_t = rng_t[0]
            hi_t = rng_t[1]

            @pl.when((lo_t <= sid) & (sid <= hi_t))
            def _():
                pltpu.sync_copy(
                    stage_hbm.at[pl.ds((cid * _NS + t) * n_pad + col, seg)],
                    tmp)

                @plsc.parallel_loop(0, seg, _LANES, unroll=8)
                def _(o):
                    mrg[pl.ds(o, _LANES)] = (mrg[pl.ds(o, _LANES)]
                                             + tmp[pl.ds(o, _LANES)])

        pltpu.sync_copy(mrg, out_hbm.at[pl.ds(cid * n_pad + col, seg)])

    return segsum, n_pad


def kernel(edge_src, switch, species):
    n_edges = edge_src.shape[0]
    n_nodes = species.shape[0]
    seg, n_pad = _make_sc_segsum(n_edges, n_nodes, _CHUNK)
    _, partials = seg(edge_src, switch)
    partials = partials.reshape(_NC, n_pad)
    return (partials[0] + partials[1])[:n_nodes]

# --- scband reference (transcript-rebuilt; emitter-appended) ---
"""Pipeline reference for scband-sum-switch-996432413160 (READ-ONLY COPY).

The authoritative reference and input builder live on the scoring server;
editing this copy changes nothing except your own understanding.
"""

import jax, jax.numpy as jnp
import numpy as np

N_NODES = 100000
N_EDGES = 6400000
POW = 1.0


def setup_inputs(seed: int = 0) -> dict:
    key = jax.random.key(seed)
    k1, k2, k3 = jax.random.split(key, 3)
    edge_src = jnp.sort(jax.random.randint(k1, (N_EDGES,), 0, N_NODES, dtype=jnp.int32))
    switch = jax.random.uniform(k2, (N_EDGES,), dtype=jnp.float32)
    species = jax.random.randint(k3, (N_NODES,), 0, 100, dtype=jnp.int32)
    return {"edge_src": edge_src, "switch": switch, "species": species}


def reference(edge_src, switch, species):
    # SumSwitch forward (trainable=False): cn[i] = sum_{e: edge_src[e]==i} ((0.001 + switch[e])**p - 0.001**p)
    p = POW
    shift = 0.001 ** p
    vals = (0.001 + switch) ** p - shift
    cn = jax.ops.segment_sum(vals, edge_src, species.shape[0])
    return cn

if __name__ == "__main__":
    import jax
    _d = setup_inputs()
    print(jax.jit(kernel)(*tuple(_d.values())))

</pallas_src>

<mosaic_0001>
#map = affine_map<(d0, d1) -> (0)>
module attributes {stable_mosaic.version = 14 : i64} {
  func.func @segsum(%arg0: i32, %arg1: i32, %arg2: memref<6400000xi32, #tpu.memory_space<hbm>>, %arg3: memref<6400000xf32, #tpu.memory_space<hbm>>, %arg4: memref<3203072xf32, #tpu.memory_space<hbm>>, %arg5: memref<200192xf32, #tpu.memory_space<hbm>>, %arg6: memref<4016xi32, #tpu.memory_space<vmem>>, %arg7: memref<4016xi32, #tpu.memory_space<vmem>>, %arg8: memref<4000xf32, #tpu.memory_space<vmem>>, %arg9: memref<4000xf32, #tpu.memory_space<vmem>>, %arg10: memref<6256xf32, #tpu.memory_space<vmem>>, %arg11: memref<6256xf32, #tpu.memory_space<vmem>>, %arg12: memref<256xi32, #tpu.memory_space<vmem_shared>>, %arg13: memref<!tpu.dma_semaphore, #tpu.memory_space<semaphore_mem>>, %arg14: memref<!tpu.dma_semaphore, #tpu.memory_space<semaphore_mem>>, %arg15: memref<100096xf32, #tpu.memory_space<vmem>>) attributes {dimension_semantics = [#tpu.dimension_semantics<core_parallel>, #tpu.dimension_semantics<subcore_parallel>], iteration_bounds = array<i64: 2, 16>, scalar_prefetch = 0 : i64, scratch_operands = 10 : i64, tpu.core_type = #tpu.core_type<sc_vector_subcore>, window_params = [{transform_indices = #map}, {transform_indices = #map}, {transform_indices = #map}, {transform_indices = #map}]} {
    %mul3A = arith.constant 16 : i32
    %mul3A_0 = arith.muli %arg0, %mul3A : i32
    %add3A = arith.addi %mul3A_0, %arg1 : i32
    %mul3A_1 = arith.constant 200000 : i32
    %mul3A_2 = arith.muli %add3A, %mul3A_1 : i32
    %add3A_3 = arith.constant 0 : i32
    %add3A_4 = arith.addi %mul3A_2, %add3A_3 : i32
    %dma_start3A = arith.constant 0 : i32
    %dma_start3A_5 = tpu.memref_slice %arg6[%dma_start3A] : memref<4016xi32, #tpu.memory_space<vmem>> -> memref<4000xi32, #tpu.memory_space<vmem>>
    %dma_start3A_6 = tpu.memref_slice %arg2[%add3A_4] : memref<6400000xi32, #tpu.memory_space<hbm>> -> memref<4000xi32, #tpu.memory_space<hbm>>
    %dma_start3A_7 = arith.constant 0 : i32
    %dma_start3A_8 = tpu.memref_slice %arg6[%dma_start3A_7] : memref<4016xi32, #tpu.memory_space<vmem>> -> memref<4000xi32, #tpu.memory_space<vmem>>
    %dma_start3A_9 = tpu.memref_slice %arg2[%add3A_4] : memref<6400000xi32, #tpu.memory_space<hbm>> -> memref<4000xi32, #tpu.memory_space<hbm>>
    tpu.enqueue_dma source(%dma_start3A_9 : memref<4000xi32, #tpu.memory_space<hbm>>) target(%dma_start3A_8 : memref<4000xi32, #tpu.memory_space<vmem>>) target_semaphore(%arg13 : memref<!tpu.dma_semaphore, #tpu.memory_space<semaphore_mem>>)
    %dma_start3A_10 = tpu.memref_slice %arg3[%add3A_4] : memref<6400000xf32, #tpu.memory_space<hbm>> -> memref<4000xf32, #tpu.memory_space<hbm>>
    %dma_start3A_11 = tpu.memref_slice %arg3[%add3A_4] : memref<6400000xf32, #tpu.memory_space<hbm>> -> memref<4000xf32, #tpu.memory_space<hbm>>
    tpu.enqueue_dma source(%dma_start3A_11 : memref<4000xf32, #tpu.memory_space<hbm>>) target(%arg8 : memref<4000xf32, #tpu.memory_space<vmem>>) target_semaphore(%arg13 : memref<!tpu.dma_semaphore, #tpu.memory_space<semaphore_mem>>)
    %broadcast_in_dim3A = arith.constant 0.000000e+00 : f32
    %broadcast_in_dim3A_12 = vector.broadcast %broadcast_in_dim3A : f32 to vector<16xf32>
    %parallel_loop3A = arith.constant 0 : i32
    %parallel_loop3A_13 = arith.constant 100096 : i32
    %parallel_loop3A_14 = arith.constant 16 : i32
    scf.for %parallel_loop3A_429 = %parallel_loop3A to %parallel_loop3A_13 step %parallel_loop3A_14  : i32 {
      %parallel_loop3A_430 = arith.index_cast %parallel_loop3A_429 : i32 to index
      %parallel_loop3A_431 = tpu.vector_load %arg15[%parallel_loop3A_430] {strides = array<i32>} : memref<100096xf32, #tpu.memory_space<vmem>>, vector<16xf32>,
      tpu.vector_store %arg15[%parallel_loop3A_430], %broadcast_in_dim3A_12 {strides = array<i32>} : memref<100096xf32, #tpu.memory_space<vmem>>, vector<16xf32>,
    } {sc.loop_unroll_factor = 8 : i64, sc.parallel_access}
    %iota3A = tpu.iota {dimensions = array<i32: 0>} : vector<16xi32>
    %eq3A = arith.constant 15 : i32
    %eq3A_15 = vector.broadcast %eq3A : i32 to vector<16xi32>
    %eq3A_16 = arith.cmpi eq, %iota3A, %eq3A_15 : vector<16xi32>
    %scan3A = arith.constant 0 : i32
    %scan3A_17 = arith.constant 0 : i32
    %scan3A_18 = arith.constant 25 : i32
    %scan3A_19 = arith.addi %scan3A_17, %scan3A_18 : i32
    %scan3A_20 = arith.constant 1 : i32
    scf.for %scan3A_429 = %scan3A_17 to %scan3A_19 step %scan3A_20  : i32 {
      %mul3A_430 = arith.constant 2 : i32
      %mul3A_431 = arith.muli %mul3A_430, %scan3A_429 : i32
      %add3A_432 = arith.constant 1 : i32
      %add3A_433 = arith.addi %mul3A_431, %add3A_432 : i32
      %mul3A_434 = arith.constant 200000 : i32
      %mul3A_435 = arith.muli %add3A, %mul3A_434 : i32
      %mul3A_436 = arith.constant 4000 : i32
      %mul3A_437 = arith.muli %add3A_433, %mul3A_436 : i32
      %add3A_438 = arith.addi %mul3A_435, %mul3A_437 : i32
      %dma_start3A_439 = arith.constant 0 : i32
      %dma_start3A_440 = tpu.memref_slice %arg7[%dma_start3A_439] : memref<4016xi32, #tpu.memory_space<vmem>> -> memref<4000xi32, #tpu.memory_space<vmem>>
      %dma_start3A_441 = tpu.memref_slice %arg2[%add3A_438] : memref<6400000xi32, #tpu.memory_space<hbm>> -> memref<4000xi32, #tpu.memory_space<hbm>>
      %dma_start3A_442 = arith.constant 0 : i32
      %dma_start3A_443 = tpu.memref_slice %arg7[%dma_start3A_442] : memref<4016xi32, #tpu.memory_space<vmem>> -> memref<4000xi32, #tpu.memory_space<vmem>>
      %dma_start3A_444 = tpu.memref_slice %arg2[%add3A_438] : memref<6400000xi32, #tpu.memory_space<hbm>> -> memref<4000xi32, #tpu.memory_space<hbm>>
      tpu.enqueue_dma source(%dma_start3A_444 : memref<4000xi32, #tpu.memory_space<hbm>>) target(%dma_start3A_443 : memref<4000xi32, #tpu.memory_space<vmem>>) target_semaphore(%arg14 : memref<!tpu.dma_semaphore, #tpu.memory_space<semaphore_mem>>)
      %dma_start3A_445 = tpu.memref_slice %arg3[%add3A_438] : memref<6400000xf32, #tpu.memory_space<hbm>> -> memref<4000xf32, #tpu.memory_space<hbm>>
      %dma_start3A_446 = tpu.memref_slice %arg3[%add3A_438] : memref<6400000xf32, #tpu.memory_space<hbm>> -> memref<4000xf32, #tpu.memory_space<hbm>>
      tpu.enqueue_dma source(%dma_start3A_446 : memref<4000xf32, #tpu.memory_space<hbm>>) target(%arg9 : memref<4000xf32, #tpu.memory_space<vmem>>) target_semaphore(%arg14 : memref<!tpu.dma_semaphore, #tpu.memory_space<semaphore_mem>>)
      %mul3A_447 = arith.constant 200000 : i32
      %mul3A_448 = arith.muli %add3A, %mul3A_447 : i32
      %mul3A_449 = arith.constant 4000 : i32
      %mul3A_450 = arith.muli %mul3A_431, %mul3A_449 : i32
      %add3A_451 = arith.addi %mul3A_448, %mul3A_450 : i32
      %dma_wait3A = arith.constant 0 : i32
      %dma_wait3A_452 = tpu.memref_slice %arg6[%dma_wait3A] : memref<4016xi32, #tpu.memory_space<vmem>> -> memref<4000xi32, #tpu.memory_space<vmem>>
      %dma_wait3A_453 = tpu.memref_slice %arg2[%add3A_451] : memref<6400000xi32, #tpu.memory_space<hbm>> -> memref<4000xi32, #tpu.memory_space<hbm>>
      %dma_wait3A_454 = arith.constant 0 : i32
      %dma_wait3A_455 = tpu.memref_slice %arg6[%dma_wait3A_454] : memref<4016xi32, #tpu.memory_space<vmem>> -> memref<4000xi32, #tpu.memory_space<vmem>>
      %dma_wait3A_456 = tpu.memref_slice %arg2[%add3A_451] : memref<6400000xi32, #tpu.memory_space<hbm>> -> memref<4000xi32, #tpu.memory_space<hbm>>
      tpu.wait_dma2 semaphore(%arg13 : memref<!tpu.dma_semaphore, #tpu.memory_space<semaphore_mem>>) src(%dma_wait3A_456 : memref<4000xi32, #tpu.memory_space<hbm>>) dst(%dma_wait3A_455 : memref<4000xi32, #tpu.memory_space<vmem>>)
      %dma_wait3A_457 = tpu.memref_slice %arg3[%add3A_451] : memref<6400000xf32, #tpu.memory_space<hbm>> -> memref<4000xf32, #tpu.memory_space<hbm>>
      %dma_wait3A_458 = tpu.memref_slice %arg3[%add3A_451] : memref<6400000xf32, #tpu.memory_space<hbm>> -> memref<4000xf32, #tpu.memory_space<hbm>>
      tpu.wait_dma2 semaphore(%arg13 : memref<!tpu.dma_semaphore, #tpu.memory_space<semaphore_mem>>) src(%dma_wait3A_458 : memref<4000xf32, #tpu.memory_space<hbm>>) dst(%arg8 : memref<4000xf32, #tpu.memory_space<vmem>>)
      %parallel_loop3A_459 = arith.constant 0 : i32
      %parallel_loop3A_460 = arith.constant 4000 : i32
      %parallel_loop3A_461 = arith.constant 16 : i32
      scf.for %parallel_loop3A_486 = %parallel_loop3A_459 to %parallel_loop3A_460 step %parallel_loop3A_461  : i32 {
        %parallel_loop3A_487 = arith.index_cast %parallel_loop3A_486 : i32 to index
        %parallel_loop3A_488 = tpu.vector_load %arg6[%parallel_loop3A_487] {strides = array<i32>} : memref<4016xi32, #tpu.memory_space<vmem>>, vector<16xi32>,
        %parallel_loop3A_489 = arith.constant 1 : i32
        %parallel_loop3A_490 = arith.addi %parallel_loop3A_486, %parallel_loop3A_489 : i32
        %parallel_loop3A_491 = arith.index_cast %parallel_loop3A_490 : i32 to index
        %parallel_loop3A_492 = tpu.vector_load %arg6[%parallel_loop3A_491] {strides = array<i32>} : memref<4016xi32, #tpu.memory_space<vmem>>, vector<16xi32>,
        %parallel_loop3A_493 = arith.index_cast %parallel_loop3A_486 : i32 to index
        %parallel_loop3A_494 = tpu.vector_load %arg8[%parallel_loop3A_493] {strides = array<i32>} : memref<4000xf32, #tpu.memory_space<vmem>>, vector<16xf32>,
        %parallel_loop3A_495 = arith.constant true
        %parallel_loop3A_496 = vector.broadcast %parallel_loop3A_495 : i1 to vector<16xi1>
        %parallel_loop3A_497 = tpu.scan <sum>, %parallel_loop3A_494 masked %parallel_loop3A_496 : vector<16xf32>, vector<16xi1> -> vector<16xf32>
        %parallel_loop3A_498 = arith.cmpi ne, %parallel_loop3A_488, %parallel_loop3A_492 : vector<16xi32>
        %parallel_loop3A_499 = arith.ori %parallel_loop3A_498, %eq3A_16 : vector<16xi1>
        tpu.vector_store_idx %arg15[%parallel_loop3A_488], %parallel_loop3A_497 masked %parallel_loop3A_499 {add = true} : memref<100096xf32, #tpu.memory_space<vmem>>[vector<16xi32>], vector<16xf32>, vector<16xi1>
        %parallel_loop3A_500 = arith.constant 0.000000e+00 : f32
        %parallel_loop3A_501 = vector.broadcast %parallel_loop3A_500 : f32 to vector<16xf32>
        %parallel_loop3A_502 = arith.subf %parallel_loop3A_501, %parallel_loop3A_497 : vector<16xf32>
        %parallel_loop3A_503 = arith.constant dense<true> : vector<16xi1>
        %parallel_loop3A_504 = arith.xori %eq3A_16, %parallel_loop3A_503 : vector<16xi1>
        %parallel_loop3A_505 = arith.andi %parallel_loop3A_498, %parallel_loop3A_504 : vector<16xi1>
        tpu.vector_store_idx %arg15[%parallel_loop3A_492], %parallel_loop3A_502 masked %parallel_loop3A_505 {add = true} : memref<100096xf32, #tpu.memory_space<vmem>>[vector<16xi32>], vector<16xf32>, vector<16xi1>
      } {sc.loop_unroll_factor = 8 : i64, sc.parallel_access}
      %add3A_462 = arith.constant 2 : i32
      %add3A_463 = arith.addi %mul3A_431, %add3A_462 : i32
      %lt3A = arith.constant 50 : i32
      %lt3A_464 = arith.cmpi slt, %add3A_463, %lt3A : i32
      %convert_element_type3A_465 = arith.extui %lt3A_464 : i1 to i32
      %cond3A_466 = arith.constant 0 : i32
      %cond3A_467 = arith.cmpi ne, %convert_element_type3A_465, %cond3A_466 : i32
      scf.if %cond3A_467 {
        %add3A_486 = arith.constant 2 : i32
        %add3A_487 = arith.addi %mul3A_431, %add3A_486 : i32
        %mul3A_488 = arith.constant 200000 : i32
        %mul3A_489 = arith.muli %add3A, %mul3A_488 : i32
        %mul3A_490 = arith.constant 4000 : i32
        %mul3A_491 = arith.muli %add3A_487, %mul3A_490 : i32
        %add3A_492 = arith.addi %mul3A_489, %mul3A_491 : i32
        %dma_start3A_493 = arith.constant 0 : i32
        %dma_start3A_494 = tpu.memref_slice %arg6[%dma_start3A_493] : memref<4016xi32, #tpu.memory_space<vmem>> -> memref<4000xi32, #tpu.memory_space<vmem>>
        %dma_start3A_495 = tpu.memref_slice %arg2[%add3A_492] : memref<6400000xi32, #tpu.memory_space<hbm>> -> memref<4000xi32, #tpu.memory_space<hbm>>
        %dma_start3A_496 = arith.constant 0 : i32
        %dma_start3A_497 = tpu.memref_slice %arg6[%dma_start3A_496] : memref<4016xi32, #tpu.memory_space<vmem>> -> memref<4000xi32, #tpu.memory_space<vmem>>
        %dma_start3A_498 = tpu.memref_slice %arg2[%add3A_492] : memref<6400000xi32, #tpu.memory_space<hbm>> -> memref<4000xi32, #tpu.memory_space<hbm>>
        tpu.enqueue_dma source(%dma_start3A_498 : memref<4000xi32, #tpu.memory_space<hbm>>) target(%dma_start3A_497 : memref<4000xi32, #tpu.memory_space<vmem>>) target_semaphore(%arg13 : memref<!tpu.dma_semaphore, #tpu.memory_space<semaphore_mem>>)
        %dma_start3A_499 = tpu.memref_slice %arg3[%add3A_492] : memref<6400000xf32, #tpu.memory_space<hbm>> -> memref<4000xf32, #tpu.memory_space<hbm>>
        %dma_start3A_500 = tpu.memref_slice %arg3[%add3A_492] : memref<6400000xf32, #tpu.memory_space<hbm>> -> memref<4000xf32, #tpu.memory_space<hbm>>
        tpu.enqueue_dma source(%dma_start3A_500 : memref<4000xf32, #tpu.memory_space<hbm>>) target(%arg8 : memref<4000xf32, #tpu.memory_space<vmem>>) target_semaphore(%arg13 : memref<!tpu.dma_semaphore, #tpu.memory_space<semaphore_mem>>)
      } else {
      }
      %add3A_468 = arith.constant 1 : i32
      %add3A_469 = arith.addi %mul3A_431, %add3A_468 : i32
      %mul3A_470 = arith.constant 200000 : i32
      %mul3A_471 = arith.muli %add3A, %mul3A_470 : i32
      %mul3A_472 = arith.constant 4000 : i32
      %mul3A_473 = arith.muli %add3A_469, %mul3A_472 : i32
      %add3A_474 = arith.addi %mul3A_471, %mul3A_473 : i32
      %dma_wait3A_475 = arith.constant 0 : i32
      %dma_wait3A_476 = tpu.memref_slice %arg7[%dma_wait3A_475] : memref<4016xi32, #tpu.memory_space<vmem>> -> memref<4000xi32, #tpu.memory_space<vmem>>
      %dma_wait3A_477 = tpu.memref_slice %arg2[%add3A_474] : memref<6400000xi32, #tpu.memory_space<hbm>> -> memref<4000xi32, #tpu.memory_space<hbm>>
      %dma_wait3A_478 = arith.constant 0 : i32
      %dma_wait3A_479 = tpu.memref_slice %arg7[%dma_wait3A_478] : memref<4016xi32, #tpu.memory_space<vmem>> -> memref<4000xi32, #tpu.memory_space<vmem>>
      %dma_wait3A_480 = tpu.memref_slice %arg2[%add3A_474] : memref<6400000xi32, #tpu.memory_space<hbm>> -> memref<4000xi32, #tpu.memory_space<hbm>>
      tpu.wait_dma2 semaphore(%arg14 : memref<!tpu.dma_semaphore, #tpu.memory_space<semaphore_mem>>) src(%dma_wait3A_480 : memref<4000xi32, #tpu.memory_space<hbm>>) dst(%dma_wait3A_479 : memref<4000xi32, #tpu.memory_space<vmem>>)
      %dma_wait3A_481 = tpu.memref_slice %arg3[%add3A_474] : memref<6400000xf32, #tpu.memory_space<hbm>> -> memref<4000xf32, #tpu.memory_space<hbm>>
      %dma_wait3A_482 = tpu.memref_slice %arg3[%add3A_474] : memref<6400000xf32, #tpu.memory_space<hbm>> -> memref<4000xf32, #tpu.memory_space<hbm>>
      tpu.wait_dma2 semaphore(%arg14 : memref<!tpu.dma_semaphore, #tpu.memory_space<semaphore_mem>>) src(%dma_wait3A_482 : memref<4000xf32, #tpu.memory_space<hbm>>) dst(%arg9 : memref<4000xf32, #tpu.memory_space<vmem>>)
      %parallel_loop3A_483 = arith.constant 0 : i32
      %parallel_loop3A_484 = arith.constant 4000 : i32
      %parallel_loop3A_485 = arith.constant 16 : i32
      scf.for %parallel_loop3A_486 = %parallel_loop3A_483 to %parallel_loop3A_484 step %parallel_loop3A_485  : i32 {
        %parallel_loop3A_487 = arith.index_cast %parallel_loop3A_486 : i32 to index
        %parallel_loop3A_488 = tpu.vector_load %arg7[%parallel_loop3A_487] {strides = array<i32>} : memref<4016xi32, #tpu.memory_space<vmem>>, vector<16xi32>,
        %parallel_loop3A_489 = arith.constant 1 : i32
        %parallel_loop3A_490 = arith.addi %parallel_loop3A_486, %parallel_loop3A_489 : i32
        %parallel_loop3A_491 = arith.index_cast %parallel_loop3A_490 : i32 to index
        %parallel_loop3A_492 = tpu.vector_load %arg7[%parallel_loop3A_491] {strides = array<i32>} : memref<4016xi32, #tpu.memory_space<vmem>>, vector<16xi32>,
        %parallel_loop3A_493 = arith.index_cast %parallel_loop3A_486 : i32 to index
        %parallel_loop3A_494 = tpu.vector_load %arg9[%parallel_loop3A_493] {strides = array<i32>} : memref<4000xf32, #tpu.memory_space<vmem>>, vector<16xf32>,
        %parallel_loop3A_495 = arith.constant true
        %parallel_loop3A_496 = vector.broadcast %parallel_loop3A_495 : i1 to vector<16xi1>
        %parallel_loop3A_497 = tpu.scan <sum>, %parallel_loop3A_494 masked %parallel_loop3A_496 : vector<16xf32>, vector<16xi1> -> vector<16xf32>
        %parallel_loop3A_498 = arith.cmpi ne, %parallel_loop3A_488, %parallel_loop3A_492 : vector<16xi32>
        %parallel_loop3A_499 = arith.ori %parallel_loop3A_498, %eq3A_16 : vector<16xi1>
        tpu.vector_store_idx %arg15[%parallel_loop3A_488], %parallel_loop3A_497 masked %parallel_loop3A_499 {add = true} : memref<100096xf32, #tpu.memory_space<vmem>>[vector<16xi32>], vector<16xf32>, vector<16xi1>
        %parallel_loop3A_500 = arith.constant 0.000000e+00 : f32
        %parallel_loop3A_501 = vector.broadcast %parallel_loop3A_500 : f32 to vector<16xf32>
        %parallel_loop3A_502 = arith.subf %parallel_loop3A_501, %parallel_loop3A_497 : vector<16xf32>
        %parallel_loop3A_503 = arith.constant dense<true> : vector<16xi1>
        %parallel_loop3A_504 = arith.xori %eq3A_16, %parallel_loop3A_503 : vector<16xi1>
        %parallel_loop3A_505 = arith.andi %parallel_loop3A_498, %parallel_loop3A_504 : vector<16xi1>
        tpu.vector_store_idx %arg15[%parallel_loop3A_492], %parallel_loop3A_502 masked %parallel_loop3A_505 {add = true} : memref<100096xf32, #tpu.memory_space<vmem>>[vector<16xi32>], vector<16xf32>, vector<16xi1>
      } {sc.loop_unroll_factor = 8 : i64, sc.parallel_access}
    }
    %scan3A_21 = arith.constant 25 : i32
    %mul3A_22 = arith.constant 200000 : i32
    %mul3A_23 = arith.muli %add3A, %mul3A_22 : i32
    "tpu.region"() ({
      %run_scoped3A = tpu.sem_alloc : memref<!tpu.dma_semaphore, #tpu.memory_space<semaphore_mem>>
      %dma_start3A_429 = arith.constant 0 : i32
      %dma_start3A_430 = tpu.memref_slice %arg6[%dma_start3A_429] : memref<4016xi32, #tpu.memory_space<vmem>> -> memref<16xi32, #tpu.memory_space<vmem>>
      %dma_start3A_431 = tpu.memref_slice %arg2[%mul3A_23] : memref<6400000xi32, #tpu.memory_space<hbm>> -> memref<16xi32, #tpu.memory_space<hbm>>
      %dma_start3A_432 = arith.constant 0 : i32
      %dma_start3A_433 = tpu.memref_slice %arg6[%dma_start3A_432] : memref<4016xi32, #tpu.memory_space<vmem>> -> memref<16xi32, #tpu.memory_space<vmem>>
      %dma_start3A_434 = tpu.memref_slice %arg2[%mul3A_23] : memref<6400000xi32, #tpu.memory_space<hbm>> -> memref<16xi32, #tpu.memory_space<hbm>>
      tpu.enqueue_dma source(%dma_start3A_434 : memref<16xi32, #tpu.memory_space<hbm>>) target(%dma_start3A_433 : memref<16xi32, #tpu.memory_space<vmem>>) target_semaphore(%run_scoped3A : memref<!tpu.dma_semaphore, #tpu.memory_space<semaphore_mem>>)
      %dma_wait3A = arith.constant 0 : i32
      %dma_wait3A_435 = tpu.memref_slice %arg6[%dma_wait3A] : memref<4016xi32, #tpu.memory_space<vmem>> -> memref<16xi32, #tpu.memory_space<vmem>>
      %dma_wait3A_436 = tpu.memref_slice %arg2[%mul3A_23] : memref<6400000xi32, #tpu.memory_space<hbm>> -> memref<16xi32, #tpu.memory_space<hbm>>
      %dma_wait3A_437 = arith.constant 0 : i32
      %dma_wait3A_438 = tpu.memref_slice %arg6[%dma_wait3A_437] : memref<4016xi32, #tpu.memory_space<vmem>> -> memref<16xi32, #tpu.memory_space<vmem>>
      %dma_wait3A_439 = tpu.memref_slice %arg2[%mul3A_23] : memref<6400000xi32, #tpu.memory_space<hbm>> -> memref<16xi32, #tpu.memory_space<hbm>>
      tpu.wait_dma2 semaphore(%run_scoped3A : memref<!tpu.dma_semaphore, #tpu.memory_space<semaphore_mem>>) src(%dma_wait3A_439 : memref<16xi32, #tpu.memory_space<hbm>>) dst(%dma_wait3A_438 : memref<16xi32, #tpu.memory_space<vmem>>)
      tpu.yield
    }) : () -> ()
    %get3A = arith.constant 0 : index
    %get3A_24 = tpu.vector_load %arg6[%get3A] {strides = array<i32>} : memref<4016xi32, #tpu.memory_space<vmem>>, vector<16xi32>,
    %slice3A = vector.extract_strided_slice %get3A_24 {offsets = [0], sizes = [1], strides = [1]} : vector<16xi32> to vector<1xi32>
    %squeeze3A = vector.extract %slice3A[0] : i32 from vector<1xi32>
    %get3A_25 = arith.constant 3984 : index
    %get3A_26 = tpu.vector_load %arg7[%get3A_25] {strides = array<i32>} : memref<4016xi32, #tpu.memory_space<vmem>>, vector<16xi32>,
    %slice3A_27 = vector.extract_strided_slice %get3A_26 {offsets = [15], sizes = [1], strides = [1]} : vector<16xi32> to vector<1xi32>
    %squeeze3A_28 = vector.extract %slice3A_27[0] : i32 from vector<1xi32>
    %ge3A = arith.constant 6256 : i32
    %ge3A_29 = arith.cmpi sge, %squeeze3A, %ge3A : i32
    %jit3A = arith.constant 1 : i32
    %jit3A_30 = arith.constant 0 : i32
    %select_n3A = arith.select %ge3A_29, %jit3A, %jit3A_30 : i32
    %add3A_31 = arith.constant 0 : i32
    %add3A_32 = arith.addi %add3A_31, %select_n3A : i32
    %ge3A_33 = arith.constant 12512 : i32
    %ge3A_34 = arith.cmpi sge, %squeeze3A, %ge3A_33 : i32
    %jit3A_35 = arith.constant 1 : i32
    %jit3A_36 = arith.constant 0 : i32
    %select_n3A_37 = arith.select %ge3A_34, %jit3A_35, %jit3A_36 : i32
    %add3A_38 = arith.addi %add3A_32, %select_n3A_37 : i32
    %ge3A_39 = arith.constant 18768 : i32
    %ge3A_40 = arith.cmpi sge, %squeeze3A, %ge3A_39 : i32
    %jit3A_41 = arith.constant 1 : i32
    %jit3A_42 = arith.constant 0 : i32
    %select_n3A_43 = arith.select %ge3A_40, %jit3A_41, %jit3A_42 : i32
    %add3A_44 = arith.addi %add3A_38, %select_n3A_43 : i32
    %ge3A_45 = arith.constant 25024 : i32
    %ge3A_46 = arith.cmpi sge, %squeeze3A, %ge3A_45 : i32
    %jit3A_47 = arith.constant 1 : i32
    %jit3A_48 = arith.constant 0 : i32
    %select_n3A_49 = arith.select %ge3A_46, %jit3A_47, %jit3A_48 : i32
    %add3A_50 = arith.addi %add3A_44, %select_n3A_49 : i32
    %ge3A_51 = arith.constant 31280 : i32
    %ge3A_52 = arith.cmpi sge, %squeeze3A, %ge3A_51 : i32
    %jit3A_53 = arith.constant 1 : i32
    %jit3A_54 = arith.constant 0 : i32
    %select_n3A_55 = arith.select %ge3A_52, %jit3A_53, %jit3A_54 : i32
    %add3A_56 = arith.addi %add3A_50, %select_n3A_55 : i32
    %ge3A_57 = arith.constant 37536 : i32
    %ge3A_58 = arith.cmpi sge, %squeeze3A, %ge3A_57 : i32
    %jit3A_59 = arith.constant 1 : i32
    %jit3A_60 = arith.constant 0 : i32
    %select_n3A_61 = arith.select %ge3A_58, %jit3A_59, %jit3A_60 : i32
    %add3A_62 = arith.addi %add3A_56, %select_n3A_61 : i32
    %ge3A_63 = arith.constant 43792 : i32
    %ge3A_64 = arith.cmpi sge, %squeeze3A, %ge3A_63 : i32
    %jit3A_65 = arith.constant 1 : i32
    %jit3A_66 = arith.constant 0 : i32
    %select_n3A_67 = arith.select %ge3A_64, %jit3A_65, %jit3A_66 : i32
    %add3A_68 = arith.addi %add3A_62, %select_n3A_67 : i32
    %ge3A_69 = arith.constant 50048 : i32
    %ge3A_70 = arith.cmpi sge, %squeeze3A, %ge3A_69 : i32
    %jit3A_71 = arith.constant 1 : i32
    %jit3A_72 = arith.constant 0 : i32
    %select_n3A_73 = arith.select %ge3A_70, %jit3A_71, %jit3A_72 : i32
    %add3A_74 = arith.addi %add3A_68, %select_n3A_73 : i32
    %ge3A_75 = arith.constant 56304 : i32
    %ge3A_76 = arith.cmpi sge, %squeeze3A, %ge3A_75 : i32
    %jit3A_77 = arith.constant 1 : i32
    %jit3A_78 = arith.constant 0 : i32
    %select_n3A_79 = arith.select %ge3A_76, %jit3A_77, %jit3A_78 : i32
    %add3A_80 = arith.addi %add3A_74, %select_n3A_79 : i32
    %ge3A_81 = arith.constant 62560 : i32
    %ge3A_82 = arith.cmpi sge, %squeeze3A, %ge3A_81 : i32
    %jit3A_83 = arith.constant 1 : i32
    %jit3A_84 = arith.constant 0 : i32
    %select_n3A_85 = arith.select %ge3A_82, %jit3A_83, %jit3A_84 : i32
    %add3A_86 = arith.addi %add3A_80, %select_n3A_85 : i32
    %ge3A_87 = arith.constant 68816 : i32
    %ge3A_88 = arith.cmpi sge, %squeeze3A, %ge3A_87 : i32
    %jit3A_89 = arith.constant 1 : i32
    %jit3A_90 = arith.constant 0 : i32
    %select_n3A_91 = arith.select %ge3A_88, %jit3A_89, %jit3A_90 : i32
    %add3A_92 = arith.addi %add3A_86, %select_n3A_91 : i32
    %ge3A_93 = arith.constant 75072 : i32
    %ge3A_94 = arith.cmpi sge, %squeeze3A, %ge3A_93 : i32
    %jit3A_95 = arith.constant 1 : i32
    %jit3A_96 = arith.constant 0 : i32
    %select_n3A_97 = arith.select %ge3A_94, %jit3A_95, %jit3A_96 : i32
    %add3A_98 = arith.addi %add3A_92, %select_n3A_97 : i32
    %ge3A_99 = arith.constant 81328 : i32
    %ge3A_100 = arith.cmpi sge, %squeeze3A, %ge3A_99 : i32
    %jit3A_101 = arith.constant 1 : i32
    %jit3A_102 = arith.constant 0 : i32
    %select_n3A_103 = arith.select %ge3A_100, %jit3A_101, %jit3A_102 : i32
    %add3A_104 = arith.addi %add3A_98, %select_n3A_103 : i32
    %ge3A_105 = arith.constant 87584 : i32
    %ge3A_106 = arith.cmpi sge, %squeeze3A, %ge3A_105 : i32
    %jit3A_107 = arith.constant 1 : i32
    %jit3A_108 = arith.constant 0 : i32
    %select_n3A_109 = arith.select %ge3A_106, %jit3A_107, %jit3A_108 : i32
    %add3A_110 = arith.addi %add3A_104, %select_n3A_109 : i32
    %ge3A_111 = arith.constant 93840 : i32
    %ge3A_112 = arith.cmpi sge, %squeeze3A, %ge3A_111 : i32
    %jit3A_113 = arith.constant 1 : i32
    %jit3A_114 = arith.constant 0 : i32
    %select_n3A_115 = arith.select %ge3A_112, %jit3A_113, %jit3A_114 : i32
    %add3A_116 = arith.addi %add3A_110, %select_n3A_115 : i32
    %ge3A_117 = arith.constant 6256 : i32
    %ge3A_118 = arith.cmpi sge, %squeeze3A_28, %ge3A_117 : i32
    %jit3A_119 = arith.constant 1 : i32
    %jit3A_120 = arith.constant 0 : i32
    %select_n3A_121 = arith.select %ge3A_118, %jit3A_119, %jit3A_120 : i32
    %add3A_122 = arith.constant 0 : i32
    %add3A_123 = arith.addi %add3A_122, %select_n3A_121 : i32
    %ge3A_124 = arith.constant 12512 : i32
    %ge3A_125 = arith.cmpi sge, %squeeze3A_28, %ge3A_124 : i32
    %jit3A_126 = arith.constant 1 : i32
    %jit3A_127 = arith.constant 0 : i32
    %select_n3A_128 = arith.select %ge3A_125, %jit3A_126, %jit3A_127 : i32
    %add3A_129 = arith.addi %add3A_123, %select_n3A_128 : i32
    %ge3A_130 = arith.constant 18768 : i32
    %ge3A_131 = arith.cmpi sge, %squeeze3A_28, %ge3A_130 : i32
    %jit3A_132 = arith.constant 1 : i32
    %jit3A_133 = arith.constant 0 : i32
    %select_n3A_134 = arith.select %ge3A_131, %jit3A_132, %jit3A_133 : i32
    %add3A_135 = arith.addi %add3A_129, %select_n3A_134 : i32
    %ge3A_136 = arith.constant 25024 : i32
    %ge3A_137 = arith.cmpi sge, %squeeze3A_28, %ge3A_136 : i32
    %jit3A_138 = arith.constant 1 : i32
    %jit3A_139 = arith.constant 0 : i32
    %select_n3A_140 = arith.select %ge3A_137, %jit3A_138, %jit3A_139 : i32
    %add3A_141 = arith.addi %add3A_135, %select_n3A_140 : i32
    %ge3A_142 = arith.constant 31280 : i32
    %ge3A_143 = arith.cmpi sge, %squeeze3A_28, %ge3A_142 : i32
    %jit3A_144 = arith.constant 1 : i32
    %jit3A_145 = arith.constant 0 : i32
    %select_n3A_146 = arith.select %ge3A_143, %jit3A_144, %jit3A_145 : i32
    %add3A_147 = arith.addi %add3A_141, %select_n3A_146 : i32
    %ge3A_148 = arith.constant 37536 : i32
    %ge3A_149 = arith.cmpi sge, %squeeze3A_28, %ge3A_148 : i32
    %jit3A_150 = arith.constant 1 : i32
    %jit3A_151 = arith.constant 0 : i32
    %select_n3A_152 = arith.select %ge3A_149, %jit3A_150, %jit3A_151 : i32
    %add3A_153 = arith.addi %add3A_147, %select_n3A_152 : i32
    %ge3A_154 = arith.constant 43792 : i32
    %ge3A_155 = arith.cmpi sge, %squeeze3A_28, %ge3A_154 : i32
    %jit3A_156 = arith.constant 1 : i32
    %jit3A_157 = arith.constant 0 : i32
    %select_n3A_158 = arith.select %ge3A_155, %jit3A_156, %jit3A_157 : i32
    %add3A_159 = arith.addi %add3A_153, %select_n3A_158 : i32
    %ge3A_160 = arith.constant 50048 : i32
    %ge3A_161 = arith.cmpi sge, %squeeze3A_28, %ge3A_160 : i32
    %jit3A_162 = arith.constant 1 : i32
    %jit3A_163 = arith.constant 0 : i32
    %select_n3A_164 = arith.select %ge3A_161, %jit3A_162, %jit3A_163 : i32
    %add3A_165 = arith.addi %add3A_159, %select_n3A_164 : i32
    %ge3A_166 = arith.constant 56304 : i32
    %ge3A_167 = arith.cmpi sge, %squeeze3A_28, %ge3A_166 : i32
    %jit3A_168 = arith.constant 1 : i32
    %jit3A_169 = arith.constant 0 : i32
    %select_n3A_170 = arith.select %ge3A_167, %jit3A_168, %jit3A_169 : i32
    %add3A_171 = arith.addi %add3A_165, %select_n3A_170 : i32
    %ge3A_172 = arith.constant 62560 : i32
    %ge3A_173 = arith.cmpi sge, %squeeze3A_28, %ge3A_172 : i32
    %jit3A_174 = arith.constant 1 : i32
    %jit3A_175 = arith.constant 0 : i32
    %select_n3A_176 = arith.select %ge3A_173, %jit3A_174, %jit3A_175 : i32
    %add3A_177 = arith.addi %add3A_171, %select_n3A_176 : i32
    %ge3A_178 = arith.constant 68816 : i32
    %ge3A_179 = arith.cmpi sge, %squeeze3A_28, %ge3A_178 : i32
    %jit3A_180 = arith.constant 1 : i32
    %jit3A_181 = arith.constant 0 : i32
    %select_n3A_182 = arith.select %ge3A_179, %jit3A_180, %jit3A_181 : i32
    %add3A_183 = arith.addi %add3A_177, %select_n3A_182 : i32
    %ge3A_184 = arith.constant 75072 : i32
    %ge3A_185 = arith.cmpi sge, %squeeze3A_28, %ge3A_184 : i32
    %jit3A_186 = arith.constant 1 : i32
    %jit3A_187 = arith.constant 0 : i32
    %select_n3A_188 = arith.select %ge3A_185, %jit3A_186, %jit3A_187 : i32
    %add3A_189 = arith.addi %add3A_183, %select_n3A_188 : i32
    %ge3A_190 = arith.constant 81328 : i32
    %ge3A_191 = arith.cmpi sge, %squeeze3A_28, %ge3A_190 : i32
    %jit3A_192 = arith.constant 1 : i32
    %jit3A_193 = arith.constant 0 : i32
    %select_n3A_194 = arith.select %ge3A_191, %jit3A_192, %jit3A_193 : i32
    %add3A_195 = arith.addi %add3A_189, %select_n3A_194 : i32
    %ge3A_196 = arith.constant 87584 : i32
    %ge3A_197 = arith.cmpi sge, %squeeze3A_28, %ge3A_196 : i32
    %jit3A_198 = arith.constant 1 : i32
    %jit3A_199 = arith.constant 0 : i32
    %select_n3A_200 = arith.select %ge3A_197, %jit3A_198, %jit3A_199 : i32
    %add3A_201 = arith.addi %add3A_195, %select_n3A_200 : i32
    %ge3A_202 = arith.constant 93840 : i32
    %ge3A_203 = arith.cmpi sge, %squeeze3A_28, %ge3A_202 : i32
    %jit3A_204 = arith.constant 1 : i32
    %jit3A_205 = arith.constant 0 : i32
    %select_n3A_206 = arith.select %ge3A_203, %jit3A_204, %jit3A_205 : i32
    %add3A_207 = arith.addi %add3A_201, %select_n3A_206 : i32
    %add3A_208 = arith.constant 1 : i32
    %add3A_209 = arith.addi %add3A_207, %add3A_208 : i32
    %while3A = arith.constant 0 : i32
    %while3A_210 = arith.subi %add3A_209, %add3A_116 : i32
    %while3A_211 = arith.addi %add3A_116, %while3A_210 : i32
    %while3A_212 = arith.constant 1 : i32
    %while3A_213 = arith.divsi %while3A_210, %while3A_212 : i32
    %while3A_214 = arith.muli %while3A_213, %while3A_212 : i32
    %while3A_215 = arith.addi %add3A_116, %while3A_214 : i32
    %while3A_216 = arith.constant 1 : i32
    scf.for %while3A_429 = %add3A_116 to %while3A_215 step %while3A_216  : i32 {
      %mul3A_430 = arith.constant 6256 : i32
      %mul3A_431 = arith.muli %while3A_429, %mul3A_430 : i32
      %mul3A_432 = arith.constant 100096 : i32
      %mul3A_433 = arith.muli %add3A, %mul3A_432 : i32
      %mul3A_434 = arith.constant 6256 : i32
      %mul3A_435 = arith.muli %while3A_429, %mul3A_434 : i32
      %add3A_436 = arith.addi %mul3A_433, %mul3A_435 : i32
      "tpu.region"() ({
        %run_scoped3A = tpu.sem_alloc : memref<!tpu.dma_semaphore, #tpu.memory_space<semaphore_mem>>
        %dma_start3A_437 = tpu.memref_slice %arg15[%mul3A_431] : memref<100096xf32, #tpu.memory_space<vmem>> -> memref<6256xf32, #tpu.memory_space<vmem>>
        %dma_start3A_438 = tpu.memref_slice %arg4[%add3A_436] : memref<3203072xf32, #tpu.memory_space<hbm>> -> memref<6256xf32, #tpu.memory_space<hbm>>
        %dma_start3A_439 = tpu.memref_slice %arg4[%add3A_436] : memref<3203072xf32, #tpu.memory_space<hbm>> -> memref<6256xf32, #tpu.memory_space<hbm>>
        %dma_start3A_440 = tpu.memref_slice %arg15[%mul3A_431] : memref<100096xf32, #tpu.memory_space<vmem>> -> memref<6256xf32, #tpu.memory_space<vmem>>
        tpu.enqueue_dma source(%dma_start3A_440 : memref<6256xf32, #tpu.memory_space<vmem>>) target(%dma_start3A_439 : memref<6256xf32, #tpu.memory_space<hbm>>) target_semaphore(%run_scoped3A : memref<!tpu.dma_semaphore, #tpu.memory_space<semaphore_mem>>)
        %dma_wait3A = tpu.memref_slice %arg15[%mul3A_431] : memref<100096xf32, #tpu.memory_space<vmem>> -> memref<6256xf32, #tpu.memory_space<vmem>>
        %dma_wait3A_441 = tpu.memref_slice %arg4[%add3A_436] : memref<3203072xf32, #tpu.memory_space<hbm>> -> memref<6256xf32, #tpu.memory_space<hbm>>
        %dma_wait3A_442 = tpu.memref_slice %arg4[%add3A_436] : memref<3203072xf32, #tpu.memory_space<hbm>> -> memref<6256xf32, #tpu.memory_space<hbm>>
        %dma_wait3A_443 = tpu.memref_slice %arg15[%mul3A_431] : memref<100096xf32, #tpu.memory_space<vmem>> -> memref<6256xf32, #tpu.memory_space<vmem>>
        tpu.wait_dma2 semaphore(%run_scoped3A : memref<!tpu.dma_semaphore, #tpu.memory_space<semaphore_mem>>) src(%dma_wait3A_443 : memref<6256xf32, #tpu.memory_space<vmem>>) dst(%dma_wait3A_442 : memref<6256xf32, #tpu.memory_space<hbm>>)
        tpu.yield
      }) : () -> ()
    }
    %while3A_217 = arith.constant 1 : i32
    scf.for %while3A_429 = %while3A_215 to %while3A_211 step %while3A_217  : i32 {
      %mul3A_430 = arith.constant 6256 : i32
      %mul3A_431 = arith.muli %while3A_429, %mul3A_430 : i32
      %mul3A_432 = arith.constant 100096 : i32
      %mul3A_433 = arith.muli %add3A, %mul3A_432 : i32
      %mul3A_434 = arith.constant 6256 : i32
      %mul3A_435 = arith.muli %while3A_429, %mul3A_434 : i32
      %add3A_436 = arith.addi %mul3A_433, %mul3A_435 : i32
      "tpu.region"() ({
        %run_scoped3A = tpu.sem_alloc : memref<!tpu.dma_semaphore, #tpu.memory_space<semaphore_mem>>
        %dma_start3A_437 = tpu.memref_slice %arg15[%mul3A_431] : memref<100096xf32, #tpu.memory_space<vmem>> -> memref<6256xf32, #tpu.memory_space<vmem>>
        %dma_start3A_438 = tpu.memref_slice %arg4[%add3A_436] : memref<3203072xf32, #tpu.memory_space<hbm>> -> memref<6256xf32, #tpu.memory_space<hbm>>
        %dma_start3A_439 = tpu.memref_slice %arg4[%add3A_436] : memref<3203072xf32, #tpu.memory_space<hbm>> -> memref<6256xf32, #tpu.memory_space<hbm>>
        %dma_start3A_440 = tpu.memref_slice %arg15[%mul3A_431] : memref<100096xf32, #tpu.memory_space<vmem>> -> memref<6256xf32, #tpu.memory_space<vmem>>
        tpu.enqueue_dma source(%dma_start3A_440 : memref<6256xf32, #tpu.memory_space<vmem>>) target(%dma_start3A_439 : memref<6256xf32, #tpu.memory_space<hbm>>) target_semaphore(%run_scoped3A : memref<!tpu.dma_semaphore, #tpu.memory_space<semaphore_mem>>)
        %dma_wait3A = tpu.memref_slice %arg15[%mul3A_431] : memref<100096xf32, #tpu.memory_space<vmem>> -> memref<6256xf32, #tpu.memory_space<vmem>>
        %dma_wait3A_441 = tpu.memref_slice %arg4[%add3A_436] : memref<3203072xf32, #tpu.memory_space<hbm>> -> memref<6256xf32, #tpu.memory_space<hbm>>
        %dma_wait3A_442 = tpu.memref_slice %arg4[%add3A_436] : memref<3203072xf32, #tpu.memory_space<hbm>> -> memref<6256xf32, #tpu.memory_space<hbm>>
        %dma_wait3A_443 = tpu.memref_slice %arg15[%mul3A_431] : memref<100096xf32, #tpu.memory_space<vmem>> -> memref<6256xf32, #tpu.memory_space<vmem>>
        tpu.wait_dma2 semaphore(%run_scoped3A : memref<!tpu.dma_semaphore, #tpu.memory_space<semaphore_mem>>) src(%dma_wait3A_443 : memref<6256xf32, #tpu.memory_space<vmem>>) dst(%dma_wait3A_442 : memref<6256xf32, #tpu.memory_space<hbm>>)
        tpu.yield
      }) : () -> ()
    }
    %eq3A_218 = arith.constant 0 : i32
    %eq3A_219 = vector.broadcast %eq3A_218 : i32 to vector<16xi32>
    %eq3A_220 = arith.cmpi eq, %iota3A, %eq3A_219 : vector<16xi32>
    %eq3A_221 = arith.constant 1 : i32
    %eq3A_222 = vector.broadcast %eq3A_221 : i32 to vector<16xi32>
    %eq3A_223 = arith.cmpi eq, %iota3A, %eq3A_222 : vector<16xi32>
    %jit3A_224 = arith.constant 0 : i32
    %broadcast_in_dim3A_225 = vector.broadcast %add3A_207 : i32 to vector<16xi32>
    %broadcast_in_dim3A_226 = vector.broadcast %jit3A_224 : i32 to vector<16xi32>
    %select_n3A_227 = arith.select %eq3A_223, %broadcast_in_dim3A_225, %broadcast_in_dim3A_226 : vector<16xi1>, vector<16xi32>
    %broadcast_in_dim3A_228 = vector.broadcast %add3A_116 : i32 to vector<16xi32>
    %select_n3A_229 = arith.select %eq3A_220, %broadcast_in_dim3A_228, %select_n3A_227 : vector<16xi1>, vector<16xi32>
    %swap3A = arith.constant 0 : index
    %swap3A_230 = tpu.vector_load %arg7[%swap3A] {strides = array<i32>} : memref<4016xi32, #tpu.memory_space<vmem>>, vector<16xi32>,
    tpu.vector_store %arg7[%swap3A], %select_n3A_229 {strides = array<i32>} : memref<4016xi32, #tpu.memory_space<vmem>>, vector<16xi32>,
    %mul3A_231 = arith.constant 16 : i32
    %mul3A_232 = arith.muli %arg1, %mul3A_231 : i32
    "tpu.region"() ({
      %run_scoped3A = tpu.sem_alloc : memref<!tpu.dma_semaphore, #tpu.memory_space<semaphore_mem>>
      %dma_start3A_429 = arith.constant 0 : i32
      %dma_start3A_430 = tpu.memref_slice %arg7[%dma_start3A_429] : memref<4016xi32, #tpu.memory_space<vmem>> -> memref<16xi32, #tpu.memory_space<vmem>>
      %dma_start3A_431 = tpu.memref_slice %arg12[%mul3A_232] : memref<256xi32, #tpu.memory_space<vmem_shared>> -> memref<16xi32, #tpu.memory_space<vmem_shared>>
      %dma_start3A_432 = tpu.memref_slice %arg12[%mul3A_232] : memref<256xi32, #tpu.memory_space<vmem_shared>> -> memref<16xi32, #tpu.memory_space<vmem_shared>>
      %dma_start3A_433 = arith.constant 0 : i32
      %dma_start3A_434 = tpu.memref_slice %arg7[%dma_start3A_433] : memref<4016xi32, #tpu.memory_space<vmem>> -> memref<16xi32, #tpu.memory_space<vmem>>
      tpu.enqueue_dma source(%dma_start3A_434 : memref<16xi32, #tpu.memory_space<vmem>>) target(%dma_start3A_432 : memref<16xi32, #tpu.memory_space<vmem_shared>>) target_semaphore(%run_scoped3A : memref<!tpu.dma_semaphore, #tpu.memory_space<semaphore_mem>>)
      %dma_wait3A = arith.constant 0 : i32
      %dma_wait3A_435 = tpu.memref_slice %arg7[%dma_wait3A] : memref<4016xi32, #tpu.memory_space<vmem>> -> memref<16xi32, #tpu.memory_space<vmem>>
      %dma_wait3A_436 = tpu.memref_slice %arg12[%mul3A_232] : memref<256xi32, #tpu.memory_space<vmem_shared>> -> memref<16xi32, #tpu.memory_space<vmem_shared>>
      %dma_wait3A_437 = tpu.memref_slice %arg12[%mul3A_232] : memref<256xi32, #tpu.memory_space<vmem_shared>> -> memref<16xi32, #tpu.memory_space<vmem_shared>>
      %dma_wait3A_438 = arith.constant 0 : i32
      %dma_wait3A_439 = tpu.memref_slice %arg7[%dma_wait3A_438] : memref<4016xi32, #tpu.memory_space<vmem>> -> memref<16xi32, #tpu.memory_space<vmem>>
      tpu.wait_dma2 semaphore(%run_scoped3A : memref<!tpu.dma_semaphore, #tpu.memory_space<semaphore_mem>>) src(%dma_wait3A_439 : memref<16xi32, #tpu.memory_space<vmem>>) dst(%dma_wait3A_437 : memref<16xi32, #tpu.memory_space<vmem_shared>>)
      tpu.yield
    }) : () -> ()
    %barrier3A = arith.constant 0 : index
    tpu.barrier barrier_id(%barrier3A)
    "tpu.region"() ({
      %run_scoped3A = tpu.sem_alloc : memref<!tpu.dma_semaphore, #tpu.memory_space<semaphore_mem>>
      %dma_start3A_429 = arith.constant 0 : i32
      %dma_start3A_430 = tpu.memref_slice %arg6[%dma_start3A_429] : memref<4016xi32, #tpu.memory_space<vmem>> -> memref<256xi32, #tpu.memory_space<vmem>>
      %dma_start3A_431 = arith.constant 0 : i32
      %dma_start3A_432 = tpu.memref_slice %arg6[%dma_start3A_431] : memref<4016xi32, #tpu.memory_space<vmem>> -> memref<256xi32, #tpu.memory_space<vmem>>
      tpu.enqueue_dma source(%arg12 : memref<256xi32, #tpu.memory_space<vmem_shared>>) target(%dma_start3A_432 : memref<256xi32, #tpu.memory_space<vmem>>) target_semaphore(%run_scoped3A : memref<!tpu.dma_semaphore, #tpu.memory_space<semaphore_mem>>)
      %dma_wait3A = arith.constant 0 : i32
      %dma_wait3A_433 = tpu.memref_slice %arg6[%dma_wait3A] : memref<4016xi32, #tpu.memory_space<vmem>> -> memref<256xi32, #tpu.memory_space<vmem>>
      %dma_wait3A_434 = arith.constant 0 : i32
      %dma_wait3A_435 = tpu.memref_slice %arg6[%dma_wait3A_434] : memref<4016xi32, #tpu.memory_space<vmem>> -> memref<256xi32, #tpu.memory_space<vmem>>
      tpu.wait_dma2 semaphore(%run_scoped3A : memref<!tpu.dma_semaphore, #tpu.memory_space<semaphore_mem>>) src(%arg12 : memref<256xi32, #tpu.memory_space<vmem_shared>>) dst(%dma_wait3A_435 : memref<256xi32, #tpu.memory_space<vmem>>)
      tpu.yield
    }) : () -> ()
    %parallel_loop3A_233 = arith.constant 0 : i32
    %parallel_loop3A_234 = arith.constant 6256 : i32
    %parallel_loop3A_235 = arith.constant 16 : i32
    scf.for %parallel_loop3A_429 = %parallel_loop3A_233 to %parallel_loop3A_234 step %parallel_loop3A_235  : i32 {
      %parallel_loop3A_430 = arith.index_cast %parallel_loop3A_429 : i32 to index
      %parallel_loop3A_431 = tpu.vector_load %arg10[%parallel_loop3A_430] {strides = array<i32>} : memref<6256xf32, #tpu.memory_space<vmem>>, vector<16xf32>,
      tpu.vector_store %arg10[%parallel_loop3A_430], %broadcast_in_dim3A_12 {strides = array<i32>} : memref<6256xf32, #tpu.memory_space<vmem>>, vector<16xf32>,
    } {sc.loop_unroll_factor = 8 : i64, sc.parallel_access}
    %mul3A_236 = arith.constant 6256 : i32
    %mul3A_237 = arith.muli %arg1, %mul3A_236 : i32
    %get3A_238 = arith.constant 0 : index
    %get3A_239 = tpu.vector_load %arg6[%get3A_238] {strides = array<i32>} : memref<4016xi32, #tpu.memory_space<vmem>>, vector<16xi32>,
    %slice3A_240 = vector.extract_strided_slice %get3A_239 {offsets = [0], sizes = [1], strides = [1]} : vector<16xi32> to vector<1xi32>
    %squeeze3A_241 = vector.extract %slice3A_240[0] : i32 from vector<1xi32>
    %slice3A_242 = vector.extract_strided_slice %get3A_239 {offsets = [1], sizes = [1], strides = [1]} : vector<16xi32> to vector<1xi32>
    %squeeze3A_243 = vector.extract %slice3A_242[0] : i32 from vector<1xi32>
    %le3A = arith.cmpi sle, %squeeze3A_241, %arg1 : i32
    %le3A_244 = arith.cmpi sle, %arg1, %squeeze3A_243 : i32
    %and3A = arith.andi %le3A, %le3A_244 : i1
    %convert_element_type3A = arith.extui %and3A : i1 to i32
    %cond3A = arith.constant 0 : i32
    %cond3A_245 = arith.cmpi ne, %convert_element_type3A, %cond3A : i32
    scf.if %cond3A_245 {
      %mul3A_429 = arith.constant 16 : i32
      %mul3A_430 = arith.muli %arg0, %mul3A_429 : i32
      %add3A_431 = arith.constant 0 : i32
      %add3A_432 = arith.addi %mul3A_430, %add3A_431 : i32
      %mul3A_433 = arith.constant 100096 : i32
      %mul3A_434 = arith.muli %add3A_432, %mul3A_433 : i32
      %add3A_435 = arith.addi %mul3A_434, %mul3A_237 : i32
      "tpu.region"() ({
        %run_scoped3A = tpu.sem_alloc : memref<!tpu.dma_semaphore, #tpu.memory_space<semaphore_mem>>
        %dma_start3A_439 = tpu.memref_slice %arg4[%add3A_435] : memref<3203072xf32, #tpu.memory_space<hbm>> -> memref<6256xf32, #tpu.memory_space<hbm>>
        %dma_start3A_440 = tpu.memref_slice %arg4[%add3A_435] : memref<3203072xf32, #tpu.memory_space<hbm>> -> memref<6256xf32, #tpu.memory_space<hbm>>
        tpu.enqueue_dma source(%dma_start3A_440 : memref<6256xf32, #tpu.memory_space<hbm>>) target(%arg11 : memref<6256xf32, #tpu.memory_space<vmem>>) target_semaphore(%run_scoped3A : memref<!tpu.dma_semaphore, #tpu.memory_space<semaphore_mem>>)
        %dma_wait3A = tpu.memref_slice %arg4[%add3A_435] : memref<3203072xf32, #tpu.memory_space<hbm>> -> memref<6256xf32, #tpu.memory_space<hbm>>
        %dma_wait3A_441 = tpu.memref_slice %arg4[%add3A_435] : memref<3203072xf32, #tpu.memory_space<hbm>> -> memref<6256xf32, #tpu.memory_space<hbm>>
        tpu.wait_dma2 semaphore(%run_scoped3A : memref<!tpu.dma_semaphore, #tpu.memory_space<semaphore_mem>>) src(%dma_wait3A_441 : memref<6256xf32, #tpu.memory_space<hbm>>) dst(%arg11 : memref<6256xf32, #tpu.memory_space<vmem>>)
        tpu.yield
      }) : () -> ()
      %parallel_loop3A_436 = arith.constant 0 : i32
      %parallel_loop3A_437 = arith.constant 6256 : i32
      %parallel_loop3A_438 = arith.constant 16 : i32
      scf.for %parallel_loop3A_439 = %parallel_loop3A_436 to %parallel_loop3A_437 step %parallel_loop3A_438  : i32 {
        %parallel_loop3A_440 = arith.index_cast %parallel_loop3A_439 : i32 to index
        %parallel_loop3A_441 = tpu.vector_load %arg10[%parallel_loop3A_440] {strides = array<i32>} : memref<6256xf32, #tpu.memory_space<vmem>>, vector<16xf32>,
        %parallel_loop3A_442 = arith.index_cast %parallel_loop3A_439 : i32 to index
        %parallel_loop3A_443 = tpu.vector_load %arg11[%parallel_loop3A_442] {strides = array<i32>} : memref<6256xf32, #tpu.memory_space<vmem>>, vector<16xf32>,
        %parallel_loop3A_444 = arith.addf %parallel_loop3A_441, %parallel_loop3A_443 : vector<16xf32>
        %parallel_loop3A_445 = arith.index_cast %parallel_loop3A_439 : i32 to index
        %parallel_loop3A_446 = tpu.vector_load %arg10[%parallel_loop3A_445] {strides = array<i32>} : memref<6256xf32, #tpu.memory_space<vmem>>, vector<16xf32>,
        tpu.vector_store %arg10[%parallel_loop3A_445], %parallel_loop3A_444 {strides = array<i32>} : memref<6256xf32, #tpu.memory_space<vmem>>, vector<16xf32>,
      } {sc.loop_unroll_factor = 8 : i64, sc.parallel_access}
    } else {
    }
    %get3A_246 = arith.constant 16 : index
    %get3A_247 = tpu.vector_load %arg6[%get3A_246] {strides = array<i32>} : memref<4016xi32, #tpu.memory_space<vmem>>, vector<16xi32>,
    %slice3A_248 = vector.extract_strided_slice %get3A_247 {offsets = [0], sizes = [1], strides = [1]} : vector<16xi32> to vector<1xi32>
    %squeeze3A_249 = vector.extract %slice3A_248[0] : i32 from vector<1xi32>
    %slice3A_250 = vector.extract_strided_slice %get3A_247 {offsets = [1], sizes = [1], strides = [1]} : vector<16xi32> to vector<1xi32>
    %squeeze3A_251 = vector.extract %slice3A_250[0] : i32 from vector<1xi32>
    %le3A_252 = arith.cmpi sle, %squeeze3A_249, %arg1 : i32
    %le3A_253 = arith.cmpi sle, %arg1, %squeeze3A_251 : i32
    %and3A_254 = arith.andi %le3A_252, %le3A_253 : i1
    %convert_element_type3A_255 = arith.extui %and3A_254 : i1 to i32
    %cond3A_256 = arith.constant 0 : i32
    %cond3A_257 = arith.cmpi ne, %convert_element_type3A_255, %cond3A_256 : i32
    scf.if %cond3A_257 {
      %mul3A_429 = arith.constant 16 : i32
      %mul3A_430 = arith.muli %arg0, %mul3A_429 : i32
      %add3A_431 = arith.constant 1 : i32
      %add3A_432 = arith.addi %mul3A_430, %add3A_431 : i32
      %mul3A_433 = arith.constant 100096 : i32
      %mul3A_434 = arith.muli %add3A_432, %mul3A_433 : i32
      %add3A_435 = arith.addi %mul3A_434, %mul3A_237 : i32
      "tpu.region"() ({
        %run_scoped3A = tpu.sem_alloc : memref<!tpu.dma_semaphore, #tpu.memory_space<semaphore_mem>>
        %dma_start3A_439 = tpu.memref_slice %arg4[%add3A_435] : memref<3203072xf32, #tpu.memory_space<hbm>> -> memref<6256xf32, #tpu.memory_space<hbm>>
        %dma_start3A_440 = tpu.memref_slice %arg4[%add3A_435] : memref<3203072xf32, #tpu.memory_space<hbm>> -> memref<6256xf32, #tpu.memory_space<hbm>>
        tpu.enqueue_dma source(%dma_start3A_440 : memref<6256xf32, #tpu.memory_space<hbm>>) target(%arg11 : memref<6256xf32, #tpu.memory_space<vmem>>) target_semaphore(%run_scoped3A : memref<!tpu.dma_semaphore, #tpu.memory_space<semaphore_mem>>)
        %dma_wait3A = tpu.memref_slice %arg4[%add3A_435] : memref<3203072xf32, #tpu.memory_space<hbm>> -> memref<6256xf32, #tpu.memory_space<hbm>>
        %dma_wait3A_441 = tpu.memref_slice %arg4[%add3A_435] : memref<3203072xf32, #tpu.memory_space<hbm>> -> memref<6256xf32, #tpu.memory_space<hbm>>
        tpu.wait_dma2 semaphore(%run_scoped3A : memref<!tpu.dma_semaphore, #tpu.memory_space<semaphore_mem>>) src(%dma_wait3A_441 : memref<6256xf32, #tpu.memory_space<hbm>>) dst(%arg11 : memref<6256xf32, #tpu.memory_space<vmem>>)
        tpu.yield
      }) : () -> ()
      %parallel_loop3A_436 = arith.constant 0 : i32
      %parallel_loop3A_437 = arith.constant 6256 : i32
      %parallel_loop3A_438 = arith.constant 16 : i32
      scf.for %parallel_loop3A_439 = %parallel_loop3A_436 to %parallel_loop3A_437 step %parallel_loop3A_438  : i32 {
        %parallel_loop3A_440 = arith.index_cast %parallel_loop3A_439 : i32 to index
        %parallel_loop3A_441 = tpu.vector_load %arg10[%parallel_loop3A_440] {strides = array<i32>} : memref<6256xf32, #tpu.memory_space<vmem>>, vector<16xf32>,
        %parallel_loop3A_442 = arith.index_cast %parallel_loop3A_439 : i32 to index
        %parallel_loop3A_443 = tpu.vector_load %arg11[%parallel_loop3A_442] {strides = array<i32>} : memref<6256xf32, #tpu.memory_space<vmem>>, vector<16xf32>,
        %parallel_loop3A_444 = arith.addf %parallel_loop3A_441, %parallel_loop3A_443 : vector<16xf32>
        %parallel_loop3A_445 = arith.index_cast %parallel_loop3A_439 : i32 to index
        %parallel_loop3A_446 = tpu.vector_load %arg10[%parallel_loop3A_445] {strides = array<i32>} : memref<6256xf32, #tpu.memory_space<vmem>>, vector<16xf32>,
        tpu.vector_store %arg10[%parallel_loop3A_445], %parallel_loop3A_444 {strides = array<i32>} : memref<6256xf32, #tpu.memory_space<vmem>>, vector<16xf32>,
      } {sc.loop_unroll_factor = 8 : i64, sc.parallel_access}
    } else {
    }
    %get3A_258 = arith.constant 32 : index
    %get3A_259 = tpu.vector_load %arg6[%get3A_258] {strides = array<i32>} : memref<4016xi32, #tpu.memory_space<vmem>>, vector<16xi32>,
    %slice3A_260 = vector.extract_strided_slice %get3A_259 {offsets = [0], sizes = [1], strides = [1]} : vector<16xi32> to vector<1xi32>
    %squeeze3A_261 = vector.extract %slice3A_260[0] : i32 from vector<1xi32>
    %slice3A_262 = vector.extract_strided_slice %get3A_259 {offsets = [1], sizes = [1], strides = [1]} : vector<16xi32> to vector<1xi32>
    %squeeze3A_263 = vector.extract %slice3A_262[0] : i32 from vector<1xi32>
    %le3A_264 = arith.cmpi sle, %squeeze3A_261, %arg1 : i32
    %le3A_265 = arith.cmpi sle, %arg1, %squeeze3A_263 : i32
    %and3A_266 = arith.andi %le3A_264, %le3A_265 : i1
    %convert_element_type3A_267 = arith.extui %and3A_266 : i1 to i32
    %cond3A_268 = arith.constant 0 : i32
    %cond3A_269 = arith.cmpi ne, %convert_element_type3A_267, %cond3A_268 : i32
    scf.if %cond3A_269 {
      %mul3A_429 = arith.constant 16 : i32
      %mul3A_430 = arith.muli %arg0, %mul3A_429 : i32
      %add3A_431 = arith.constant 2 : i32
      %add3A_432 = arith.addi %mul3A_430, %add3A_431 : i32
      %mul3A_433 = arith.constant 100096 : i32
      %mul3A_434 = arith.muli %add3A_432, %mul3A_433 : i32
      %add3A_435 = arith.addi %mul3A_434, %mul3A_237 : i32
      "tpu.region"() ({
        %run_scoped3A = tpu.sem_alloc : memref<!tpu.dma_semaphore, #tpu.memory_space<semaphore_mem>>
        %dma_start3A_439 = tpu.memref_slice %arg4[%add3A_435] : memref<3203072xf32, #tpu.memory_space<hbm>> -> memref<6256xf32, #tpu.memory_space<hbm>>
        %dma_start3A_440 = tpu.memref_slice %arg4[%add3A_435] : memref<3203072xf32, #tpu.memory_space<hbm>> -> memref<6256xf32, #tpu.memory_space<hbm>>
        tpu.enqueue_dma source(%dma_start3A_440 : memref<6256xf32, #tpu.memory_space<hbm>>) target(%arg11 : memref<6256xf32, #tpu.memory_space<vmem>>) target_semaphore(%run_scoped3A : memref<!tpu.dma_semaphore, #tpu.memory_space<semaphore_mem>>)
        %dma_wait3A = tpu.memref_slice %arg4[%add3A_435] : memref<3203072xf32, #tpu.memory_space<hbm>> -> memref<6256xf32, #tpu.memory_space<hbm>>
        %dma_wait3A_441 = tpu.memref_slice %arg4[%add3A_435] : memref<3203072xf32, #tpu.memory_space<hbm>> -> memref<6256xf32, #tpu.memory_space<hbm>>
        tpu.wait_dma2 semaphore(%run_scoped3A : memref<!tpu.dma_semaphore, #tpu.memory_space<semaphore_mem>>) src(%dma_wait3A_441 : memref<6256xf32, #tpu.memory_space<hbm>>) dst(%arg11 : memref<6256xf32, #tpu.memory_space<vmem>>)
        tpu.yield
      }) : () -> ()
      %parallel_loop3A_436 = arith.constant 0 : i32
      %parallel_loop3A_437 = arith.constant 6256 : i32
      %parallel_loop3A_438 = arith.constant 16 : i32
      scf.for %parallel_loop3A_439 = %parallel_loop3A_436 to %parallel_loop3A_437 step %parallel_loop3A_438  : i32 {
        %parallel_loop3A_440 = arith.index_cast %parallel_loop3A_439 : i32 to index
        %parallel_loop3A_441 = tpu.vector_load %arg10[%parallel_loop3A_440] {strides = array<i32>} : memref<6256xf32, #tpu.memory_space<vmem>>, vector<16xf32>,
        %parallel_loop3A_442 = arith.index_cast %parallel_loop3A_439 : i32 to index
        %parallel_loop3A_443 = tpu.vector_load %arg11[%parallel_loop3A_442] {strides = array<i32>} : memref<6256xf32, #tpu.memory_space<vmem>>, vector<16xf32>,
        %parallel_loop3A_444 = arith.addf %parallel_loop3A_441, %parallel_loop3A_443 : vector<16xf32>
        %parallel_loop3A_445 = arith.index_cast %parallel_loop3A_439 : i32 to index
        %parallel_loop3A_446 = tpu.vector_load %arg10[%parallel_loop3A_445] {strides = array<i32>} : memref<6256xf32, #tpu.memory_space<vmem>>, vector<16xf32>,
        tpu.vector_store %arg10[%parallel_loop3A_445], %parallel_loop3A_444 {strides = array<i32>} : memref<6256xf32, #tpu.memory_space<vmem>>, vector<16xf32>,
      } {sc.loop_unroll_factor = 8 : i64, sc.parallel_access}
    } else {
    }
    %get3A_270 = arith.constant 48 : index
    %get3A_271 = tpu.vector_load %arg6[%get3A_270] {strides = array<i32>} : memref<4016xi32, #tpu.memory_space<vmem>>, vector<16xi32>,
    %slice3A_272 = vector.extract_strided_slice %get3A_271 {offsets = [0], sizes = [1], strides = [1]} : vector<16xi32> to vector<1xi32>
    %squeeze3A_273 = vector.extract %slice3A_272[0] : i32 from vector<1xi32>
    %slice3A_274 = vector.extract_strided_slice %get3A_271 {offsets = [1], sizes = [1], strides = [1]} : vector<16xi32> to vector<1xi32>
    %squeeze3A_275 = vector.extract %slice3A_274[0] : i32 from vector<1xi32>
    %le3A_276 = arith.cmpi sle, %squeeze3A_273, %arg1 : i32
    %le3A_277 = arith.cmpi sle, %arg1, %squeeze3A_275 : i32
    %and3A_278 = arith.andi %le3A_276, %le3A_277 : i1
    %convert_element_type3A_279 = arith.extui %and3A_278 : i1 to i32
    %cond3A_280 = arith.constant 0 : i32
    %cond3A_281 = arith.cmpi ne, %convert_element_type3A_279, %cond3A_280 : i32
    scf.if %cond3A_281 {
      %mul3A_429 = arith.constant 16 : i32
      %mul3A_430 = arith.muli %arg0, %mul3A_429 : i32
      %add3A_431 = arith.constant 3 : i32
      %add3A_432 = arith.addi %mul3A_430, %add3A_431 : i32
      %mul3A_433 = arith.constant 100096 : i32
      %mul3A_434 = arith.muli %add3A_432, %mul3A_433 : i32
      %add3A_435 = arith.addi %mul3A_434, %mul3A_237 : i32
      "tpu.region"() ({
        %run_scoped3A = tpu.sem_alloc : memref<!tpu.dma_semaphore, #tpu.memory_space<semaphore_mem>>
        %dma_start3A_439 = tpu.memref_slice %arg4[%add3A_435] : memref<3203072xf32, #tpu.memory_space<hbm>> -> memref<6256xf32, #tpu.memory_space<hbm>>
        %dma_start3A_440 = tpu.memref_slice %arg4[%add3A_435] : memref<3203072xf32, #tpu.memory_space<hbm>> -> memref<6256xf32, #tpu.memory_space<hbm>>
        tpu.enqueue_dma source(%dma_start3A_440 : memref<6256xf32, #tpu.memory_space<hbm>>) target(%arg11 : memref<6256xf32, #tpu.memory_space<vmem>>) target_semaphore(%run_scoped3A : memref<!tpu.dma_semaphore, #tpu.memory_space<semaphore_mem>>)
        %dma_wait3A = tpu.memref_slice %arg4[%add3A_435] : memref<3203072xf32, #tpu.memory_space<hbm>> -> memref<6256xf32, #tpu.memory_space<hbm>>
        %dma_wait3A_441 = tpu.memref_slice %arg4[%add3A_435] : memref<3203072xf32, #tpu.memory_space<hbm>> -> memref<6256xf32, #tpu.memory_space<hbm>>
        tpu.wait_dma2 semaphore(%run_scoped3A : memref<!tpu.dma_semaphore, #tpu.memory_space<semaphore_mem>>) src(%dma_wait3A_441 : memref<6256xf32, #tpu.memory_space<hbm>>) dst(%arg11 : memref<6256xf32, #tpu.memory_space<vmem>>)
        tpu.yield
      }) : () -> ()
      %parallel_loop3A_436 = arith.constant 0 : i32
      %parallel_loop3A_437 = arith.constant 6256 : i32
      %parallel_loop3A_438 = arith.constant 16 : i32
      scf.for %parallel_loop3A_439 = %parallel_loop3A_436 to %parallel_loop3A_437 step %parallel_loop3A_438  : i32 {
        %parallel_loop3A_440 = arith.index_cast %parallel_loop3A_439 : i32 to index
        %parallel_loop3A_441 = tpu.vector_load %arg10[%parallel_loop3A_440] {strides = array<i32>} : memref<6256xf32, #tpu.memory_space<vmem>>, vector<16xf32>,
        %parallel_loop3A_442 = arith.index_cast %parallel_loop3A_439 : i32 to index
        %parallel_loop3A_443 = tpu.vector_load %arg11[%parallel_loop3A_442] {strides = array<i32>} : memref<6256xf32, #tpu.memory_space<vmem>>, vector<16xf32>,
        %parallel_loop3A_444 = arith.addf %parallel_loop3A_441, %parallel_loop3A_443 : vector<16xf32>
        %parallel_loop3A_445 = arith.index_cast %parallel_loop3A_439 : i32 to index
        %parallel_loop3A_446 = tpu.vector_load %arg10[%parallel_loop3A_445] {strides = array<i32>} : memref<6256xf32, #tpu.memory_space<vmem>>, vector<16xf32>,
        tpu.vector_store %arg10[%parallel_loop3A_445], %parallel_loop3A_444 {strides = array<i32>} : memref<6256xf32, #tpu.memory_space<vmem>>, vector<16xf32>,
      } {sc.loop_unroll_factor = 8 : i64, sc.parallel_access}
    } else {
    }
    %get3A_282 = arith.constant 64 : index
    %get3A_283 = tpu.vector_load %arg6[%get3A_282] {strides = array<i32>} : memref<4016xi32, #tpu.memory_space<vmem>>, vector<16xi32>,
    %slice3A_284 = vector.extract_strided_slice %get3A_283 {offsets = [0], sizes = [1], strides = [1]} : vector<16xi32> to vector<1xi32>
    %squeeze3A_285 = vector.extract %slice3A_284[0] : i32 from vector<1xi32>
    %slice3A_286 = vector.extract_strided_slice %get3A_283 {offsets = [1], sizes = [1], strides = [1]} : vector<16xi32> to vector<1xi32>
    %squeeze3A_287 = vector.extract %slice3A_286[0] : i32 from vector<1xi32>
    %le3A_288 = arith.cmpi sle, %squeeze3A_285, %arg1 : i32
    %le3A_289 = arith.cmpi sle, %arg1, %squeeze3A_287 : i32
    %and3A_290 = arith.andi %le3A_288, %le3A_289 : i1
    %convert_element_type3A_291 = arith.extui %and3A_290 : i1 to i32
    %cond3A_292 = arith.constant 0 : i32
    %cond3A_293 = arith.cmpi ne, %convert_element_type3A_291, %cond3A_292 : i32
    scf.if %cond3A_293 {
      %mul3A_429 = arith.constant 16 : i32
      %mul3A_430 = arith.muli %arg0, %mul3A_429 : i32
      %add3A_431 = arith.constant 4 : i32
      %add3A_432 = arith.addi %mul3A_430, %add3A_431 : i32
      %mul3A_433 = arith.constant 100096 : i32
      %mul3A_434 = arith.muli %add3A_432, %mul3A_433 : i32
      %add3A_435 = arith.addi %mul3A_434, %mul3A_237 : i32
      "tpu.region"() ({
        %run_scoped3A = tpu.sem_alloc : memref<!tpu.dma_semaphore, #tpu.memory_space<semaphore_mem>>
        %dma_start3A_439 = tpu.memref_slice %arg4[%add3A_435] : memref<3203072xf32, #tpu.memory_space<hbm>> -> memref<6256xf32, #tpu.memory_space<hbm>>
        %dma_start3A_440 = tpu.memref_slice %arg4[%add3A_435] : memref<3203072xf32, #tpu.memory_space<hbm>> -> memref<6256xf32, #tpu.memory_space<hbm>>
        tpu.enqueue_dma source(%dma_start3A_440 : memref<6256xf32, #tpu.memory_space<hbm>>) target(%arg11 : memref<6256xf32, #tpu.memory_space<vmem>>) target_semaphore(%run_scoped3A : memref<!tpu.dma_semaphore, #tpu.memory_space<semaphore_mem>>)
        %dma_wait3A = tpu.memref_slice %arg4[%add3A_435] : memref<3203072xf32, #tpu.memory_space<hbm>> -> memref<6256xf32, #tpu.memory_space<hbm>>
        %dma_wait3A_441 = tpu.memref_slice %arg4[%add3A_435] : memref<3203072xf32, #tpu.memory_space<hbm>> -> memref<6256xf32, #tpu.memory_space<hbm>>
        tpu.wait_dma2 semaphore(%run_scoped3A : memref<!tpu.dma_semaphore, #tpu.memory_space<semaphore_mem>>) src(%dma_wait3A_441 : memref<6256xf32, #tpu.memory_space<hbm>>) dst(%arg11 : memref<6256xf32, #tpu.memory_space<vmem>>)
        tpu.yield
      }) : () -> ()
      %parallel_loop3A_436 = arith.constant 0 : i32
      %parallel_loop3A_437 = arith.constant 6256 : i32
      %parallel_loop3A_438 = arith.constant 16 : i32
      scf.for %parallel_loop3A_439 = %parallel_loop3A_436 to %parallel_loop3A_437 step %parallel_loop3A_438  : i32 {
        %parallel_loop3A_440 = arith.index_cast %parallel_loop3A_439 : i32 to index
        %parallel_loop3A_441 = tpu.vector_load %arg10[%parallel_loop3A_440] {strides = array<i32>} : memref<6256xf32, #tpu.memory_space<vmem>>, vector<16xf32>,
        %parallel_loop3A_442 = arith.index_cast %parallel_loop3A_439 : i32 to index
        %parallel_loop3A_443 = tpu.vector_load %arg11[%parallel_loop3A_442] {strides = array<i32>} : memref<6256xf32, #tpu.memory_space<vmem>>, vector<16xf32>,
        %parallel_loop3A_444 = arith.addf %parallel_loop3A_441, %parallel_loop3A_443 : vector<16xf32>
        %parallel_loop3A_445 = arith.index_cast %parallel_loop3A_439 : i32 to index
        %parallel_loop3A_446 = tpu.vector_load %arg10[%parallel_loop3A_445] {strides = array<i32>} : memref<6256xf32, #tpu.memory_space<vmem>>, vector<16xf32>,
        tpu.vector_store %arg10[%parallel_loop3A_445], %parallel_loop3A_444 {strides = array<i32>} : memref<6256xf32, #tpu.memory_space<vmem>>, vector<16xf32>,
      } {sc.loop_unroll_factor = 8 : i64, sc.parallel_access}
    } else {
    }
    %get3A_294 = arith.constant 80 : index
    %get3A_295 = tpu.vector_load %arg6[%get3A_294] {strides = array<i32>} : memref<4016xi32, #tpu.memory_space<vmem>>, vector<16xi32>,
    %slice3A_296 = vector.extract_strided_slice %get3A_295 {offsets = [0], sizes = [1], strides = [1]} : vector<16xi32> to vector<1xi32>
    %squeeze3A_297 = vector.extract %slice3A_296[0] : i32 from vector<1xi32>
    %slice3A_298 = vector.extract_strided_slice %get3A_295 {offsets = [1], sizes = [1], strides = [1]} : vector<16xi32> to vector<1xi32>
    %squeeze3A_299 = vector.extract %slice3A_298[0] : i32 from vector<1xi32>
    %le3A_300 = arith.cmpi sle, %squeeze3A_297, %arg1 : i32
    %le3A_301 = arith.cmpi sle, %arg1, %squeeze3A_299 : i32
    %and3A_302 = arith.andi %le3A_300, %le3A_301 : i1
    %convert_element_type3A_303 = arith.extui %and3A_302 : i1 to i32
    %cond3A_304 = arith.constant 0 : i32
    %cond3A_305 = arith.cmpi ne, %convert_element_type3A_303, %cond3A_304 : i32
    scf.if %cond3A_305 {
      %mul3A_429 = arith.constant 16 : i32
      %mul3A_430 = arith.muli %arg0, %mul3A_429 : i32
      %add3A_431 = arith.constant 5 : i32
      %add3A_432 = arith.addi %mul3A_430, %add3A_431 : i32
      %mul3A_433 = arith.constant 100096 : i32
      %mul3A_434 = arith.muli %add3A_432, %mul3A_433 : i32
      %add3A_435 = arith.addi %mul3A_434, %mul3A_237 : i32
      "tpu.region"() ({
        %run_scoped3A = tpu.sem_alloc : memref<!tpu.dma_semaphore, #tpu.memory_space<semaphore_mem>>
        %dma_start3A_439 = tpu.memref_slice %arg4[%add3A_435] : memref<3203072xf32, #tpu.memory_space<hbm>> -> memref<6256xf32, #tpu.memory_space<hbm>>
        %dma_start3A_440 = tpu.memref_slice %arg4[%add3A_435] : memref<3203072xf32, #tpu.memory_space<hbm>> -> memref<6256xf32, #tpu.memory_space<hbm>>
        tpu.enqueue_dma source(%dma_start3A_440 : memref<6256xf32, #tpu.memory_space<hbm>>) target(%arg11 : memref<6256xf32, #tpu.memory_space<vmem>>) target_semaphore(%run_scoped3A : memref<!tpu.dma_semaphore, #tpu.memory_space<semaphore_mem>>)
        %dma_wait3A = tpu.memref_slice %arg4[%add3A_435] : memref<3203072xf32, #tpu.memory_space<hbm>> -> memref<6256xf32, #tpu.memory_space<hbm>>
        %dma_wait3A_441 = tpu.memref_slice %arg4[%add3A_435] : memref<3203072xf32, #tpu.memory_space<hbm>> -> memref<6256xf32, #tpu.memory_space<hbm>>
        tpu.wait_dma2 semaphore(%run_scoped3A : memref<!tpu.dma_semaphore, #tpu.memory_space<semaphore_mem>>) src(%dma_wait3A_441 : memref<6256xf32, #tpu.memory_space<hbm>>) dst(%arg11 : memref<6256xf32, #tpu.memory_space<vmem>>)
        tpu.yield
      }) : () -> ()
      %parallel_loop3A_436 = arith.constant 0 : i32
      %parallel_loop3A_437 = arith.constant 6256 : i32
      %parallel_loop3A_438 = arith.constant 16 : i32
      scf.for %parallel_loop3A_439 = %parallel_loop3A_436 to %parallel_loop3A_437 step %parallel_loop3A_438  : i32 {
        %parallel_loop3A_440 = arith.index_cast %parallel_loop3A_439 : i32 to index
        %parallel_loop3A_441 = tpu.vector_load %arg10[%parallel_loop3A_440] {strides = array<i32>} : memref<6256xf32, #tpu.memory_space<vmem>>, vector<16xf32>,
        %parallel_loop3A_442 = arith.index_cast %parallel_loop3A_439 : i32 to index
        %parallel_loop3A_443 = tpu.vector_load %arg11[%parallel_loop3A_442] {strides = array<i32>} : memref<6256xf32, #tpu.memory_space<vmem>>, vector<16xf32>,
        %parallel_loop3A_444 = arith.addf %parallel_loop3A_441, %parallel_loop3A_443 : vector<16xf32>
        %parallel_loop3A_445 = arith.index_cast %parallel_loop3A_439 : i32 to index
        %parallel_loop3A_446 = tpu.vector_load %arg10[%parallel_loop3A_445] {strides = array<i32>} : memref<6256xf32, #tpu.memory_space<vmem>>, vector<16xf32>,
        tpu.vector_store %arg10[%parallel_loop3A_445], %parallel_loop3A_444 {strides = array<i32>} : memref<6256xf32, #tpu.memory_space<vmem>>, vector<16xf32>,
      } {sc.loop_unroll_factor = 8 : i64, sc.parallel_access}
    } else {
    }
    %get3A_306 = arith.constant 96 : index
    %get3A_307 = tpu.vector_load %arg6[%get3A_306] {strides = array<i32>} : memref<4016xi32, #tpu.memory_space<vmem>>, vector<16xi32>,
    %slice3A_308 = vector.extract_strided_slice %get3A_307 {offsets = [0], sizes = [1], strides = [1]} : vector<16xi32> to vector<1xi32>
    %squeeze3A_309 = vector.extract %slice3A_308[0] : i32 from vector<1xi32>
    %slice3A_310 = vector.extract_strided_slice %get3A_307 {offsets = [1], sizes = [1], strides = [1]} : vector<16xi32> to vector<1xi32>
    %squeeze3A_311 = vector.extract %slice3A_310[0] : i32 from vector<1xi32>
    %le3A_312 = arith.cmpi sle, %squeeze3A_309, %arg1 : i32
    %le3A_313 = arith.cmpi sle, %arg1, %squeeze3A_311 : i32
    %and3A_314 = arith.andi %le3A_312, %le3A_313 : i1
    %convert_element_type3A_315 = arith.extui %and3A_314 : i1 to i32
    %cond3A_316 = arith.constant 0 : i32
    %cond3A_317 = arith.cmpi ne, %convert_element_type3A_315, %cond3A_316 : i32
    scf.if %cond3A_317 {
      %mul3A_429 = arith.constant 16 : i32
      %mul3A_430 = arith.muli %arg0, %mul3A_429 : i32
      %add3A_431 = arith.constant 6 : i32
      %add3A_432 = arith.addi %mul3A_430, %add3A_431 : i32
      %mul3A_433 = arith.constant 100096 : i32
      %mul3A_434 = arith.muli %add3A_432, %mul3A_433 : i32
      %add3A_435 = arith.addi %mul3A_434, %mul3A_237 : i32
      "tpu.region"() ({
        %run_scoped3A = tpu.sem_alloc : memref<!tpu.dma_semaphore, #tpu.memory_space<semaphore_mem>>
        %dma_start3A_439 = tpu.memref_slice %arg4[%add3A_435] : memref<3203072xf32, #tpu.memory_space<hbm>> -> memref<6256xf32, #tpu.memory_space<hbm>>
        %dma_start3A_440 = tpu.memref_slice %arg4[%add3A_435] : memref<3203072xf32, #tpu.memory_space<hbm>> -> memref<6256xf32, #tpu.memory_space<hbm>>
        tpu.enqueue_dma source(%dma_start3A_440 : memref<6256xf32, #tpu.memory_space<hbm>>) target(%arg11 : memref<6256xf32, #tpu.memory_space<vmem>>) target_semaphore(%run_scoped3A : memref<!tpu.dma_semaphore, #tpu.memory_space<semaphore_mem>>)
        %dma_wait3A = tpu.memref_slice %arg4[%add3A_435] : memref<3203072xf32, #tpu.memory_space<hbm>> -> memref<6256xf32, #tpu.memory_space<hbm>>
        %dma_wait3A_441 = tpu.memref_slice %arg4[%add3A_435] : memref<3203072xf32, #tpu.memory_space<hbm>> -> memref<6256xf32, #tpu.memory_space<hbm>>
        tpu.wait_dma2 semaphore(%run_scoped3A : memref<!tpu.dma_semaphore, #tpu.memory_space<semaphore_mem>>) src(%dma_wait3A_441 : memref<6256xf32, #tpu.memory_space<hbm>>) dst(%arg11 : memref<6256xf32, #tpu.memory_space<vmem>>)
        tpu.yield
      }) : () -> ()
      %parallel_loop3A_436 = arith.constant 0 : i32
      %parallel_loop3A_437 = arith.constant 6256 : i32
      %parallel_loop3A_438 = arith.constant 16 : i32
      scf.for %parallel_loop3A_439 = %parallel_loop3A_436 to %parallel_loop3A_437 step %parallel_loop3A_438  : i32 {
        %parallel_loop3A_440 = arith.index_cast %parallel_loop3A_439 : i32 to index
        %parallel_loop3A_441 = tpu.vector_load %arg10[%parallel_loop3A_440] {strides = array<i32>} : memref<6256xf32, #tpu.memory_space<vmem>>, vector<16xf32>,
        %parallel_loop3A_442 = arith.index_cast %parallel_loop3A_439 : i32 to index
        %parallel_loop3A_443 = tpu.vector_load %arg11[%parallel_loop3A_442] {strides = array<i32>} : memref<6256xf32, #tpu.memory_space<vmem>>, vector<16xf32>,
        %parallel_loop3A_444 = arith.addf %parallel_loop3A_441, %parallel_loop3A_443 : vector<16xf32>
        %parallel_loop3A_445 = arith.index_cast %parallel_loop3A_439 : i32 to index
        %parallel_loop3A_446 = tpu.vector_load %arg10[%parallel_loop3A_445] {strides = array<i32>} : memref<6256xf32, #tpu.memory_space<vmem>>, vector<16xf32>,
        tpu.vector_store %arg10[%parallel_loop3A_445], %parallel_loop3A_444 {strides = array<i32>} : memref<6256xf32, #tpu.memory_space<vmem>>, vector<16xf32>,
      } {sc.loop_unroll_factor = 8 : i64, sc.parallel_access}
    } else {
    }
    %get3A_318 = arith.constant 112 : index
    %get3A_319 = tpu.vector_load %arg6[%get3A_318] {strides = array<i32>} : memref<4016xi32, #tpu.memory_space<vmem>>, vector<16xi32>,
    %slice3A_320 = vector.extract_strided_slice %get3A_319 {offsets = [0], sizes = [1], strides = [1]} : vector<16xi32> to vector<1xi32>
    %squeeze3A_321 = vector.extract %slice3A_320[0] : i32 from vector<1xi32>
    %slice3A_322 = vector.extract_strided_slice %get3A_319 {offsets = [1], sizes = [1], strides = [1]} : vector<16xi32> to vector<1xi32>
    %squeeze3A_323 = vector.extract %slice3A_322[0] : i32 from vector<1xi32>
    %le3A_324 = arith.cmpi sle, %squeeze3A_321, %arg1 : i32
    %le3A_325 = arith.cmpi sle, %arg1, %squeeze3A_323 : i32
    %and3A_326 = arith.andi %le3A_324, %le3A_325 : i1
    %convert_element_type3A_327 = arith.extui %and3A_326 : i1 to i32
    %cond3A_328 = arith.constant 0 : i32
    %cond3A_329 = arith.cmpi ne, %convert_element_type3A_327, %cond3A_328 : i32
    scf.if %cond3A_329 {
      %mul3A_429 = arith.constant 16 : i32
      %mul3A_430 = arith.muli %arg0, %mul3A_429 : i32
      %add3A_431 = arith.constant 7 : i32
      %add3A_432 = arith.addi %mul3A_430, %add3A_431 : i32
      %mul3A_433 = arith.constant 100096 : i32
      %mul3A_434 = arith.muli %add3A_432, %mul3A_433 : i32
      %add3A_435 = arith.addi %mul3A_434, %mul3A_237 : i32
      "tpu.region"() ({
        %run_scoped3A = tpu.sem_alloc : memref<!tpu.dma_semaphore, #tpu.memory_space<semaphore_mem>>
        %dma_start3A_439 = tpu.memref_slice %arg4[%add3A_435] : memref<3203072xf32, #tpu.memory_space<hbm>> -> memref<6256xf32, #tpu.memory_space<hbm>>
        %dma_start3A_440 = tpu.memref_slice %arg4[%add3A_435] : memref<3203072xf32, #tpu.memory_space<hbm>> -> memref<6256xf32, #tpu.memory_space<hbm>>
        tpu.enqueue_dma source(%dma_start3A_440 : memref<6256xf32, #tpu.memory_space<hbm>>) target(%arg11 : memref<6256xf32, #tpu.memory_space<vmem>>) target_semaphore(%run_scoped3A : memref<!tpu.dma_semaphore, #tpu.memory_space<semaphore_mem>>)
        %dma_wait3A = tpu.memref_slice %arg4[%add3A_435] : memref<3203072xf32, #tpu.memory_space<hbm>> -> memref<6256xf32, #tpu.memory_space<hbm>>
        %dma_wait3A_441 = tpu.memref_slice %arg4[%add3A_435] : memref<3203072xf32, #tpu.memory_space<hbm>> -> memref<6256xf32, #tpu.memory_space<hbm>>
        tpu.wait_dma2 semaphore(%run_scoped3A : memref<!tpu.dma_semaphore, #tpu.memory_space<semaphore_mem>>) src(%dma_wait3A_441 : memref<6256xf32, #tpu.memory_space<hbm>>) dst(%arg11 : memref<6256xf32, #tpu.memory_space<vmem>>)
        tpu.yield
      }) : () -> ()
      %parallel_loop3A_436 = arith.constant 0 : i32
      %parallel_loop3A_437 = arith.constant 6256 : i32
      %parallel_loop3A_438 = arith.constant 16 : i32
      scf.for %parallel_loop3A_439 = %parallel_loop3A_436 to %parallel_loop3A_437 step %parallel_loop3A_438  : i32 {
        %parallel_loop3A_440 = arith.index_cast %parallel_loop3A_439 : i32 to index
        %parallel_loop3A_441 = tpu.vector_load %arg10[%parallel_loop3A_440] {strides = array<i32>} : memref<6256xf32, #tpu.memory_space<vmem>>, vector<16xf32>,
        %parallel_loop3A_442 = arith.index_cast %parallel_loop3A_439 : i32 to index
        %parallel_loop3A_443 = tpu.vector_load %arg11[%parallel_loop3A_442] {strides = array<i32>} : memref<6256xf32, #tpu.memory_space<vmem>>, vector<16xf32>,
        %parallel_loop3A_444 = arith.addf %parallel_loop3A_441, %parallel_loop3A_443 : vector<16xf32>
        %parallel_loop3A_445 = arith.index_cast %parallel_loop3A_439 : i32 to index
        %parallel_loop3A_446 = tpu.vector_load %arg10[%parallel_loop3A_445] {strides = array<i32>} : memref<6256xf32, #tpu.memory_space<vmem>>, vector<16xf32>,
        tpu.vector_store %arg10[%parallel_loop3A_445], %parallel_loop3A_444 {strides = array<i32>} : memref<6256xf32, #tpu.memory_space<vmem>>, vector<16xf32>,
      } {sc.loop_unroll_factor = 8 : i64, sc.parallel_access}
    } else {
    }
    %get3A_330 = arith.constant 128 : index
    %get3A_331 = tpu.vector_load %arg6[%get3A_330] {strides = array<i32>} : memref<4016xi32, #tpu.memory_space<vmem>>, vector<16xi32>,
    %slice3A_332 = vector.extract_strided_slice %get3A_331 {offsets = [0], sizes = [1], strides = [1]} : vector<16xi32> to vector<1xi32>
    %squeeze3A_333 = vector.extract %slice3A_332[0] : i32 from vector<1xi32>
    %slice3A_334 = vector.extract_strided_slice %get3A_331 {offsets = [1], sizes = [1], strides = [1]} : vector<16xi32> to vector<1xi32>
    %squeeze3A_335 = vector.extract %slice3A_334[0] : i32 from vector<1xi32>
    %le3A_336 = arith.cmpi sle, %squeeze3A_333, %arg1 : i32
    %le3A_337 = arith.cmpi sle, %arg1, %squeeze3A_335 : i32
    %and3A_338 = arith.andi %le3A_336, %le3A_337 : i1
    %convert_element_type3A_339 = arith.extui %and3A_338 : i1 to i32
    %cond3A_340 = arith.constant 0 : i32
    %cond3A_341 = arith.cmpi ne, %convert_element_type3A_339, %cond3A_340 : i32
    scf.if %cond3A_341 {
      %mul3A_429 = arith.constant 16 : i32
      %mul3A_430 = arith.muli %arg0, %mul3A_429 : i32
      %add3A_431 = arith.constant 8 : i32
      %add3A_432 = arith.addi %mul3A_430, %add3A_431 : i32
      %mul3A_433 = arith.constant 100096 : i32
      %mul3A_434 = arith.muli %add3A_432, %mul3A_433 : i32
      %add3A_435 = arith.addi %mul3A_434, %mul3A_237 : i32
      "tpu.region"() ({
        %run_scoped3A = tpu.sem_alloc : memref<!tpu.dma_semaphore, #tpu.memory_space<semaphore_mem>>
        %dma_start3A_439 = tpu.memref_slice %arg4[%add3A_435] : memref<3203072xf32, #tpu.memory_space<hbm>> -> memref<6256xf32, #tpu.memory_space<hbm>>
        %dma_start3A_440 = tpu.memref_slice %arg4[%add3A_435] : memref<3203072xf32, #tpu.memory_space<hbm>> -> memref<6256xf32, #tpu.memory_space<hbm>>
        tpu.enqueue_dma source(%dma_start3A_440 : memref<6256xf32, #tpu.memory_space<hbm>>) target(%arg11 : memref<6256xf32, #tpu.memory_space<vmem>>) target_semaphore(%run_scoped3A : memref<!tpu.dma_semaphore, #tpu.memory_space<semaphore_mem>>)
        %dma_wait3A = tpu.memref_slice %arg4[%add3A_435] : memref<3203072xf32, #tpu.memory_space<hbm>> -> memref<6256xf32, #tpu.memory_space<hbm>>
        %dma_wait3A_441 = tpu.memref_slice %arg4[%add3A_435] : memref<3203072xf32, #tpu.memory_space<hbm>> -> memref<6256xf32, #tpu.memory_space<hbm>>
        tpu.wait_dma2 semaphore(%run_scoped3A : memref<!tpu.dma_semaphore, #tpu.memory_space<semaphore_mem>>) src(%dma_wait3A_441 : memref<6256xf32, #tpu.memory_space<hbm>>) dst(%arg11 : memref<6256xf32, #tpu.memory_space<vmem>>)
        tpu.yield
      }) : () -> ()
      %parallel_loop3A_436 = arith.constant 0 : i32
      %parallel_loop3A_437 = arith.constant 6256 : i32
      %parallel_loop3A_438 = arith.constant 16 : i32
      scf.for %parallel_loop3A_439 = %parallel_loop3A_436 to %parallel_loop3A_437 step %parallel_loop3A_438  : i32 {
        %parallel_loop3A_440 = arith.index_cast %parallel_loop3A_439 : i32 to index
        %parallel_loop3A_441 = tpu.vector_load %arg10[%parallel_loop3A_440] {strides = array<i32>} : memref<6256xf32, #tpu.memory_space<vmem>>, vector<16xf32>,
        %parallel_loop3A_442 = arith.index_cast %parallel_loop3A_439 : i32 to index
        %parallel_loop3A_443 = tpu.vector_load %arg11[%parallel_loop3A_442] {strides = array<i32>} : memref<6256xf32, #tpu.memory_space<vmem>>, vector<16xf32>,
        %parallel_loop3A_444 = arith.addf %parallel_loop3A_441, %parallel_loop3A_443 : vector<16xf32>
        %parallel_loop3A_445 = arith.index_cast %parallel_loop3A_439 : i32 to index
        %parallel_loop3A_446 = tpu.vector_load %arg10[%parallel_loop3A_445] {strides = array<i32>} : memref<6256xf32, #tpu.memory_space<vmem>>, vector<16xf32>,
        tpu.vector_store %arg10[%parallel_loop3A_445], %parallel_loop3A_444 {strides = array<i32>} : memref<6256xf32, #tpu.memory_space<vmem>>, vector<16xf32>,
      } {sc.loop_unroll_factor = 8 : i64, sc.parallel_access}
    } else {
    }
    %get3A_342 = arith.constant 144 : index
    %get3A_343 = tpu.vector_load %arg6[%get3A_342] {strides = array<i32>} : memref<4016xi32, #tpu.memory_space<vmem>>, vector<16xi32>,
    %slice3A_344 = vector.extract_strided_slice %get3A_343 {offsets = [0], sizes = [1], strides = [1]} : vector<16xi32> to vector<1xi32>
    %squeeze3A_345 = vector.extract %slice3A_344[0] : i32 from vector<1xi32>
    %slice3A_346 = vector.extract_strided_slice %get3A_343 {offsets = [1], sizes = [1], strides = [1]} : vector<16xi32> to vector<1xi32>
    %squeeze3A_347 = vector.extract %slice3A_346[0] : i32 from vector<1xi32>
    %le3A_348 = arith.cmpi sle, %squeeze3A_345, %arg1 : i32
    %le3A_349 = arith.cmpi sle, %arg1, %squeeze3A_347 : i32
    %and3A_350 = arith.andi %le3A_348, %le3A_349 : i1
    %convert_element_type3A_351 = arith.extui %and3A_350 : i1 to i32
    %cond3A_352 = arith.constant 0 : i32
    %cond3A_353 = arith.cmpi ne, %convert_element_type3A_351, %cond3A_352 : i32
    scf.if %cond3A_353 {
      %mul3A_429 = arith.constant 16 : i32
      %mul3A_430 = arith.muli %arg0, %mul3A_429 : i32
      %add3A_431 = arith.constant 9 : i32
      %add3A_432 = arith.addi %mul3A_430, %add3A_431 : i32
      %mul3A_433 = arith.constant 100096 : i32
      %mul3A_434 = arith.muli %add3A_432, %mul3A_433 : i32
      %add3A_435 = arith.addi %mul3A_434, %mul3A_237 : i32
      "tpu.region"() ({
        %run_scoped3A = tpu.sem_alloc : memref<!tpu.dma_semaphore, #tpu.memory_space<semaphore_mem>>
        %dma_start3A_439 = tpu.memref_slice %arg4[%add3A_435] : memref<3203072xf32, #tpu.memory_space<hbm>> -> memref<6256xf32, #tpu.memory_space<hbm>>
        %dma_start3A_440 = tpu.memref_slice %arg4[%add3A_435] : memref<3203072xf32, #tpu.memory_space<hbm>> -> memref<6256xf32, #tpu.memory_space<hbm>>
        tpu.enqueue_dma source(%dma_start3A_440 : memref<6256xf32, #tpu.memory_space<hbm>>) target(%arg11 : memref<6256xf32, #tpu.memory_space<vmem>>) target_semaphore(%run_scoped3A : memref<!tpu.dma_semaphore, #tpu.memory_space<semaphore_mem>>)
        %dma_wait3A = tpu.memref_slice %arg4[%add3A_435] : memref<3203072xf32, #tpu.memory_space<hbm>> -> memref<6256xf32, #tpu.memory_space<hbm>>
        %dma_wait3A_441 = tpu.memref_slice %arg4[%add3A_435] : memref<3203072xf32, #tpu.memory_space<hbm>> -> memref<6256xf32, #tpu.memory_space<hbm>>
        tpu.wait_dma2 semaphore(%run_scoped3A : memref<!tpu.dma_semaphore, #tpu.memory_space<semaphore_mem>>) src(%dma_wait3A_441 : memref<6256xf32, #tpu.memory_space<hbm>>) dst(%arg11 : memref<6256xf32, #tpu.memory_space<vmem>>)
        tpu.yield
      }) : () -> ()
      %parallel_loop3A_436 = arith.constant 0 : i32
      %parallel_loop3A_437 = arith.constant 6256 : i32
      %parallel_loop3A_438 = arith.constant 16 : i32
      scf.for %parallel_loop3A_439 = %parallel_loop3A_436 to %parallel_loop3A_437 step %parallel_loop3A_438  : i32 {
        %parallel_loop3A_440 = arith.index_cast %parallel_loop3A_439 : i32 to index
        %parallel_loop3A_441 = tpu.vector_load %arg10[%parallel_loop3A_440] {strides = array<i32>} : memref<6256xf32, #tpu.memory_space<vmem>>, vector<16xf32>,
        %parallel_loop3A_442 = arith.index_cast %parallel_loop3A_439 : i32 to index
        %parallel_loop3A_443 = tpu.vector_load %arg11[%parallel_loop3A_442] {strides = array<i32>} : memref<6256xf32, #tpu.memory_space<vmem>>, vector<16xf32>,
        %parallel_loop3A_444 = arith.addf %parallel_loop3A_441, %parallel_loop3A_443 : vector<16xf32>
        %parallel_loop3A_445 = arith.index_cast %parallel_loop3A_439 : i32 to index
        %parallel_loop3A_446 = tpu.vector_load %arg10[%parallel_loop3A_445] {strides = array<i32>} : memref<6256xf32, #tpu.memory_space<vmem>>, vector<16xf32>,
        tpu.vector_store %arg10[%parallel_loop3A_445], %parallel_loop3A_444 {strides = array<i32>} : memref<6256xf32, #tpu.memory_space<vmem>>, vector<16xf32>,
      } {sc.loop_unroll_factor = 8 : i64, sc.parallel_access}
    } else {
    }
    %get3A_354 = arith.constant 160 : index
    %get3A_355 = tpu.vector_load %arg6[%get3A_354] {strides = array<i32>} : memref<4016xi32, #tpu.memory_space<vmem>>, vector<16xi32>,
    %slice3A_356 = vector.extract_strided_slice %get3A_355 {offsets = [0], sizes = [1], strides = [1]} : vector<16xi32> to vector<1xi32>
    %squeeze3A_357 = vector.extract %slice3A_356[0] : i32 from vector<1xi32>
    %slice3A_358 = vector.extract_strided_slice %get3A_355 {offsets = [1], sizes = [1], strides = [1]} : vector<16xi32> to vector<1xi32>
    %squeeze3A_359 = vector.extract %slice3A_358[0] : i32 from vector<1xi32>
    %le3A_360 = arith.cmpi sle, %squeeze3A_357, %arg1 : i32
    %le3A_361 = arith.cmpi sle, %arg1, %squeeze3A_359 : i32
    %and3A_362 = arith.andi %le3A_360, %le3A_361 : i1
    %convert_element_type3A_363 = arith.extui %and3A_362 : i1 to i32
    %cond3A_364 = arith.constant 0 : i32
    %cond3A_365 = arith.cmpi ne, %convert_element_type3A_363, %cond3A_364 : i32
    scf.if %cond3A_365 {
      %mul3A_429 = arith.constant 16 : i32
      %mul3A_430 = arith.muli %arg0, %mul3A_429 : i32
      %add3A_431 = arith.constant 10 : i32
      %add3A_432 = arith.addi %mul3A_430, %add3A_431 : i32
      %mul3A_433 = arith.constant 100096 : i32
      %mul3A_434 = arith.muli %add3A_432, %mul3A_433 : i32
      %add3A_435 = arith.addi %mul3A_434, %mul3A_237 : i32
      "tpu.region"() ({
        %run_scoped3A = tpu.sem_alloc : memref<!tpu.dma_semaphore, #tpu.memory_space<semaphore_mem>>
        %dma_start3A_439 = tpu.memref_slice %arg4[%add3A_435] : memref<3203072xf32, #tpu.memory_space<hbm>> -> memref<6256xf32, #tpu.memory_space<hbm>>
        %dma_start3A_440 = tpu.memref_slice %arg4[%add3A_435] : memref<3203072xf32, #tpu.memory_space<hbm>> -> memref<6256xf32, #tpu.memory_space<hbm>>
        tpu.enqueue_dma source(%dma_start3A_440 : memref<6256xf32, #tpu.memory_space<hbm>>) target(%arg11 : memref<6256xf32, #tpu.memory_space<vmem>>) target_semaphore(%run_scoped3A : memref<!tpu.dma_semaphore, #tpu.memory_space<semaphore_mem>>)
        %dma_wait3A = tpu.memref_slice %arg4[%add3A_435] : memref<3203072xf32, #tpu.memory_space<hbm>> -> memref<6256xf32, #tpu.memory_space<hbm>>
        %dma_wait3A_441 = tpu.memref_slice %arg4[%add3A_435] : memref<3203072xf32, #tpu.memory_space<hbm>> -> memref<6256xf32, #tpu.memory_space<hbm>>
        tpu.wait_dma2 semaphore(%run_scoped3A : memref<!tpu.dma_semaphore, #tpu.memory_space<semaphore_mem>>) src(%dma_wait3A_441 : memref<6256xf32, #tpu.memory_space<hbm>>) dst(%arg11 : memref<6256xf32, #tpu.memory_space<vmem>>)
        tpu.yield
      }) : () -> ()
      %parallel_loop3A_436 = arith.constant 0 : i32
      %parallel_loop3A_437 = arith.constant 6256 : i32
      %parallel_loop3A_438 = arith.constant 16 : i32
      scf.for %parallel_loop3A_439 = %parallel_loop3A_436 to %parallel_loop3A_437 step %parallel_loop3A_438  : i32 {
        %parallel_loop3A_440 = arith.index_cast %parallel_loop3A_439 : i32 to index
        %parallel_loop3A_441 = tpu.vector_load %arg10[%parallel_loop3A_440] {strides = array<i32>} : memref<6256xf32, #tpu.memory_space<vmem>>, vector<16xf32>,
        %parallel_loop3A_442 = arith.index_cast %parallel_loop3A_439 : i32 to index
        %parallel_loop3A_443 = tpu.vector_load %arg11[%parallel_loop3A_442] {strides = array<i32>} : memref<6256xf32, #tpu.memory_space<vmem>>, vector<16xf32>,
        %parallel_loop3A_444 = arith.addf %parallel_loop3A_441, %parallel_loop3A_443 : vector<16xf32>
        %parallel_loop3A_445 = arith.index_cast %parallel_loop3A_439 : i32 to index
        %parallel_loop3A_446 = tpu.vector_load %arg10[%parallel_loop3A_445] {strides = array<i32>} : memref<6256xf32, #tpu.memory_space<vmem>>, vector<16xf32>,
        tpu.vector_store %arg10[%parallel_loop3A_445], %parallel_loop3A_444 {strides = array<i32>} : memref<6256xf32, #tpu.memory_space<vmem>>, vector<16xf32>,
      } {sc.loop_unroll_factor = 8 : i64, sc.parallel_access}
    } else {
    }
    %get3A_366 = arith.constant 176 : index
    %get3A_367 = tpu.vector_load %arg6[%get3A_366] {strides = array<i32>} : memref<4016xi32, #tpu.memory_space<vmem>>, vector<16xi32>,
    %slice3A_368 = vector.extract_strided_slice %get3A_367 {offsets = [0], sizes = [1], strides = [1]} : vector<16xi32> to vector<1xi32>
    %squeeze3A_369 = vector.extract %slice3A_368[0] : i32 from vector<1xi32>
    %slice3A_370 = vector.extract_strided_slice %get3A_367 {offsets = [1], sizes = [1], strides = [1]} : vector<16xi32> to vector<1xi32>
    %squeeze3A_371 = vector.extract %slice3A_370[0] : i32 from vector<1xi32>
    %le3A_372 = arith.cmpi sle, %squeeze3A_369, %arg1 : i32
    %le3A_373 = arith.cmpi sle, %arg1, %squeeze3A_371 : i32
    %and3A_374 = arith.andi %le3A_372, %le3A_373 : i1
    %convert_element_type3A_375 = arith.extui %and3A_374 : i1 to i32
    %cond3A_376 = arith.constant 0 : i32
    %cond3A_377 = arith.cmpi ne, %convert_element_type3A_375, %cond3A_376 : i32
    scf.if %cond3A_377 {
      %mul3A_429 = arith.constant 16 : i32
      %mul3A_430 = arith.muli %arg0, %mul3A_429 : i32
      %add3A_431 = arith.constant 11 : i32
      %add3A_432 = arith.addi %mul3A_430, %add3A_431 : i32
      %mul3A_433 = arith.constant 100096 : i32
      %mul3A_434 = arith.muli %add3A_432, %mul3A_433 : i32
      %add3A_435 = arith.addi %mul3A_434, %mul3A_237 : i32
      "tpu.region"() ({
        %run_scoped3A = tpu.sem_alloc : memref<!tpu.dma_semaphore, #tpu.memory_space<semaphore_mem>>
        %dma_start3A_439 = tpu.memref_slice %arg4[%add3A_435] : memref<3203072xf32, #tpu.memory_space<hbm>> -> memref<6256xf32, #tpu.memory_space<hbm>>
        %dma_start3A_440 = tpu.memref_slice %arg4[%add3A_435] : memref<3203072xf32, #tpu.memory_space<hbm>> -> memref<6256xf32, #tpu.memory_space<hbm>>
        tpu.enqueue_dma source(%dma_start3A_440 : memref<6256xf32, #tpu.memory_space<hbm>>) target(%arg11 : memref<6256xf32, #tpu.memory_space<vmem>>) target_semaphore(%run_scoped3A : memref<!tpu.dma_semaphore, #tpu.memory_space<semaphore_mem>>)
        %dma_wait3A = tpu.memref_slice %arg4[%add3A_435] : memref<3203072xf32, #tpu.memory_space<hbm>> -> memref<6256xf32, #tpu.memory_space<hbm>>
        %dma_wait3A_441 = tpu.memref_slice %arg4[%add3A_435] : memref<3203072xf32, #tpu.memory_space<hbm>> -> memref<6256xf32, #tpu.memory_space<hbm>>
        tpu.wait_dma2 semaphore(%run_scoped3A : memref<!tpu.dma_semaphore, #tpu.memory_space<semaphore_mem>>) src(%dma_wait3A_441 : memref<6256xf32, #tpu.memory_space<hbm>>) dst(%arg11 : memref<6256xf32, #tpu.memory_space<vmem>>)
        tpu.yield
      }) : () -> ()
      %parallel_loop3A_436 = arith.constant 0 : i32
      %parallel_loop3A_437 = arith.constant 6256 : i32
      %parallel_loop3A_438 = arith.constant 16 : i32
      scf.for %parallel_loop3A_439 = %parallel_loop3A_436 to %parallel_loop3A_437 step %parallel_loop3A_438  : i32 {
        %parallel_loop3A_440 = arith.index_cast %parallel_loop3A_439 : i32 to index
        %parallel_loop3A_441 = tpu.vector_load %arg10[%parallel_loop3A_440] {strides = array<i32>} : memref<6256xf32, #tpu.memory_space<vmem>>, vector<16xf32>,
        %parallel_loop3A_442 = arith.index_cast %parallel_loop3A_439 : i32 to index
        %parallel_loop3A_443 = tpu.vector_load %arg11[%parallel_loop3A_442] {strides = array<i32>} : memref<6256xf32, #tpu.memory_space<vmem>>, vector<16xf32>,
        %parallel_loop3A_444 = arith.addf %parallel_loop3A_441, %parallel_loop3A_443 : vector<16xf32>
        %parallel_loop3A_445 = arith.index_cast %parallel_loop3A_439 : i32 to index
        %parallel_loop3A_446 = tpu.vector_load %arg10[%parallel_loop3A_445] {strides = array<i32>} : memref<6256xf32, #tpu.memory_space<vmem>>, vector<16xf32>,
        tpu.vector_store %arg10[%parallel_loop3A_445], %parallel_loop3A_444 {strides = array<i32>} : memref<6256xf32, #tpu.memory_space<vmem>>, vector<16xf32>,
      } {sc.loop_unroll_factor = 8 : i64, sc.parallel_access}
    } else {
    }
    %get3A_378 = arith.constant 192 : index
    %get3A_379 = tpu.vector_load %arg6[%get3A_378] {strides = array<i32>} : memref<4016xi32, #tpu.memory_space<vmem>>, vector<16xi32>,
    %slice3A_380 = vector.extract_strided_slice %get3A_379 {offsets = [0], sizes = [1], strides = [1]} : vector<16xi32> to vector<1xi32>
    %squeeze3A_381 = vector.extract %slice3A_380[0] : i32 from vector<1xi32>
    %slice3A_382 = vector.extract_strided_slice %get3A_379 {offsets = [1], sizes = [1], strides = [1]} : vector<16xi32> to vector<1xi32>
    %squeeze3A_383 = vector.extract %slice3A_382[0] : i32 from vector<1xi32>
    %le3A_384 = arith.cmpi sle, %squeeze3A_381, %arg1 : i32
    %le3A_385 = arith.cmpi sle, %arg1, %squeeze3A_383 : i32
    %and3A_386 = arith.andi %le3A_384, %le3A_385 : i1
    %convert_element_type3A_387 = arith.extui %and3A_386 : i1 to i32
    %cond3A_388 = arith.constant 0 : i32
    %cond3A_389 = arith.cmpi ne, %convert_element_type3A_387, %cond3A_388 : i32
    scf.if %cond3A_389 {
      %mul3A_429 = arith.constant 16 : i32
      %mul3A_430 = arith.muli %arg0, %mul3A_429 : i32
      %add3A_431 = arith.constant 12 : i32
      %add3A_432 = arith.addi %mul3A_430, %add3A_431 : i32
      %mul3A_433 = arith.constant 100096 : i32
      %mul3A_434 = arith.muli %add3A_432, %mul3A_433 : i32
      %add3A_435 = arith.addi %mul3A_434, %mul3A_237 : i32
      "tpu.region"() ({
        %run_scoped3A = tpu.sem_alloc : memref<!tpu.dma_semaphore, #tpu.memory_space<semaphore_mem>>
        %dma_start3A_439 = tpu.memref_slice %arg4[%add3A_435] : memref<3203072xf32, #tpu.memory_space<hbm>> -> memref<6256xf32, #tpu.memory_space<hbm>>
        %dma_start3A_440 = tpu.memref_slice %arg4[%add3A_435] : memref<3203072xf32, #tpu.memory_space<hbm>> -> memref<6256xf32, #tpu.memory_space<hbm>>
        tpu.enqueue_dma source(%dma_start3A_440 : memref<6256xf32, #tpu.memory_space<hbm>>) target(%arg11 : memref<6256xf32, #tpu.memory_space<vmem>>) target_semaphore(%run_scoped3A : memref<!tpu.dma_semaphore, #tpu.memory_space<semaphore_mem>>)
        %dma_wait3A = tpu.memref_slice %arg4[%add3A_435] : memref<3203072xf32, #tpu.memory_space<hbm>> -> memref<6256xf32, #tpu.memory_space<hbm>>
        %dma_wait3A_441 = tpu.memref_slice %arg4[%add3A_435] : memref<3203072xf32, #tpu.memory_space<hbm>> -> memref<6256xf32, #tpu.memory_space<hbm>>
        tpu.wait_dma2 semaphore(%run_scoped3A : memref<!tpu.dma_semaphore, #tpu.memory_space<semaphore_mem>>) src(%dma_wait3A_441 : memref<6256xf32, #tpu.memory_space<hbm>>) dst(%arg11 : memref<6256xf32, #tpu.memory_space<vmem>>)
        tpu.yield
      }) : () -> ()
      %parallel_loop3A_436 = arith.constant 0 : i32
      %parallel_loop3A_437 = arith.constant 6256 : i32
      %parallel_loop3A_438 = arith.constant 16 : i32
      scf.for %parallel_loop3A_439 = %parallel_loop3A_436 to %parallel_loop3A_437 step %parallel_loop3A_438  : i32 {
        %parallel_loop3A_440 = arith.index_cast %parallel_loop3A_439 : i32 to index
        %parallel_loop3A_441 = tpu.vector_load %arg10[%parallel_loop3A_440] {strides = array<i32>} : memref<6256xf32, #tpu.memory_space<vmem>>, vector<16xf32>,
        %parallel_loop3A_442 = arith.index_cast %parallel_loop3A_439 : i32 to index
        %parallel_loop3A_443 = tpu.vector_load %arg11[%parallel_loop3A_442] {strides = array<i32>} : memref<6256xf32, #tpu.memory_space<vmem>>, vector<16xf32>,
        %parallel_loop3A_444 = arith.addf %parallel_loop3A_441, %parallel_loop3A_443 : vector<16xf32>
        %parallel_loop3A_445 = arith.index_cast %parallel_loop3A_439 : i32 to index
        %parallel_loop3A_446 = tpu.vector_load %arg10[%parallel_loop3A_445] {strides = array<i32>} : memref<6256xf32, #tpu.memory_space<vmem>>, vector<16xf32>,
        tpu.vector_store %arg10[%parallel_loop3A_445], %parallel_loop3A_444 {strides = array<i32>} : memref<6256xf32, #tpu.memory_space<vmem>>, vector<16xf32>,
      } {sc.loop_unroll_factor = 8 : i64, sc.parallel_access}
    } else {
    }
    %get3A_390 = arith.constant 208 : index
    %get3A_391 = tpu.vector_load %arg6[%get3A_390] {strides = array<i32>} : memref<4016xi32, #tpu.memory_space<vmem>>, vector<16xi32>,
    %slice3A_392 = vector.extract_strided_slice %get3A_391 {offsets = [0], sizes = [1], strides = [1]} : vector<16xi32> to vector<1xi32>
    %squeeze3A_393 = vector.extract %slice3A_392[0] : i32 from vector<1xi32>
    %slice3A_394 = vector.extract_strided_slice %get3A_391 {offsets = [1], sizes = [1], strides = [1]} : vector<16xi32> to vector<1xi32>
    %squeeze3A_395 = vector.extract %slice3A_394[0] : i32 from vector<1xi32>
    %le3A_396 = arith.cmpi sle, %squeeze3A_393, %arg1 : i32
    %le3A_397 = arith.cmpi sle, %arg1, %squeeze3A_395 : i32
    %and3A_398 = arith.andi %le3A_396, %le3A_397 : i1
    %convert_element_type3A_399 = arith.extui %and3A_398 : i1 to i32
    %cond3A_400 = arith.constant 0 : i32
    %cond3A_401 = arith.cmpi ne, %convert_element_type3A_399, %cond3A_400 : i32
    scf.if %cond3A_401 {
      %mul3A_429 = arith.constant 16 : i32
      %mul3A_430 = arith.muli %arg0, %mul3A_429 : i32
      %add3A_431 = arith.constant 13 : i32
      %add3A_432 = arith.addi %mul3A_430, %add3A_431 : i32
      %mul3A_433 = arith.constant 100096 : i32
      %mul3A_434 = arith.muli %add3A_432, %mul3A_433 : i32
      %add3A_435 = arith.addi %mul3A_434, %mul3A_237 : i32
      "tpu.region"() ({
        %run_scoped3A = tpu.sem_alloc : memref<!tpu.dma_semaphore, #tpu.memory_space<semaphore_mem>>
        %dma_start3A_439 = tpu.memref_slice %arg4[%add3A_435] : memref<3203072xf32, #tpu.memory_space<hbm>> -> memref<6256xf32, #tpu.memory_space<hbm>>
        %dma_start3A_440 = tpu.memref_slice %arg4[%add3A_435] : memref<3203072xf32, #tpu.memory_space<hbm>> -> memref<6256xf32, #tpu.memory_space<hbm>>
        tpu.enqueue_dma source(%dma_start3A_440 : memref<6256xf32, #tpu.memory_space<hbm>>) target(%arg11 : memref<6256xf32, #tpu.memory_space<vmem>>) target_semaphore(%run_scoped3A : memref<!tpu.dma_semaphore, #tpu.memory_space<semaphore_mem>>)
        %dma_wait3A = tpu.memref_slice %arg4[%add3A_435] : memref<3203072xf32, #tpu.memory_space<hbm>> -> memref<6256xf32, #tpu.memory_space<hbm>>
        %dma_wait3A_441 = tpu.memref_slice %arg4[%add3A_435] : memref<3203072xf32, #tpu.memory_space<hbm>> -> memref<6256xf32, #tpu.memory_space<hbm>>
        tpu.wait_dma2 semaphore(%run_scoped3A : memref<!tpu.dma_semaphore, #tpu.memory_space<semaphore_mem>>) src(%dma_wait3A_441 : memref<6256xf32, #tpu.memory_space<hbm>>) dst(%arg11 : memref<6256xf32, #tpu.memory_space<vmem>>)
        tpu.yield
      }) : () -> ()
      %parallel_loop3A_436 = arith.constant 0 : i32
      %parallel_loop3A_437 = arith.constant 6256 : i32
      %parallel_loop3A_438 = arith.constant 16 : i32
      scf.for %parallel_loop3A_439 = %parallel_loop3A_436 to %parallel_loop3A_437 step %parallel_loop3A_438  : i32 {
        %parallel_loop3A_440 = arith.index_cast %parallel_loop3A_439 : i32 to index
        %parallel_loop3A_441 = tpu.vector_load %arg10[%parallel_loop3A_440] {strides = array<i32>} : memref<6256xf32, #tpu.memory_space<vmem>>, vector<16xf32>,
        %parallel_loop3A_442 = arith.index_cast %parallel_loop3A_439 : i32 to index
        %parallel_loop3A_443 = tpu.vector_load %arg11[%parallel_loop3A_442] {strides = array<i32>} : memref<6256xf32, #tpu.memory_space<vmem>>, vector<16xf32>,
        %parallel_loop3A_444 = arith.addf %parallel_loop3A_441, %parallel_loop3A_443 : vector<16xf32>
        %parallel_loop3A_445 = arith.index_cast %parallel_loop3A_439 : i32 to index
        %parallel_loop3A_446 = tpu.vector_load %arg10[%parallel_loop3A_445] {strides = array<i32>} : memref<6256xf32, #tpu.memory_space<vmem>>, vector<16xf32>,
        tpu.vector_store %arg10[%parallel_loop3A_445], %parallel_loop3A_444 {strides = array<i32>} : memref<6256xf32, #tpu.memory_space<vmem>>, vector<16xf32>,
      } {sc.loop_unroll_factor = 8 : i64, sc.parallel_access}
    } else {
    }
    %get3A_402 = arith.constant 224 : index
    %get3A_403 = tpu.vector_load %arg6[%get3A_402] {strides = array<i32>} : memref<4016xi32, #tpu.memory_space<vmem>>, vector<16xi32>,
    %slice3A_404 = vector.extract_strided_slice %get3A_403 {offsets = [0], sizes = [1], strides = [1]} : vector<16xi32> to vector<1xi32>
    %squeeze3A_405 = vector.extract %slice3A_404[0] : i32 from vector<1xi32>
    %slice3A_406 = vector.extract_strided_slice %get3A_403 {offsets = [1], sizes = [1], strides = [1]} : vector<16xi32> to vector<1xi32>
    %squeeze3A_407 = vector.extract %slice3A_406[0] : i32 from vector<1xi32>
    %le3A_408 = arith.cmpi sle, %squeeze3A_405, %arg1 : i32
    %le3A_409 = arith.cmpi sle, %arg1, %squeeze3A_407 : i32
    %and3A_410 = arith.andi %le3A_408, %le3A_409 : i1
    %convert_element_type3A_411 = arith.extui %and3A_410 : i1 to i32
    %cond3A_412 = arith.constant 0 : i32
    %cond3A_413 = arith.cmpi ne, %convert_element_type3A_411, %cond3A_412 : i32
    scf.if %cond3A_413 {
      %mul3A_429 = arith.constant 16 : i32
      %mul3A_430 = arith.muli %arg0, %mul3A_429 : i32
      %add3A_431 = arith.constant 14 : i32
      %add3A_432 = arith.addi %mul3A_430, %add3A_431 : i32
      %mul3A_433 = arith.constant 100096 : i32
      %mul3A_434 = arith.muli %add3A_432, %mul3A_433 : i32
      %add3A_435 = arith.addi %mul3A_434, %mul3A_237 : i32
      "tpu.region"() ({
        %run_scoped3A = tpu.sem_alloc : memref<!tpu.dma_semaphore, #tpu.memory_space<semaphore_mem>>
        %dma_start3A_439 = tpu.memref_slice %arg4[%add3A_435] : memref<3203072xf32, #tpu.memory_space<hbm>> -> memref<6256xf32, #tpu.memory_space<hbm>>
        %dma_start3A_440 = tpu.memref_slice %arg4[%add3A_435] : memref<3203072xf32, #tpu.memory_space<hbm>> -> memref<6256xf32, #tpu.memory_space<hbm>>
        tpu.enqueue_dma source(%dma_start3A_440 : memref<6256xf32, #tpu.memory_space<hbm>>) target(%arg11 : memref<6256xf32, #tpu.memory_space<vmem>>) target_semaphore(%run_scoped3A : memref<!tpu.dma_semaphore, #tpu.memory_space<semaphore_mem>>)
        %dma_wait3A = tpu.memref_slice %arg4[%add3A_435] : memref<3203072xf32, #tpu.memory_space<hbm>> -> memref<6256xf32, #tpu.memory_space<hbm>>
        %dma_wait3A_441 = tpu.memref_slice %arg4[%add3A_435] : memref<3203072xf32, #tpu.memory_space<hbm>> -> memref<6256xf32, #tpu.memory_space<hbm>>
        tpu.wait_dma2 semaphore(%run_scoped3A : memref<!tpu.dma_semaphore, #tpu.memory_space<semaphore_mem>>) src(%dma_wait3A_441 : memref<6256xf32, #tpu.memory_space<hbm>>) dst(%arg11 : memref<6256xf32, #tpu.memory_space<vmem>>)
        tpu.yield
      }) : () -> ()
      %parallel_loop3A_436 = arith.constant 0 : i32
      %parallel_loop3A_437 = arith.constant 6256 : i32
      %parallel_loop3A_438 = arith.constant 16 : i32
      scf.for %parallel_loop3A_439 = %parallel_loop3A_436 to %parallel_loop3A_437 step %parallel_loop3A_438  : i32 {
        %parallel_loop3A_440 = arith.index_cast %parallel_loop3A_439 : i32 to index
        %parallel_loop3A_441 = tpu.vector_load %arg10[%parallel_loop3A_440] {strides = array<i32>} : memref<6256xf32, #tpu.memory_space<vmem>>, vector<16xf32>,
        %parallel_loop3A_442 = arith.index_cast %parallel_loop3A_439 : i32 to index
        %parallel_loop3A_443 = tpu.vector_load %arg11[%parallel_loop3A_442] {strides = array<i32>} : memref<6256xf32, #tpu.memory_space<vmem>>, vector<16xf32>,
        %parallel_loop3A_444 = arith.addf %parallel_loop3A_441, %parallel_loop3A_443 : vector<16xf32>
        %parallel_loop3A_445 = arith.index_cast %parallel_loop3A_439 : i32 to index
        %parallel_loop3A_446 = tpu.vector_load %arg10[%parallel_loop3A_445] {strides = array<i32>} : memref<6256xf32, #tpu.memory_space<vmem>>, vector<16xf32>,
        tpu.vector_store %arg10[%parallel_loop3A_445], %parallel_loop3A_444 {strides = array<i32>} : memref<6256xf32, #tpu.memory_space<vmem>>, vector<16xf32>,
      } {sc.loop_unroll_factor = 8 : i64, sc.parallel_access}
    } else {
    }
    %get3A_414 = arith.constant 240 : index
    %get3A_415 = tpu.vector_load %arg6[%get3A_414] {strides = array<i32>} : memref<4016xi32, #tpu.memory_space<vmem>>, vector<16xi32>,
    %slice3A_416 = vector.extract_strided_slice %get3A_415 {offsets = [0], sizes = [1], strides = [1]} : vector<16xi32> to vector<1xi32>
    %squeeze3A_417 = vector.extract %slice3A_416[0] : i32 from vector<1xi32>
    %slice3A_418 = vector.extract_strided_slice %get3A_415 {offsets = [1], sizes = [1], strides = [1]} : vector<16xi32> to vector<1xi32>
    %squeeze3A_419 = vector.extract %slice3A_418[0] : i32 from vector<1xi32>
    %le3A_420 = arith.cmpi sle, %squeeze3A_417, %arg1 : i32
    %le3A_421 = arith.cmpi sle, %arg1, %squeeze3A_419 : i32
    %and3A_422 = arith.andi %le3A_420, %le3A_421 : i1
    %convert_element_type3A_423 = arith.extui %and3A_422 : i1 to i32
    %cond3A_424 = arith.constant 0 : i32
    %cond3A_425 = arith.cmpi ne, %convert_element_type3A_423, %cond3A_424 : i32
    scf.if %cond3A_425 {
      %mul3A_429 = arith.constant 16 : i32
      %mul3A_430 = arith.muli %arg0, %mul3A_429 : i32
      %add3A_431 = arith.constant 15 : i32
      %add3A_432 = arith.addi %mul3A_430, %add3A_431 : i32
      %mul3A_433 = arith.constant 100096 : i32
      %mul3A_434 = arith.muli %add3A_432, %mul3A_433 : i32
      %add3A_435 = arith.addi %mul3A_434, %mul3A_237 : i32
      "tpu.region"() ({
        %run_scoped3A = tpu.sem_alloc : memref<!tpu.dma_semaphore, #tpu.memory_space<semaphore_mem>>
        %dma_start3A_439 = tpu.memref_slice %arg4[%add3A_435] : memref<3203072xf32, #tpu.memory_space<hbm>> -> memref<6256xf32, #tpu.memory_space<hbm>>
        %dma_start3A_440 = tpu.memref_slice %arg4[%add3A_435] : memref<3203072xf32, #tpu.memory_space<hbm>> -> memref<6256xf32, #tpu.memory_space<hbm>>
        tpu.enqueue_dma source(%dma_start3A_440 : memref<6256xf32, #tpu.memory_space<hbm>>) target(%arg11 : memref<6256xf32, #tpu.memory_space<vmem>>) target_semaphore(%run_scoped3A : memref<!tpu.dma_semaphore, #tpu.memory_space<semaphore_mem>>)
        %dma_wait3A = tpu.memref_slice %arg4[%add3A_435] : memref<3203072xf32, #tpu.memory_space<hbm>> -> memref<6256xf32, #tpu.memory_space<hbm>>
        %dma_wait3A_441 = tpu.memref_slice %arg4[%add3A_435] : memref<3203072xf32, #tpu.memory_space<hbm>> -> memref<6256xf32, #tpu.memory_space<hbm>>
        tpu.wait_dma2 semaphore(%run_scoped3A : memref<!tpu.dma_semaphore, #tpu.memory_space<semaphore_mem>>) src(%dma_wait3A_441 : memref<6256xf32, #tpu.memory_space<hbm>>) dst(%arg11 : memref<6256xf32, #tpu.memory_space<vmem>>)
        tpu.yield
      }) : () -> ()
      %parallel_loop3A_436 = arith.constant 0 : i32
      %parallel_loop3A_437 = arith.constant 6256 : i32
      %parallel_loop3A_438 = arith.constant 16 : i32
      scf.for %parallel_loop3A_439 = %parallel_loop3A_436 to %parallel_loop3A_437 step %parallel_loop3A_438  : i32 {
        %parallel_loop3A_440 = arith.index_cast %parallel_loop3A_439 : i32 to index
        %parallel_loop3A_441 = tpu.vector_load %arg10[%parallel_loop3A_440] {strides = array<i32>} : memref<6256xf32, #tpu.memory_space<vmem>>, vector<16xf32>,
        %parallel_loop3A_442 = arith.index_cast %parallel_loop3A_439 : i32 to index
        %parallel_loop3A_443 = tpu.vector_load %arg11[%parallel_loop3A_442] {strides = array<i32>} : memref<6256xf32, #tpu.memory_space<vmem>>, vector<16xf32>,
        %parallel_loop3A_444 = arith.addf %parallel_loop3A_441, %parallel_loop3A_443 : vector<16xf32>
        %parallel_loop3A_445 = arith.index_cast %parallel_loop3A_439 : i32 to index
        %parallel_loop3A_446 = tpu.vector_load %arg10[%parallel_loop3A_445] {strides = array<i32>} : memref<6256xf32, #tpu.memory_space<vmem>>, vector<16xf32>,
        tpu.vector_store %arg10[%parallel_loop3A_445], %parallel_loop3A_444 {strides = array<i32>} : memref<6256xf32, #tpu.memory_space<vmem>>, vector<16xf32>,
      } {sc.loop_unroll_factor = 8 : i64, sc.parallel_access}
    } else {
    }
    %mul3A_426 = arith.constant 100096 : i32
    %mul3A_427 = arith.muli %arg0, %mul3A_426 : i32
    %add3A_428 = arith.addi %mul3A_427, %mul3A_237 : i32
    "tpu.region"() ({
      %run_scoped3A = tpu.sem_alloc : memref<!tpu.dma_semaphore, #tpu.memory_space<semaphore_mem>>
      %dma_start3A_429 = tpu.memref_slice %arg5[%add3A_428] : memref<200192xf32, #tpu.memory_space<hbm>> -> memref<6256xf32, #tpu.memory_space<hbm>>
      %dma_start3A_430 = tpu.memref_slice %arg5[%add3A_428] : memref<200192xf32, #tpu.memory_space<hbm>> -> memref<6256xf32, #tpu.memory_space<hbm>>
      tpu.enqueue_dma source(%arg10 : memref<6256xf32, #tpu.memory_space<vmem>>) target(%dma_start3A_430 : memref<6256xf32, #tpu.memory_space<hbm>>) target_semaphore(%run_scoped3A : memref<!tpu.dma_semaphore, #tpu.memory_space<semaphore_mem>>)
      %dma_wait3A = tpu.memref_slice %arg5[%add3A_428] : memref<200192xf32, #tpu.memory_space<hbm>> -> memref<6256xf32, #tpu.memory_space<hbm>>
      %dma_wait3A_431 = tpu.memref_slice %arg5[%add3A_428] : memref<200192xf32, #tpu.memory_space<hbm>> -> memref<6256xf32, #tpu.memory_space<hbm>>
      tpu.wait_dma2 semaphore(%run_scoped3A : memref<!tpu.dma_semaphore, #tpu.memory_space<semaphore_mem>>) src(%arg10 : memref<6256xf32, #tpu.memory_space<vmem>>) dst(%dma_wait3A_431 : memref<6256xf32, #tpu.memory_space<hbm>>)
      tpu.yield
    }) : () -> ()
    return
  }
}

</mosaic_0001>

<sc_bundles>
// kernel: kernel.3.cloned.1.call-start
scs
__scs_entry_jumppad:
0x0: {  	(pc) =	sbr.rel $0x88, $3  }
0x1: {  	(tag) =	ssettag $0x0;
	lr =	simm.s32 $0x1  }
0x2: {  	[smem:$0x3F9F] =	sst lr;
	_ =	strace $0xD0000000  }
0x3: {  	_ = 	snop  }
0x4: {  	_ = 	snop  }
0x5: {  	_ = 	snop  }
0x6: {  	_ = 	snop  }
0x7: {  	_ = 	snop  }
__scs_overlays_trampoline_lowered:
0x8: {  	[smem:$0x3FAE] =	sst s0  }
0x9: {  	[smem:$0x3FAF] =	sst s1  }
0xa: {  	[smem:$0x3FB0] =	sst s2  }
0xb: {  	[smem:$0x3FB1] =	sst s3  }
0xc: {  	[smem:$0x3FB2] =	sst s4  }
0xd: {  	[smem:$0x3FB3] =	sst s5  }
0xe: {  	[smem:$0x3FB4] =	sst s6  }
0xf: {  	[smem:$0x3FB5] =	sst s7  }
0x10: {  	[smem:$0x3FB6] =	sst s8  }
0x11: {  	[smem:$0x3FB7] =	sst s9;
	s0 =	simm.s32 @!p0 $0x0  }
0x12: {  	s1 =	sld [smem:$0x3F9D];
	s0 =	simm.s32 @p0 $0x1  }
0x13: {  	[smem:$0x3FB8] =	sst s0;
	s0 =	simm.s32 @!p1 $0x0  }
0x14: {  	s2 =	sld [smem:$0x3F9C];
	s0 =	simm.s32 @p1 $0x1  }
0x15: {  	[smem:$0x3FB9] =	sst s0;
	s0 =	simm.s32 @!p2 $0x0  }
0x16: {  	s3 =	sld [smem:$0x3FDB];
	s0 =	simm.s32 @p2 $0x1  }
0x17: {  	s4 =	simm.s32 $0x1BF5;
	[smem:$0x3FBB] =	sst s0  }
0x18: {  	s0 =	sld [smem:$0x3F9E];
	_ =	swait.ge [sflag:s4], $0x0  }
0x19: {  	s7 =	sld [smem:$0x3F9F]  }
0x1a: {  	s8 =	sadd.s32 $0xFFFFE003, lr  }
0x1b: {  	s9 =	sadd.s32 $0xFFFFFEF7, lr;
	s5 =	simm.s32 $0xFFFFFFFF;
	p2 =	slt.u32 s8, $0xFFFFF086  }
0x1c: {  	p1 =	slt.u32 s9, $0xF7A;
	s5 =	simm.s32 @!p2 $0x0  }
0x1d: {  	s5 =	simm.s32 @p1 $0x1;
	p0 =	seq.s32 s7, s2  }
0x1e: {  	s7 =	smul.u32 @!p0 $0xF7A, s2;
	p2 =	seq.s32 @!p0 s5, $0x0  }
0x1f: {  	s9 =	smul.u32 $0xF7A, s1;
	s8 =	simm.s32 @!p0 $0x1BF5;
	p2 =	por !p2, p0  }
0x20: {  	[sflag:s8] =	ssyncset.s32 @!p0 $0xFFFFF086;
	s6 =	sadd.s32 @!p0 s3, s7;
	s7 =	simm.s32 @!p0 $0x108  }
0x21: {  	s3 =	sadd.s32 s3, s9;
	s6 =	sadd.s32 @!p0 $0x88, s6;
	s7 =	simm.s32 @p2 $0x1082  }
0x22: {  	[simem:s7], [sflag:s8] =	dma.local @!p0 [hbm:s6], $0xF7A  }
0x23: {  	s9 =	sor.u32 $0xD0000000, s2;
	s6 =	simm.s32 $0x108;
	_ =	swait.ge @!p0 [sflag:s8], $0x0  }
0x24: {  	s3 =	sadd.s32 $0x88, s3;
	s6 =	simm.s32 @!p1 $0x1082;
	[sflag:s4] =	ssyncset.s32 $0xFFFFF086  }
0x25: {  	[simem:s6], [sflag:s4] =	dma.local [hbm:s3], $0xF7A  }
0x26: {  	[smem:$0x3F9F] =	sst s1;
	(tag) =	ssettag s2;
	_ =	strace s9  }
0x27: {  	s1 =	sld [smem:$0x3FAF]  }
0x28: {  	s2 =	sld [smem:$0x3FB0]  }
0x29: {  	s4 =	sld [smem:$0x3FB2]  }
0x2a: {  	p0 =	seq.s32 s5, $0x0;
	s5 =	sld [smem:$0x3FB3]  }
0x2b: {  	s6 =	sld [smem:$0x3FB4]  }
0x2c: {  	s7 =	sld [smem:$0x3FB5]  }
0x2d: {  	s3 =	simm.s32 $0x108;
	s8 =	sld [smem:$0x3FB6]  }
0x2e: {  	s3 =	simm.s32 @!p0 $0x1082;
	s9 =	sld [smem:$0x3FB7]  }
0x2f: {  	lr =	sadd.s32 s0, s3;
	s0 =	sld [smem:$0x3FAE]  }
0x30: {  	s3 =	sld [smem:$0x3FB1]  }
0x31: {  	[smem:$0x3FBA] =	sst s10  }
0x32: {  	s10 =	sld [smem:$0x3FB8];
	_ =	sdelay $0x3  }
0x33: {  	p0 =	seq.s32 s10, $0x1;
	s10 =	sld [smem:$0x3FBA];
	_ =	sdelay $0x3  }
0x34: {  	[smem:$0x3FBA] =	sst s10  }
0x35: {  	s10 =	sld [smem:$0x3FB9];
	_ =	sdelay $0x3  }
0x36: {  	p1 =	seq.s32 s10, $0x1;
	s10 =	sld [smem:$0x3FBA];
	_ =	sdelay $0x3  }
0x37: {  	[smem:$0x3FBA] =	sst s10  }
0x38: {  	s10 =	sld [smem:$0x3FBB]  }
0x39: {  	_ = 	snop;
	(pc) =	sbr.ind lr, $3  }
0x3a: {  	_ = 	snop  }
0x3b: {  	_ = 	snop  }
0x3c: {  	p2 =	seq.s32 s10, $0x1;
	s10 =	sld [smem:$0x3FBA]  }
0x3d: {  	_ =	shalt  }
0x3e: {  	_ =	shalt  }
0x3f: {  	_ =	shalt  }
0x40: {  	_ =	shalt  }
0x41: {  	_ =	shalt  }
0x42: {  	_ =	shalt  }
0x43: {  	_ =	shalt  }
0x44: {  	_ =	shalt  }
0x45: {  	_ =	shalt  }
0x46: {  	_ =	shalt  }
0x47: {  	_ =	shalt  }
0x48: {  	_ =	shalt  }
0x49: {  	_ =	shalt  }
0x4a: {  	_ =	shalt  }
0x4b: {  	_ =	shalt  }
0x4c: {  	_ =	shalt  }
0x4d: {  	_ =	shalt  }
0x4e: {  	_ =	shalt  }
0x4f: {  	_ =	shalt  }
0x50: {  	_ =	shalt  }
0x51: {  	_ =	shalt  }
0x52: {  	_ =	shalt  }
0x53: {  	_ =	shalt  }
0x54: {  	_ =	shalt  }
0x55: {  	_ =	shalt  }
0x56: {  	_ =	shalt  }
0x57: {  	_ =	shalt  }
0x58: {  	_ =	shalt  }
0x59: {  	_ =	shalt  }
0x5a: {  	_ =	shalt  }
0x5b: {  	_ =	shalt  }
0x5c: {  	_ =	shalt  }
0x5d: {  	_ =	shalt  }
0x5e: {  	_ =	shalt  }
0x5f: {  	_ =	shalt  }
0x60: {  	_ =	shalt  }
0x61: {  	_ =	shalt  }
0x62: {  	_ =	shalt  }
0x63: {  	_ =	shalt  }
0x64: {  	_ =	shalt  }
0x65: {  	_ =	shalt  }
0x66: {  	_ =	shalt  }
0x67: {  	_ =	shalt  }
0x68: {  	_ =	shalt  }
0x69: {  	_ =	shalt  }
0x6a: {  	_ =	shalt  }
0x6b: {  	_ =	shalt  }
0x6c: {  	_ =	shalt  }
0x6d: {  	_ =	shalt  }
0x6e: {  	_ =	shalt  }
0x6f: {  	_ =	shalt  }
0x70: {  	_ =	shalt  }
0x71: {  	_ =	shalt  }
0x72: {  	_ =	shalt  }
0x73: {  	_ =	shalt  }
0x74: {  	_ =	shalt  }
0x75: {  	_ =	shalt  }
0x76: {  	_ =	shalt  }
0x77: {  	_ =	shalt  }
0x78: {  	_ =	shalt  }
0x79: {  	_ =	shalt  }
0x7a: {  	_ =	shalt  }
0x7b: {  	_ =	shalt  }
0x7c: {  	_ =	shalt  }
0x7d: {  	_ =	shalt  }
0x7e: {  	_ =	shalt  }
0x7f: {  	_ =	shalt  }
0x80: {  	_ =	shalt  }
0x81: {  	_ =	shalt  }
0x82: {  	_ =	shalt  }
0x83: {  	_ =	shalt  }
0x84: {  	_ =	shalt  }
0x85: {  	_ =	shalt  }
0x86: {  	_ =	shalt  }
0x87: {  	_ =	shalt  }
.Lfunc_end0:
.L_simem_size_0:
called_computation_lowered:
.L_overlay_start_0:
0x88: {  	s2 =	sld [smem:$0x3FD9]  }
0x89: {  	s3 =	sld [smem:$0x3FFE];
	_ =	sdelay $0x1  }
0x8a: {  	s1 =	srdreg.scid  }
0x8b: {  	s0 =	sand.u32 $0x1, s1  }
0x8c: {  	s17 =	sshll.u32 s0, $0xA;
	s2 =	sadd.s32 s3, s2  }
0x8d: {  	s2 =	sadd.s32 s2, s17  }
0x8e: {  	[smem:$0x3FC6] =	sst s2  }
0x8f: {  	_ = 	snop  }
0x90: {  	s2 =	sld [smem:$0x3FC9]  }
0x91: {  	s18 =	sld [smem:$0x3FC8];
	(tm) =	ssettm $0x1  }
0x92: {  	s4 =	sld [smem:$0x3FFB];
	_ =	sdelay $0x3  }
0x93: {  	_ =	strace s4  }
0x94: {  	s4 =	sld [smem:$0x3FFC];
	_ =	sdelay $0x3  }
0x95: {  	_ =	strace s4  }
0x96: {  	s4 =	sld [smem:$0x3FFD];
	_ =	sdelay $0x3  }
0x97: {  	_ =	strace s4  }
0x98: {  	_ =	strace $0x8FFFFFFF  }
0x99: {  	s19 =	sld [smem:$0x3FDB];
	_ =	sdelay $0x1  }
0x9a: {  	s5 =	simm.s32 $_scs_section_size  }
0x9b: {  	s6 =	simm.s32 $_size__tile_overlayer_lowered;
	s7 =	simm.s32 $_tile_overlayer_lowered  }
0x9c: {  	s22 =	simm.s32 $0x1BFF;
	s21 =	sshll.u32 s7, $0x1;
	s4 =	sadd.s32 s5, s19  }
0x9d: {  	s8 =	simm.s32 $0x0;
	s20 =	sshll.u32 s6, $0x1;
	s6 =	sadd.s32 s21, s4  }
0x9e: {  	[timem:s8], [sflag:s22] =	dma.local [hbm:s6], s20  }
0x9f: {  	_ =	swait.ge [sflag:s22], s20  }
0xa0: {  	s5 =	ssub.s32 $0x0, s20;
	[sflag:s22] =	ssyncset.done $0x0  }
0xa1: {  	[sflag:s22] =	ssyncadd.s32 s5;
	_ =	sdelay $0x1  }
0xa2: {  	s23 =	simm.s32 $0x1B8B  }
0xa3: {  	_ =	swait.ge [sflag:s23], $0x1  }
0xa4: {  	[sflag:s23] =	ssyncset.done $0x0  }
0xa5: {  	s25 =	simm.s32 $0x1B8E;
	s24 =	sld [smem:$0x3FFE];
	[sflag:s23] =	ssyncadd.s32 $0xFFFFFFFF  }
0xa6: {  	s26 =	simm.s32 $execute0_lowered;
	[smem:$0x3FD2] =	sst s25  }
0xa7: {  	s6 =	sshll.u32 s26, $0x1;
	_ =	strace $0x80000046;
	[dreg:$0x1] =	wrdreg $0xFFFFFFFF  }
0xa8: {  	s28 =	simm.s32 $_size_execute0_lowered;
	s4 =	sadd.s32 s4, s6;
	[dreg:$0x0] =	wrdreg $0x0  }
0xa9: {  	s6 =	sshll.u32 s28, $0x1;
	[dreg:$0x2] =	wrdreg s4  }
0xaa: {  	[dreg:$0x3] =	wrdreg s6  }
0xab: {  	[dreg:$0x4] =	wrdreg $0xC0  }
0xac: {  	_ =	task [dreg:s8], $0x5FFFF  }
0xad: {  	[dreg:$0x1] =	wrdreg $0xFFFFFFFF  }
0xae: {  	[dreg:$0x0] =	wrdreg $0x60  }
0xaf: {  	[dreg:$0x2] =	wrdreg s2  }
0xb0: {  	[dreg:$0x3] =	wrdreg s18  }
0xb1: {  	[dreg:$0x4] =	wrdreg s24  }
0xb2: {  	[dreg:$0x5] =	wrdreg $0x71000  }
0xb3: {  	[dreg:$0x6] =	wrdreg $0x9  }
0xb4: {  	_ =	task.clear_ibuf [dreg:s8], $0x7FFFF;
	_ =	strace $0x90000046  }
0xb5: {  	s29 =	simm.s32 $0x9;
	_ =	strace $0x80000048  }
0xb6: {  	_ =	swait.ge [sflag:s29], $0x1  }
0xb7: {  	[sflag:s29] =	ssyncadd.s32 $0xFFFFFFFF  }
0xb8: {  	_ =	strace $0x90000048  }
0xb9: {  	_ =	sfence  }
0xba: {  	s30 =	sld [smem:$0x0];
	_ =	sdelay $0x2  }
0xbb: {  	s31 =	sshll.u32 s1, $0xD;
	s1 =	sshrl.u32 s1, $0x2  }
0xbc: {  	s3 =	sand.u32 $0x4000, s31;
	s1 =	sadd.s32 s1, s30  }
0xbd: {  	s0 =	sor.u32 s3, s0;
	s1 =	sshll.u32 s1, $0x11  }
0xbe: {  	s0 =	sor.u32 s1, s0  }
0xbf: {  	s0 =	sadd.s32 $0x8F2B, s0  }
0xc0: {  	[sflag:s0] =	ssyncadd.remote.s32 $0x1  }
0xc1: {  	_ =	sfence.sel $0xFFFF  }
0xc2: {  	[dreg:$0x0] =	wrdreg $0xFFFFFFFF;
	(pc) =	sbr.abs _section_cstart, $3  }
0xc3: {  	[dreg:$0x1] =	wrdreg $0xFFFFFFFF  }
0xc4: {  	_ =	task.clear_ibuf [dreg:s8], $0x2FFFF;
	_ =	strace $0x9FFFFFFF  }
0xc5: {  	(tm) =	ssettm $0x7FFFFFFF  }
tec
execute0_lowered:
.L_overlay_start_1:
0x0: {  	(tag) =	ssettag $0x1  }
0x1: {  	s1 =	rddreg [dreg:$0x0]  }
0x2: {  	s2 =	rddreg [dreg:$0x1]  }
0x3: {  	s0 =	rddreg [dreg:$0x2]  }
0x4: {  	s14 =	rddreg [dreg:$0x3]  }
0x5: {  	s4 =	srdreg.scid;
	s3 =	stileid.u32  }
0x6: {  	s5 =	simm.s32 $0x0;
	s4 =	sand.u32 $0x1, s4;
	s6 =	smul.u32 $0x1870, s3  }
0x7: {  	[smem:$0x7FF] =	sst s5;
	s11 =	sadd.s32 $0x400, s0;
	s19 =	smul.u32 $0x18700, s3  }
0x8: {  	s12 =	sshll.u32 s3, $0x4;
	s7 =	smul.u32 $0x18700, s4;
	s8 =	sshll.u32 s4, $0x4  }
0x9: {  	_ =	strace $0x80000047;
	s13 =	ssub.s32 $0x2, s4;
	s4 =	smul.u32 $0x187000, s4  }
0xa: {  	[dreg:$0x5] =	wrdreg s11;
	s12 =	sadd.s32 s12, s14;
	s14 =	simm.s32 $0x3  }
0xb: {  	s8 =	sor.u32 s3, s8;
	s15 =	sshrl.u32 s13, $0x1;
	s7 =	sadd.s32 s6, s7  }
0xc: {  	s10 =	smul.u32 $0x30D40, s8;
	s13 =	ssub.s32 s13, s15;
	s6 =	sadd.s32 s6, s4  }
0xd: {  	s4 =	sadd.s32 s19, s4;
	s15 =	simm.s32 $0x5880;
	s6 =	sshrl.u32 s6, $0x3  }
0xe: {  	s7 =	sshrl.u32 s7, $0x3;
	[dreg:$0xf] =	wrdreg s4;
	s11 =	sadd.s32 s11, s6  }
0xf: {  	s4 =	simm.s32 $0x3000;
	s0 =	sadd.s32 s7, s0;
	s6 =	sadd.s32 $0x30E0, s11  }
0x10: {  	s9 =	sshrl.u32 s10, $0x3;
	s16 =	sadd.s32 $0x61C0, s11;
	[dreg:$0x6] =	wrdreg s6  }
0x11: {  	s7 =	sadd.s32 s1, s9;
	s17 =	sadd.s32 $0x92A0, s11;
	[dreg:$0x7] =	wrdreg s16  }
0x12: {  	s8 =	sadd.s32 s2, s9;
	s18 =	sadd.s32 $0xC380, s11;
	[dreg:$0x8] =	wrdreg s17  }
0x13: {  	s9 =	sadd.s32 $0xFA0, s10;
	s20 =	sadd.s32 $0xF460, s11;
	[dreg:$0x9] =	wrdreg s18  }
0x14: {  	s10 =	sadd.s32 $0x1F40, s10;
	s21 =	sadd.s32 $0x12540, s11;
	[dreg:$0xa] =	wrdreg s20  }
0x15: {  	s22 =	sadd.s32 $0x15620, s11;
	s23 =	sadd.s32 $0x18700, s11;
	[dreg:$0xb] =	wrdreg s21  }
0x16: {  	s24 =	sadd.s32 $0x1B7E0, s11;
	s25 =	sadd.s32 $0x1E8C0, s11;
	[dreg:$0xc] =	wrdreg s22  }
0x17: {  	s26 =	sadd.s32 $0x219A0, s11;
	s28 =	sadd.s32 $0x24A80, s11;
	[dreg:$0xd] =	wrdreg s23  }
.Ltmp0:
0x18: {  	s29 =	sadd.s32 $0x27B60, s11;
	[dreg:$0xe] =	wrdreg s24;
	(pc) =	sbr.rel .LBB2_1-.Ltmp0, $4  }
0x19: {  	s30 =	sadd.s32 $0x2AC40, s11;
	s31 =	sadd.s32 $0x2DD20, s11;
	[dreg:$0x10] =	wrdreg s25  }
0x1a: {  	s24 =	sadd.s32 $0x62000, s0;
	s25 =	smax.u32 s13, $0x1;
	[dreg:$0x11] =	wrdreg s26  }
0x1b: {  	v0 =	vimm.f32 $0.0e+00;
	vm0 =	vcmask $0x3F3C;
	[dreg:$0x12] =	wrdreg s28;
	s0 =	simm.s32 $0x1000;
	s22 =	simm.s32 $0x1  }
0x1c: {  	vm1 =	vmmov $0x7fff;
	vm2 =	vcmask $0x300;
	vm3 =	vcmask $0x704;
	s6 =	simm.s32 $0x7110;
	s13 =	simm.s32 $0x2;
	s16 =	simm.s32 $0x0  }
.LBB2_101:
0x1d: {  	s16 =	sadd.s32 $0x1, s16  }
0x1e: {  	p0 =	sne.s32 s16, s25  }
.Ltmp1:
0x1f: {  	s17 =	simm.s32 $0x4000;
	(pc) =	sbr.rel @!p0 .LBB2_102-.Ltmp1, $4  }
0x20: {  	[hbm4b:s24+s5] =	stream.linear.scatter [tilespmem:s17], [sflag:$0x3], $0x1870, $0x38;
	[tilespmem:$0x1F810] =	vst v63  }
0x21: {  	_ =	swait.ge [sflag:s14], $0x1870  }
0x22: {  	[sflag:s14] =	ssyncset.done $0x0  }
0x23: {  	[sflag:s14] =	ssyncadd.s32 $0xFFFFE790  }
.LBB2_1:
0x24: {  	[tilespmem:s5], [sflag:$0x1] =	stream.linear.gather [hbm4b:s7+s5], $0xFA0, $0x38;
	[tilespmem:$0x1F810] =	vst v63  }
0x25: {  	s17 =	simm.s32 $0x2000  }
0x26: {  	[tilespmem:s17], [sflag:$0x1] =	stream.linear.gather [hbm4b:s8+s5], $0xFA0, $0x38;
	[tilespmem:$0x1F810] =	vst v63  }
0x27: {  	s17 =	simm.s32 $0x7150  }
0x28: {  	[tilespmem:s17+$0xFFFFFFC0] =	vst v0  }
0x29: {  	[tilespmem:s17+$0x30] =	vst v0  }
0x2a: {  	[tilespmem:s17+$0x20] =	vst v0  }
0x2b: {  	[tilespmem:s17+$0x10] =	vst v0  }
0x2c: {  	[tilespmem:s17+$0x0] =	vst v0  }
0x2d: {  	[tilespmem:s17+$0xFFFFFFF0] =	vst v0  }
0x2e: {  	s18 =	simm.s32 $0x0;
	[tilespmem:s17+$0xFFFFFFE0] =	vst v0  }
.LBB2_2:
0x2f: {  	s18 =	sadd.s32 $0x80, s18;
	[tilespmem:s17+$0xFFFFFFD0] =	vst v0;
	s17 =	sadd.s32 $0x80, s17  }
0x30: {  	[tilespmem:s17+$0xFFFFFFC0] =	vst v0;
	p0 =	slt.u32 s18, $0x18680  }
0x31: {  	[tilespmem:s17+$0x30] =	vst v0  }
.Ltmp2:
0x32: {  	[tilespmem:s17+$0x20] =	vst v0;
	(pc) =	sbr.rel @p0 .LBB2_2-.Ltmp2, $4  }
0x33: {  	[tilespmem:s17+$0x10] =	vst v0  }
0x34: {  	[tilespmem:s17+$0x0] =	vst v0  }
0x35: {  	[tilespmem:s17+$0xFFFFFFF0] =	vst v0  }
0x36: {  	[tilespmem:s17+$0xFFFFFFE0] =	vst v0  }
0x37: {  	[tilespmem:s17+$0xFFFFFFD0] =	vst v0;
	s17 =	simm.s32 $0x0  }
.LBB2_4:
0x38: {  	s18 =	smul.u32 $0x1F40, s17;
	_ =	sdelay $0x1  }
0x39: {  	s19 =	sadd.s32 s18, s9  }
0x3a: {  	s19 =	sshrl.u32 s19, $0x3  }
0x3b: {  	s20 =	sadd.s32 s1, s19  }
0x3c: {  	[tilespmem:s0], [sflag:$0x2] =	stream.linear.gather [hbm4b:s20+s5], $0xFA0, $0x38;
	[tilespmem:$0x1F810] =	vst v63  }
0x3d: {  	s19 =	sadd.s32 s2, s19  }
0x3e: {  	[tilespmem:s4], [sflag:$0x2] =	stream.linear.gather [hbm4b:s19+s5], $0xFA0, $0x38;
	[tilespmem:$0x1F810] =	vst v63  }
0x3f: {  	_ =	swait.ge [sflag:s22], $0xFA0  }
0x40: {  	[sflag:s22] =	ssyncset.done $0x0  }
0x41: {  	[sflag:s22] =	ssyncadd.s32 $0xFFFFF060  }
0x42: {  	_ =	swait.ge [sflag:s22], $0xFA0  }
0x43: {  	[sflag:s22] =	ssyncset.done $0x0  }
0x44: {  	s23 =	simm.s32 $0x40;
	[sflag:s22] =	ssyncadd.s32 $0xFFFFF060  }
0x45: {  	s19 =	simm.s32 $0x2040;
	v7 =	vld [tilespmem:s23+$0x31]  }
0x46: {  	v1 =	vld [tilespmem:s19+$0x30]  }
0x47: {  	v10 =	vld [tilespmem:s23+$0x21]  }
0x48: {  	v9 =	vld [tilespmem:s23+$0x20]  }
0x49: {  	v2 =	vld [tilespmem:s19+$0x20]  }
0x4a: {  	v6 =	vld [tilespmem:s23+$0x30]  }
0x4b: {  	v11 =	vld [tilespmem:s23+$0x11];
	(xrf2) =	vadd.scan.msk.f32 $0xffff, v1  }
0x4c: {  	v12 =	vld [tilespmem:s23+$0x10]  }
0x4d: {  	v4 =	vld [tilespmem:s19+$0x10]  }
0x4e: {  	v13 =	vld [tilespmem:s19+$0x0];
	(xrf2) =	vadd.scan.msk.f32 $0xffff, v2  }
0x4f: {  	v8 =	vld [tilespmem:s19+$0xFFFFFFF0];
	vm4 =	vne.s32 v6, v7  }
0x50: {  	v14 =	vld [tilespmem:s19+$0xFFFFFFE0];
	vm5 =	vmor vm4, vm0  }
0x51: {  	v15 =	vld [tilespmem:s19+$0xFFFFFFD0]  }
0x52: {  	v3 =	vld [tilespmem:s19+$0xFFFFFFC0];
	vm6 =	vne.s32 v9, v10;
	vm4 =	vmand vm4, vm1  }
0x53: {  	v5 =	vld [tilespmem:s23+$0xFFFFFFF1];
	vm7 =	vmor vm6, vm0;
	(xrf2) =	vadd.scan.msk.f32 $0xffff, v4  }
0x54: {  	v16 =	vld [tilespmem:s23+$0xFFFFFFF0]  }
0x55: {  	v1 =	vld [tilespmem:s23+$0xFFFFFFC1];
	v17, _, _ =	vpop (xrf2)  }
0x56: {  	[tilespmem:v6+s6+$0x0] =	vst.idx.add.f32.msk vm5, v17;
	v17 =	vsub.f32 $0.0e+00, v17  }
0x57: {  	v2 =	vld [tilespmem:s23+$0xFFFFFFC0];
	vm6 =	vmand vm6, vm1  }
0x58: {  	vm8 =	vne.s32 v12, v11;
	[tilespmem:v7+s6+$0x0] =	vst.idx.add.f32.msk vm4, v17;
	v7, _, _ =	vpop (xrf2)  }
0x59: {  	vm9 =	vmor vm8, vm0;
	(xrf2) =	vadd.scan.msk.f32 $0xffff, v8;
	[tilespmem:v9+s6+$0x0] =	vst.idx.add.f32.msk vm7, v7;
	v7 =	vsub.f32 $0.0e+00, v7  }
0x5a: {  	vm8 =	vmand vm8, vm1;
	v4 =	vld [tilespmem:s23+$0x1]  }
0x5b: {  	v8 =	vld [tilespmem:s23+$0x0]  }
0x5c: {  	(xrf2) =	vadd.scan.msk.f32 $0xffff, v13;
	v6 =	vld [tilespmem:s23+$0xFFFFFFE1]  }
0x5d: {  	vm10 =	vne.s32 v16, v5;
	[tilespmem:v10+s6+$0x0] =	vst.idx.add.f32.msk vm6, v7;
	v7, _, _ =	vpop (xrf2)  }
0x5e: {  	vm11 =	vmor vm10, vm0;
	v9 =	vld [tilespmem:s23+$0xFFFFFFE0];
	v10 =	vsub.f32 $0.0e+00, v7  }
0x5f: {  	(xrf2) =	vadd.scan.msk.f32 $0xffff, v14;
	[tilespmem:v12+s6+$0x0] =	vst.idx.add.f32.msk vm9, v7  }
0x60: {  	vm6 =	vne.s32 v8, v4;
	[tilespmem:v11+s6+$0x0] =	vst.idx.add.f32.msk vm8, v10;
	vm8 =	vmand vm10, vm1  }
0x61: {  	vm5 =	vmor vm6, vm0  }
0x62: {  	(xrf2) =	vadd.scan.msk.f32 $0xffff, v15;
	v7 =	vld [tilespmem:s23+$0xFFFFFFD1]  }
0x63: {  	s26 =	simm.s32 $0x0;
	vm6 =	vmand vm6, vm1;
	vm9 =	vne.s32 v9, v6;
	v11, _, _ =	vpop (xrf2);
	v10 =	vld [tilespmem:s23+$0xFFFFFFD0]  }
0x64: {  	s28 =	simm.s32 $0xC0;
	s21 =	simm.s32 $0xF81;
	s20 =	simm.s32 $0x2F80;
	vm4 =	vne.s32 v2, v1;
	vm7 =	vmor vm9, vm0;
	[tilespmem:v16+s6+$0x0] =	vst.idx.add.f32.msk vm11, v11;
	v11 =	vsub.f32 $0.0e+00, v11  }
.LBB2_5:
0x65: {  	v12 =	vld [tilespmem:s28+$0x31];
	s26 =	sadd.s32 $0x80, s26;
	s19 =	sadd.s32 $0x80, s19;
	s23 =	simm.s32 $0xF70;
	(xrf2) =	vadd.scan.msk.f32 $0xffff, v3  }
0x66: {  	vm9 =	vmand vm9, vm1;
	p0 =	slt.u32 s26, $0xF00;
	[tilespmem:v5+s6+$0x0] =	vst.idx.add.f32.msk vm8, v11;
	v3, _, _ =	vpop (xrf2)  }
0x67: {  	[tilespmem:v8+s6+$0x0] =	vst.idx.add.f32.msk vm5, v3;
	v5 =	vsub.f32 $0.0e+00, v3  }
0x68: {  	v11 =	vld [tilespmem:s28+$0x21];
	vm5 =	vne.s32 v10, v7  }
0x69: {  	vm8 =	vmor vm5, vm0;
	[tilespmem:v4+s6+$0x0] =	vst.idx.add.f32.msk vm6, v5;
	v3, _, _ =	vpop (xrf2)  }
0x6a: {  	vm6 =	vmor vm4, vm0;
	[tilespmem:v9+s6+$0x0] =	vst.idx.add.f32.msk vm7, v3;
	v4 =	vsub.f32 $0.0e+00, v3  }
0x6b: {  	v9 =	vld [tilespmem:s28+$0x20]  }
0x6c: {  	vm5 =	vmand vm5, vm1;
	vm7 =	vmand vm4, vm1;
	[tilespmem:v6+s6+$0x0] =	vst.idx.add.f32.msk vm9, v4;
	v3, _, _ =	vpop (xrf2)  }
0x6d: {  	v6 =	vld [tilespmem:s28+$0x30]  }
0x6e: {  	v4 =	vld [tilespmem:s19+$0x30]  }
0x6f: {  	[tilespmem:v10+s6+$0x0] =	vst.idx.add.f32.msk vm8, v3;
	v5, _, _ =	vpop (xrf2)  }
0x70: {  	v3 =	vsub.f32 $0.0e+00, v3;
	vm4 =	vne.s32 v9, v11;
	[tilespmem:v2+s6+$0x0] =	vst.idx.add.f32.msk vm6, v5;
	v2 =	vsub.f32 $0.0e+00, v5  }
0x71: {  	v5 =	vld [tilespmem:s19+$0x20]  }
0x72: {  	[tilespmem:v1+s6+$0x0] =	vst.idx.add.f32.msk vm7, v2  }
0x73: {  	[tilespmem:v7+s6+$0x0] =	vst.idx.add.f32.msk vm5, v3  }
0x74: {  	v10 =	vld [tilespmem:s28+$0x11]  }
0x75: {  	v7 =	vld [tilespmem:s28+$0x10]  }
0x76: {  	vm5 =	vne.s32 v6, v12;
	v8 =	vld [tilespmem:s19+$0x10]  }
0x77: {  	v13 =	vld [tilespmem:s19+$0x0];
	(xrf2) =	vadd.scan.msk.f32 $0xffff, v4  }
0x78: {  	v14 =	vld [tilespmem:s19+$0xFFFFFFF0]  }
0x79: {  	v15 =	vld [tilespmem:s19+$0xFFFFFFE0]  }
0x7a: {  	v16 =	vld [tilespmem:s19+$0xFFFFFFD0];
	(xrf2) =	vadd.scan.msk.f32 $0xffff, v5  }
0x7b: {  	v3 =	vld [tilespmem:s19+$0xFFFFFFC0]  }
0x7c: {  	vm6 =	vmor vm5, vm0;
	v2 =	vld [tilespmem:s28+$0xFFFFFFC0]  }
0x7d: {  	v1 =	vld [tilespmem:s28+$0xFFFFFFC1];
	(xrf2) =	vadd.scan.msk.f32 $0xffff, v8  }
0x7e: {  	vm5 =	vmand vm5, vm1;
	v5 =	vld [tilespmem:s28+$0xFFFFFFF1]  }
0x7f: {  	vm8 =	vmor vm4, vm0;
	vm9 =	vmand vm4, vm1;
	vm7 =	vne.s32 v7, v10;
	v17 =	vld [tilespmem:s28+$0xFFFFFFF0]  }
0x80: {  	vm10 =	vmor vm7, vm0;
	v4 =	vld [tilespmem:s28+$0x1];
	(xrf2) =	vadd.scan.msk.f32 $0xffff, v14  }
0x81: {  	v8 =	vld [tilespmem:s28+$0x0];
	v14, _, _ =	vpop (xrf2)  }
0x82: {  	vm7 =	vmand vm7, vm1;
	vm4 =	vne.s32 v2, v1;
	[tilespmem:v6+s6+$0x0] =	vst.idx.add.f32.msk vm6, v14;
	v14 =	vsub.f32 $0.0e+00, v14  }
0x83: {  	v6 =	vld [tilespmem:s28+$0xFFFFFFE1]  }
0x84: {  	vm6 =	vne.s32 v17, v5;
	[tilespmem:v12+s6+$0x0] =	vst.idx.add.f32.msk vm5, v14;
	(xrf2) =	vadd.scan.msk.f32 $0xffff, v13;
	v12, _, _ =	vpop (xrf2)  }
0x85: {  	vm11 =	vmor vm6, vm0;
	[tilespmem:v9+s6+$0x0] =	vst.idx.add.f32.msk vm8, v12;
	v12 =	vsub.f32 $0.0e+00, v12  }
0x86: {  	v9 =	vld [tilespmem:s28+$0xFFFFFFE0];
	vm12 =	vne.s32 v8, v4  }
0x87: {  	vm5 =	vmor vm12, vm0;
	[tilespmem:v11+s6+$0x0] =	vst.idx.add.f32.msk vm9, v12;
	(xrf2) =	vadd.scan.msk.f32 $0xffff, v15;
	v11, _, _ =	vpop (xrf2)  }
.Ltmp3:
0x88: {  	vm8 =	vmand vm6, vm1;
	[tilespmem:v7+s6+$0x0] =	vst.idx.add.f32.msk vm10, v11;
	v12 =	vsub.f32 $0.0e+00, v11;
	(pc) =	sbr.rel @p0 .LBB2_5-.Ltmp3, $4  }
0x89: {  	vm6 =	vmand vm12, vm1;
	v7 =	vld [tilespmem:s28+$0xFFFFFFD1]  }
0x8a: {  	[tilespmem:v10+s6+$0x0] =	vst.idx.add.f32.msk vm7, v12;
	(xrf2) =	vadd.scan.msk.f32 $0xffff, v16;
	v11, _, _ =	vpop (xrf2)  }
0x8b: {  	v10 =	vld [tilespmem:s28+$0xFFFFFFD0];
	vm9 =	vne.s32 v9, v6  }
0x8c: {  	s28 =	sadd.s32 $0x80, s28;
	vm7 =	vmor vm9, vm0;
	[tilespmem:v17+s6+$0x0] =	vst.idx.add.f32.msk vm11, v11;
	v11 =	vsub.f32 $0.0e+00, v11  }
0x8d: {  	(xrf2) =	vadd.scan.msk.f32 $0xffff, v3;
	_ =	sdelay $0x3  }
0x8e: {  	vm9 =	vmand vm9, vm1;
	vm10 =	vne.s32 v10, v7  }
0x8f: {  	v3, _, _ =	vpop (xrf2);
	vm11 =	vmor vm10, vm0  }
0x90: {  	vm15 =	vmor vm4, vm0;
	[tilespmem:v5+s6+$0x0] =	vst.idx.add.f32.msk vm8, v11;
	v60 =	vsub.f32 $0.0e+00, v3  }
0x91: {  	vm4 =	vmand vm4, vm1;
	[tilespmem:v8+s6+$0x0] =	vst.idx.add.f32.msk vm5, v3;
	v3, _, _ =	vpop (xrf2)  }
0x92: {  	[tilespmem:v4+s6+$0x0] =	vst.idx.add.f32.msk vm6, v60;
	vm5 =	vmand vm10, vm1;
	v61 =	vsub.f32 $0.0e+00, v3  }
0x93: {  	[tilespmem:v9+s6+$0x0] =	vst.idx.add.f32.msk vm7, v3;
	v3, _, _ =	vpop (xrf2)  }
0x94: {  	[tilespmem:v6+s6+$0x0] =	vst.idx.add.f32.msk vm9, v61;
	v62, _, _ =	vpop (xrf2)  }
0x95: {  	[tilespmem:v10+s6+$0x0] =	vst.idx.add.f32.msk vm11, v3;
	v63 =	vsub.f32 $0.0e+00, v62  }
0x96: {  	[tilespmem:v2+s6+$0x0] =	vst.idx.add.f32.msk vm15, v62;
	v2 =	vsub.f32 $0.0e+00, v3  }
0x97: {  	[tilespmem:v1+s6+$0x0] =	vst.idx.add.f32.msk vm4, v63  }
0x98: {  	[tilespmem:v7+s6+$0x0] =	vst.idx.add.f32.msk vm5, v2  }
.LBB2_7:
0x99: {  	v1 =	vld [tilespmem:s20+$0x0];
	_ =	sdelay $0x3  }
0x9a: {  	v2 =	vld [tilespmem:s21+$0xFFFFFFFF]  }
0x9b: {  	v3 =	vld [tilespmem:s21+$0x0];
	(xrf2) =	vadd.scan.msk.f32 $0xffff, v1;
	_ =	sdelay $0x4  }
0x9c: {  	vm4 =	vne.s32 v2, v3  }
0x9d: {  	vm5 =	vmor vm4, vm0  }
0x9e: {  	s23 =	sadd.s32 $0x10, s23;
	vm4 =	vmand vm4, vm1  }
0x9f: {  	p0 =	slt.u32 s23, $0xF90  }
.Ltmp4:
0xa0: {  	_ = 	snop;
	(pc) =	sbr.rel @p0 .LBB2_7-.Ltmp4, $4  }
0xa1: {  	v1, _, _ =	vpop (xrf2)  }
0xa2: {  	v4 =	vsub.f32 $0.0e+00, v1  }
0xa3: {  	[tilespmem:v2+s6+$0x0] =	vst.idx.add.f32.msk vm5, v1  }
0xa4: {  	s20 =	sadd.s32 $0x10, s20;
	s21 =	sadd.s32 $0x10, s21;
	[tilespmem:v3+s6+$0x0] =	vst.idx.add.f32.msk vm4, v4  }
0xa5: {  	p0 =	seq.s32 s17, $0x18  }
0xa6: {  	s18 =	sadd.s32 @!p0 s18, s10  }
0xa7: {  	s18 =	sshrl.u32 @!p0 s18, $0x3  }
0xa8: {  	s20 =	simm.s32 @!p0 $0x0;
	s19 =	sadd.s32 @!p0 s1, s18  }
0xa9: {  	[tilespmem:s20], [sflag:$0x1] =	stream.linear.gather @!p0 [hbm4b:s19+s20], $0xFA0, $0x38;
	[tilespmem:$0x1F810] =	vst v63  }
0xaa: {  	s18 =	sadd.s32 @!p0 s2, s18;
	s19 =	simm.s32 @!p0 $0x2000  }
0xab: {  	[tilespmem:s19], [sflag:$0x1] =	stream.linear.gather @!p0 [hbm4b:s18+s20], $0xFA0, $0x38;
	[tilespmem:$0x1F810] =	vst v63  }
0xac: {  	_ =	swait.ge [sflag:s13], $0xFA0  }
0xad: {  	[sflag:s13] =	ssyncset.done $0x0  }
0xae: {  	[sflag:s13] =	ssyncadd.s32 $0xFFFFF060  }
0xaf: {  	_ =	swait.ge [sflag:s13], $0xFA0  }
0xb0: {  	[sflag:s13] =	ssyncset.done $0x0  }
0xb1: {  	s28 =	simm.s32 $0x1040;
	[sflag:s13] =	ssyncadd.s32 $0xFFFFF060  }
0xb2: {  	s18 =	simm.s32 $0x3040;
	v7 =	vld [tilespmem:s28+$0x31]  }
0xb3: {  	v1 =	vld [tilespmem:s18+$0x30]  }
0xb4: {  	v10 =	vld [tilespmem:s28+$0x21]  }
0xb5: {  	v9 =	vld [tilespmem:s28+$0x20]  }
0xb6: {  	v2 =	vld [tilespmem:s18+$0x20]  }
0xb7: {  	v6 =	vld [tilespmem:s28+$0x30]  }
0xb8: {  	v11 =	vld [tilespmem:s28+$0x11];
	(xrf2) =	vadd.scan.msk.f32 $0xffff, v1  }
0xb9: {  	v12 =	vld [tilespmem:s28+$0x10]  }
0xba: {  	v4 =	vld [tilespmem:s18+$0x10]  }
0xbb: {  	v13 =	vld [tilespmem:s18+$0x0];
	(xrf2) =	vadd.scan.msk.f32 $0xffff, v2  }
0xbc: {  	v8 =	vld [tilespmem:s18+$0xFFFFFFF0];
	vm4 =	vne.s32 v6, v7  }
0xbd: {  	v14 =	vld [tilespmem:s18+$0xFFFFFFE0];
	vm5 =	vmor vm4, vm0  }
0xbe: {  	v15 =	vld [tilespmem:s18+$0xFFFFFFD0]  }
0xbf: {  	v3 =	vld [tilespmem:s18+$0xFFFFFFC0];
	vm6 =	vne.s32 v9, v10;
	vm4 =	vmand vm4, vm1  }
0xc0: {  	v5 =	vld [tilespmem:s28+$0xFFFFFFF1];
	vm7 =	vmor vm6, vm0;
	(xrf2) =	vadd.scan.msk.f32 $0xffff, v4  }
0xc1: {  	v16 =	vld [tilespmem:s28+$0xFFFFFFF0]  }
0xc2: {  	v1 =	vld [tilespmem:s28+$0xFFFFFFC1];
	v17, _, _ =	vpop (xrf2)  }
0xc3: {  	[tilespmem:v6+s6+$0x0] =	vst.idx.add.f32.msk vm5, v17;
	v17 =	vsub.f32 $0.0e+00, v17  }
0xc4: {  	v2 =	vld [tilespmem:s28+$0xFFFFFFC0];
	vm6 =	vmand vm6, vm1  }
0xc5: {  	vm8 =	vne.s32 v12, v11;
	[tilespmem:v7+s6+$0x0] =	vst.idx.add.f32.msk vm4, v17;
	v7, _, _ =	vpop (xrf2)  }
0xc6: {  	vm9 =	vmor vm8, vm0;
	(xrf2) =	vadd.scan.msk.f32 $0xffff, v8;
	[tilespmem:v9+s6+$0x0] =	vst.idx.add.f32.msk vm7, v7;
	v7 =	vsub.f32 $0.0e+00, v7  }
0xc7: {  	vm8 =	vmand vm8, vm1;
	v4 =	vld [tilespmem:s28+$0x1]  }
0xc8: {  	v8 =	vld [tilespmem:s28+$0x0]  }
0xc9: {  	(xrf2) =	vadd.scan.msk.f32 $0xffff, v13;
	v6 =	vld [tilespmem:s28+$0xFFFFFFE1]  }
0xca: {  	vm10 =	vne.s32 v16, v5;
	[tilespmem:v10+s6+$0x0] =	vst.idx.add.f32.msk vm6, v7;
	v7, _, _ =	vpop (xrf2)  }
0xcb: {  	vm11 =	vmor vm10, vm0;
	v9 =	vld [tilespmem:s28+$0xFFFFFFE0];
	v10 =	vsub.f32 $0.0e+00, v7  }
0xcc: {  	(xrf2) =	vadd.scan.msk.f32 $0xffff, v14;
	[tilespmem:v12+s6+$0x0] =	vst.idx.add.f32.msk vm9, v7  }
0xcd: {  	vm6 =	vne.s32 v8, v4;
	[tilespmem:v11+s6+$0x0] =	vst.idx.add.f32.msk vm8, v10;
	vm8 =	vmand vm10, vm1  }
0xce: {  	vm5 =	vmor vm6, vm0  }
0xcf: {  	(xrf2) =	vadd.scan.msk.f32 $0xffff, v15;
	v7 =	vld [tilespmem:s28+$0xFFFFFFD1]  }
0xd0: {  	s21 =	simm.s32 $0x0;
	vm6 =	vmand vm6, vm1;
	vm9 =	vne.s32 v9, v6;
	v11, _, _ =	vpop (xrf2);
	v10 =	vld [tilespmem:s28+$0xFFFFFFD0]  }
0xd1: {  	s23 =	simm.s32 $0x10C0;
	s19 =	simm.s32 $0x3F80;
	s20 =	simm.s32 $0x1F81;
	vm4 =	vne.s32 v2, v1;
	vm7 =	vmor vm9, vm0;
	[tilespmem:v16+s6+$0x0] =	vst.idx.add.f32.msk vm11, v11;
	v11 =	vsub.f32 $0.0e+00, v11  }
.LBB2_9:
0xd2: {  	v12 =	vld [tilespmem:s23+$0x31];
	s21 =	sadd.s32 $0x80, s21;
	s18 =	sadd.s32 $0x80, s18;
	(xrf2) =	vadd.scan.msk.f32 $0xffff, v3  }
0xd3: {  	vm9 =	vmand vm9, vm1;
	p0 =	slt.u32 s21, $0xF00;
	[tilespmem:v5+s6+$0x0] =	vst.idx.add.f32.msk vm8, v11;
	v3, _, _ =	vpop (xrf2)  }
0xd4: {  	[tilespmem:v8+s6+$0x0] =	vst.idx.add.f32.msk vm5, v3;
	v5 =	vsub.f32 $0.0e+00, v3  }
0xd5: {  	v11 =	vld [tilespmem:s23+$0x21];
	vm5 =	vne.s32 v10, v7  }
0xd6: {  	vm8 =	vmor vm5, vm0;
	[tilespmem:v4+s6+$0x0] =	vst.idx.add.f32.msk vm6, v5;
	v3, _, _ =	vpop (xrf2)  }
0xd7: {  	vm6 =	vmor vm4, vm0;
	[tilespmem:v9+s6+$0x0] =	vst.idx.add.f32.msk vm7, v3;
	v4 =	vsub.f32 $0.0e+00, v3  }
0xd8: {  	v9 =	vld [tilespmem:s23+$0x20]  }
0xd9: {  	vm5 =	vmand vm5, vm1;
	vm7 =	vmand vm4, vm1;
	[tilespmem:v6+s6+$0x0] =	vst.idx.add.f32.msk vm9, v4;
	v3, _, _ =	vpop (xrf2)  }
0xda: {  	v6 =	vld [tilespmem:s23+$0x30]  }
0xdb: {  	v4 =	vld [tilespmem:s18+$0x30]  }
0xdc: {  	[tilespmem:v10+s6+$0x0] =	vst.idx.add.f32.msk vm8, v3;
	v5, _, _ =	vpop (xrf2)  }
0xdd: {  	v3 =	vsub.f32 $0.0e+00, v3;
	vm4 =	vne.s32 v9, v11;
	[tilespmem:v2+s6+$0x0] =	vst.idx.add.f32.msk vm6, v5;
	v2 =	vsub.f32 $0.0e+00, v5  }
0xde: {  	v5 =	vld [tilespmem:s18+$0x20]  }
0xdf: {  	[tilespmem:v1+s6+$0x0] =	vst.idx.add.f32.msk vm7, v2  }
0xe0: {  	[tilespmem:v7+s6+$0x0] =	vst.idx.add.f32.msk vm5, v3  }
0xe1: {  	v10 =	vld [tilespmem:s23+$0x11]  }
0xe2: {  	v7 =	vld [tilespmem:s23+$0x10]  }
0xe3: {  	vm5 =	vne.s32 v6, v12;
	v8 =	vld [tilespmem:s18+$0x10]  }
0xe4: {  	v13 =	vld [tilespmem:s18+$0x0];
	(xrf2) =	vadd.scan.msk.f32 $0xffff, v4  }
0xe5: {  	v14 =	vld [tilespmem:s18+$0xFFFFFFF0]  }
0xe6: {  	v15 =	vld [tilespmem:s18+$0xFFFFFFE0]  }
0xe7: {  	v16 =	vld [tilespmem:s18+$0xFFFFFFD0];
	(xrf2) =	vadd.scan.msk.f32 $0xffff, v5  }
0xe8: {  	v3 =	vld [tilespmem:s18+$0xFFFFFFC0]  }
0xe9: {  	vm6 =	vmor vm5, vm0;
	v2 =	vld [tilespmem:s23+$0xFFFFFFC0]  }
0xea: {  	v1 =	vld [tilespmem:s23+$0xFFFFFFC1];
	(xrf2) =	vadd.scan.msk.f32 $0xffff, v8  }
0xeb: {  	vm5 =	vmand vm5, vm1;
	v5 =	vld [tilespmem:s23+$0xFFFFFFF1]  }
0xec: {  	vm8 =	vmor vm4, vm0;
	vm9 =	vmand vm4, vm1;
	vm7 =	vne.s32 v7, v10;
	v17 =	vld [tilespmem:s23+$0xFFFFFFF0]  }
0xed: {  	vm10 =	vmor vm7, vm0;
	v4 =	vld [tilespmem:s23+$0x1];
	(xrf2) =	vadd.scan.msk.f32 $0xffff, v14  }
0xee: {  	v8 =	vld [tilespmem:s23+$0x0];
	v14, _, _ =	vpop (xrf2)  }
0xef: {  	vm7 =	vmand vm7, vm1;
	vm4 =	vne.s32 v2, v1;
	[tilespmem:v6+s6+$0x0] =	vst.idx.add.f32.msk vm6, v14;
	v14 =	vsub.f32 $0.0e+00, v14  }
0xf0: {  	v6 =	vld [tilespmem:s23+$0xFFFFFFE1]  }
0xf1: {  	vm6 =	vne.s32 v17, v5;
	[tilespmem:v12+s6+$0x0] =	vst.idx.add.f32.msk vm5, v14;
	(xrf2) =	vadd.scan.msk.f32 $0xffff, v13;
	v12, _, _ =	vpop (xrf2)  }
0xf2: {  	vm11 =	vmor vm6, vm0;
	[tilespmem:v9+s6+$0x0] =	vst.idx.add.f32.msk vm8, v12;
	v12 =	vsub.f32 $0.0e+00, v12  }
0xf3: {  	v9 =	vld [tilespmem:s23+$0xFFFFFFE0];
	vm12 =	vne.s32 v8, v4  }
0xf4: {  	vm5 =	vmor vm12, vm0;
	[tilespmem:v11+s6+$0x0] =	vst.idx.add.f32.msk vm9, v12;
	(xrf2) =	vadd.scan.msk.f32 $0xffff, v15;
	v11, _, _ =	vpop (xrf2)  }
.Ltmp5:
0xf5: {  	vm8 =	vmand vm6, vm1;
	[tilespmem:v7+s6+$0x0] =	vst.idx.add.f32.msk vm10, v11;
	v12 =	vsub.f32 $0.0e+00, v11;
	(pc) =	sbr.rel @p0 .LBB2_9-.Ltmp5, $4  }
0xf6: {  	vm6 =	vmand vm12, vm1;
	v7 =	vld [tilespmem:s23+$0xFFFFFFD1]  }
0xf7: {  	[tilespmem:v10+s6+$0x0] =	vst.idx.add.f32.msk vm7, v12;
	(xrf2) =	vadd.scan.msk.f32 $0xffff, v16;
	v11, _, _ =	vpop (xrf2)  }
0xf8: {  	v10 =	vld [tilespmem:s23+$0xFFFFFFD0];
	vm9 =	vne.s32 v9, v6  }
0xf9: {  	s23 =	sadd.s32 $0x80, s23;
	vm7 =	vmor vm9, vm0;
	[tilespmem:v17+s6+$0x0] =	vst.idx.add.f32.msk vm11, v11;
	v11 =	vsub.f32 $0.0e+00, v11  }
0xfa: {  	(xrf2) =	vadd.scan.msk.f32 $0xffff, v3;
	_ =	sdelay $0x3  }
0xfb: {  	vm9 =	vmand vm9, vm1;
	vm10 =	vne.s32 v10, v7  }
0xfc: {  	v3, _, _ =	vpop (xrf2);
	vm11 =	vmor vm10, vm0  }
0xfd: {  	vm15 =	vmor vm4, vm0;
	[tilespmem:v5+s6+$0x0] =	vst.idx.add.f32.msk vm8, v11;
	v60 =	vsub.f32 $0.0e+00, v3  }
0xfe: {  	vm4 =	vmand vm4, vm1;
	[tilespmem:v8+s6+$0x0] =	vst.idx.add.f32.msk vm5, v3;
	v3, _, _ =	vpop (xrf2)  }
0xff: {  	[tilespmem:v4+s6+$0x0] =	vst.idx.add.f32.msk vm6, v60;
	vm5 =	vmand vm10, vm1;
	v61 =	vsub.f32 $0.0e+00, v3  }
0x100: {  	[tilespmem:v9+s6+$0x0] =	vst.idx.add.f32.msk vm7, v3;
	v3, _, _ =	vpop (xrf2)  }
0x101: {  	[tilespmem:v6+s6+$0x0] =	vst.idx.add.f32.msk vm9, v61;
	v62, _, _ =	vpop (xrf2)  }
0x102: {  	[tilespmem:v10+s6+$0x0] =	vst.idx.add.f32.msk vm11, v3;
	v63 =	vsub.f32 $0.0e+00, v62  }
0x103: {  	[tilespmem:v2+s6+$0x0] =	vst.idx.add.f32.msk vm15, v62;
	v2 =	vsub.f32 $0.0e+00, v3  }
0x104: {  	[tilespmem:v1+s6+$0x0] =	vst.idx.add.f32.msk vm4, v63  }
0x105: {  	s18 =	simm.s32 $0xF70;
	[tilespmem:v7+s6+$0x0] =	vst.idx.add.f32.msk vm5, v2  }
.LBB2_11:
0x106: {  	v1 =	vld [tilespmem:s19+$0x0];
	_ =	sdelay $0x3  }
0x107: {  	v2 =	vld [tilespmem:s20+$0xFFFFFFFF]  }
0x108: {  	v3 =	vld [tilespmem:s20+$0x0];
	(xrf2) =	vadd.scan.msk.f32 $0xffff, v1;
	_ =	sdelay $0x4  }
0x109: {  	vm4 =	vne.s32 v2, v3  }
0x10a: {  	vm5 =	vmor vm4, vm0  }
0x10b: {  	s18 =	sadd.s32 $0x10, s18;
	vm4 =	vmand vm4, vm1  }
0x10c: {  	p0 =	slt.u32 s18, $0xF90  }
.Ltmp6:
0x10d: {  	_ = 	snop;
	(pc) =	sbr.rel @p0 .LBB2_11-.Ltmp6, $4  }
0x10e: {  	v1, _, _ =	vpop (xrf2)  }
0x10f: {  	v4 =	vsub.f32 $0.0e+00, v1  }
0x110: {  	[tilespmem:v2+s6+$0x0] =	vst.idx.add.f32.msk vm5, v1  }
0x111: {  	s19 =	sadd.s32 $0x10, s19;
	s20 =	sadd.s32 $0x10, s20;
	[tilespmem:v3+s6+$0x0] =	vst.idx.add.f32.msk vm4, v4  }
0x112: {  	s17 =	sadd.s32 $0x1, s17  }
0x113: {  	p0 =	sne.s32 s17, $0x19  }
.Ltmp7:
0x114: {  	_ = 	snop;
	(pc) =	sbr.rel @p0 .LBB2_4-.Ltmp7, $1  }
0x115: {  	_ =	sdelay $0x3  }
0x116: {  	[tilespmem:s5], [sflag:$0x3] =	stream.linear.gather [hbm4b:s7+s5], $0x10, $0x38;
	[tilespmem:$0x1F810] =	vst v63  }
0x117: {  	_ =	swait.ge [sflag:s14], $0x10  }
0x118: {  	[sflag:s14] =	ssyncset.done $0x0  }
0x119: {  	[sflag:s14] =	ssyncadd.s32 $0xFFFFFFF0  }
0x11a: {  	v1 =	vld [tilespmem:$0x0];
	_ =	sdelay $0x4  }
0x11b: {  	(v2sf) =	vpush v1, $0x0;
	_ =	sdelay $0xc  }
0x11c: {  	v1 =	vld [tilespmem:$0x1F90];
	_ =	sdelay $0x1  }
0x11d: {  	s17 =	spop (v2sf)  }
0x11e: {  	s18 =	simm.s32 $0x1;
	p0 =	sgt.s32 s17, $0x186F  }
0x11f: {  	s19 =	simm.s32 $0x1;
	s18 =	simm.s32 @!p0 $0x0;
	p0 =	sgt.s32 s17, $0x30DF  }
0x120: {  	s20 =	simm.s32 $0x1;
	(v2sf) =	vpush v1, $0xF;
	s19 =	simm.s32 @!p0 $0x0;
	p0 =	sgt.s32 s17, $0x494F  }
0x121: {  	s18 =	sadd.s32 s19, s18;
	s20 =	simm.s32 @!p0 $0x0  }
0x122: {  	p0 =	sgt.s32 s17, $0x61BF;
	s19 =	simm.s32 $0x1;
	s18 =	sadd.s32 s20, s18  }
0x123: {  	s19 =	simm.s32 @!p0 $0x0;
	p0 =	sgt.s32 s17, $0x7A2F;
	s20 =	simm.s32 $0x1  }
0x124: {  	s18 =	sadd.s32 s19, s18;
	s20 =	simm.s32 @!p0 $0x0  }
0x125: {  	p0 =	sgt.s32 s17, $0x929F;
	s19 =	simm.s32 $0x1;
	s18 =	sadd.s32 s20, s18  }
0x126: {  	s19 =	simm.s32 @!p0 $0x0;
	p0 =	sgt.s32 s17, $0xAB0F;
	s20 =	simm.s32 $0x1  }
0x127: {  	s21 =	simm.s32 $0x1;
	s18 =	sadd.s32 s19, s18;
	s20 =	simm.s32 @!p0 $0x0  }
0x128: {  	p0 =	sgt.s32 s17, $0xC37F;
	s19 =	simm.s32 $0x1;
	s18 =	sadd.s32 s20, s18  }
0x129: {  	s19 =	simm.s32 @!p0 $0x0;
	p0 =	sgt.s32 s17, $0xDBEF;
	s20 =	simm.s32 $0x1  }
0x12a: {  	s23 =	simm.s32 $0x1;
	s18 =	sadd.s32 s19, s18;
	s20 =	simm.s32 @!p0 $0x0  }
0x12b: {  	p0 =	sgt.s32 s17, $0xF45F;
	s19 =	simm.s32 $0x1;
	s18 =	sadd.s32 s20, s18  }
0x12c: {  	s19 =	simm.s32 @!p0 $0x0;
	p0 =	sgt.s32 s17, $0x10CCF;
	s20 =	simm.s32 $0x1  }
0x12d: {  	s26 =	simm.s32 $0x1;
	s18 =	sadd.s32 s19, s18;
	s20 =	simm.s32 @!p0 $0x0  }
0x12e: {  	p0 =	sgt.s32 s17, $0x1253F;
	s19 =	sadd.s32 s20, s18;
	s20 =	simm.s32 $0x1  }
0x12f: {  	s20 =	simm.s32 @!p0 $0x0;
	p0 =	sgt.s32 s17, $0x13DAF;
	s18 =	spop (v2sf)  }
0x130: {  	s19 =	sadd.s32 s20, s19;
	s21 =	simm.s32 @!p0 $0x0;
	s20 =	simm.s32 $0x1  }
0x131: {  	s19 =	sadd.s32 s21, s19;
	p0 =	sgt.s32 s18, $0x186F;
	s21 =	simm.s32 $0x1  }
0x132: {  	p1 =	sgt.s32 s18, $0x494F;
	s20 =	simm.s32 @!p0 $0x0;
	p0 =	sgt.s32 s18, $0x30DF  }
0x133: {  	s23 =	simm.s32 @!p1 $0x0;
	p1 =	sgt.s32 s18, $0x61BF;
	s21 =	simm.s32 @!p0 $0x0  }
0x134: {  	p0 =	sgt.s32 s17, $0x1561F;
	s20 =	sadd.s32 s21, s20;
	s21 =	simm.s32 $0x1  }
0x135: {  	s26 =	simm.s32 @!p0 $0x0;
	p0 =	sgt.s32 s18, $0xC37F;
	s20 =	sadd.s32 s23, s20  }
0x136: {  	s21 =	simm.s32 @!p1 $0x0;
	p1 =	sgt.s32 s18, $0x7A2F;
	s23 =	simm.s32 $0x1  }
0x137: {  	s19 =	sadd.s32 s26, s19;
	s20 =	sadd.s32 s21, s20;
	s23 =	simm.s32 @!p1 $0x0  }
0x138: {  	p1 =	sgt.s32 s18, $0x929F;
	s21 =	simm.s32 $0x1;
	s20 =	sadd.s32 s23, s20  }
0x139: {  	s21 =	simm.s32 @!p1 $0x0;
	p1 =	sgt.s32 s18, $0xAB0F;
	s23 =	simm.s32 $0x1  }
0x13a: {  	s20 =	sadd.s32 s21, s20;
	s23 =	simm.s32 @!p1 $0x0;
	s21 =	simm.s32 $0x1  }
0x13b: {  	p1 =	sgt.s32 s18, $0x10CCF;
	s20 =	sadd.s32 s23, s20;
	s21 =	simm.s32 @!p0 $0x0  }
0x13c: {  	p0 =	sgt.s32 s18, $0xDBEF;
	s23 =	simm.s32 $0x1;
	s20 =	sadd.s32 s21, s20  }
0x13d: {  	s23 =	simm.s32 @!p0 $0x0;
	p0 =	sgt.s32 s18, $0xF45F;
	s21 =	simm.s32 $0x1  }
0x13e: {  	s20 =	sadd.s32 s23, s20;
	s21 =	simm.s32 @!p0 $0x0;
	s23 =	simm.s32 $0x1  }
0x13f: {  	p0 =	sgt.s32 s17, $0x16E8F;
	s28 =	sadd.s32 s21, s20;
	s23 =	simm.s32 @!p1 $0x0  }
0x140: {  	p1 =	sgt.s32 s18, $0x1253F;
	s20 =	simm.s32 $0x1;
	s21 =	simm.s32 $0x1  }
0x141: {  	s17 =	sadd.s32 s23, s28;
	s20 =	simm.s32 @!p1 $0x0;
	p1 =	sgt.s32 s18, $0x13DAF  }
0x142: {  	s23 =	simm.s32 $0x1;
	s17 =	sadd.s32 s20, s17;
	s21 =	simm.s32 @!p1 $0x0  }
0x143: {  	p1 =	sgt.s32 s18, $0x1561F;
	s17 =	sadd.s32 s21, s17;
	s21 =	simm.s32 $0x1  }
0x144: {  	s20 =	simm.s32 $0x1;
	s21 =	simm.s32 @!p1 $0x0;
	p1 =	sgt.s32 s18, $0x16E8F  }
0x145: {  	s20 =	simm.s32 @!p0 $0x0;
	s17 =	sadd.s32 s21, s17;
	s23 =	simm.s32 @!p1 $0x0  }
0x146: {  	s18 =	sadd.s32 s20, s19;
	s17 =	sadd.s32 s23, s17  }
0x147: {  	p0 =	sgt.u32 s18, s17  }
.Ltmp8:
0x148: {  	_ = 	snop;
	(pc) =	sbr.rel @p0 .LBB2_17-.Ltmp8, $1  }
0x149: {  	_ =	sdelay $0x3  }
0x14a: {  	s19 =	smul.u32 $0x1870, s18  }
0x14b: {  	s20 =	smul.u32 $0x61C0, s18  }
0x14c: {  	s21 =	rddreg [dreg:$0xf]  }
0x14d: {  	s26 =	sadd.s32 $0xFFFFFFFF, s18;
	s19 =	sadd.s32 s19, s21;
	s20 =	sshra.s32 s20, $0x2  }
0x14e: {  	s23 =	sshrl.u32 s19, $0x3;
	s19 =	sadd.s32 $0x7110, s20;
	s20 =	sadd.s32 $0x1, s26  }
0x14f: {  	p0 =	slt.u32 s20, s17  }
.Ltmp9:
0x150: {  	s28 =	rddreg [dreg:$0x5];
	(pc) =	sbr.rel @!p0 .LBB2_16-.Ltmp9, $4  }
0x151: {  	s23 =	sadd.s32 s23, s28  }
0x152: {  	[hbm4b:s23+s5] =	stream.linear.scatter [tilespmem:s19], [sflag:$0x3], $0x1870, $0x38;
	[tilespmem:$0x1F810] =	vst v63  }
0x153: {  	_ =	swait.ge [sflag:s14], $0x1870  }
0x154: {  	s21 =	sadd.s32 $0x30E, s23;
	[sflag:s14] =	ssyncset.done $0x0  }
.LBB2_15:
0x155: {  	s20 =	sadd.s32 $0x1, s20  }
0x156: {  	[sflag:s14] =	ssyncadd.s32 $0xFFFFE790;
	s19 =	sadd.s32 $0x1870, s19;
	p0 =	slt.u32 s20, s17  }
.Ltmp10:
0x157: {  	(pc) =	sbr.rel @p0 .LBB2_15-.Ltmp10, $4  }
0x158: {  	_ = 	snop  }
0x159: {  	[hbm4b:s21+s5] =	stream.linear.scatter [tilespmem:s19], [sflag:$0x3], $0x1870, $0x38;
	[tilespmem:$0x1F810] =	vst v63  }
0x15a: {  	_ =	swait.ge [sflag:s14], $0x1870  }
0x15b: {  	s21 =	sadd.s32 $0x30E, s21;
	[sflag:s14] =	ssyncset.done $0x0  }
.LBB2_16:
0x15c: {  	[sflag:s14] =	ssyncadd.s32 $0xFFFFE790  }
.LBB2_17:
0x15d: {  	v1 =	vmov s18  }
0x15e: {  	v1 =	vnsel vm2, $0x0, v1  }
0x15f: {  	v1 =	vsel vm3, s17, v1  }
0x160: {  	[tilespmem:$0x1000] =	vst v1  }
0x161: {  	[spmem:s12] =	stream.linear.scatter [tilespmem:s0], [sflag:$0x3], $0x10, $0x38;
	[tilespmem:$0x1F810] =	vst v63  }
0x162: {  	_ =	swait.ge [sflag:s14], $0x10  }
0x163: {  	[sflag:s14] =	ssyncset.done $0x0  }
0x164: {  	[sflag:s14] =	ssyncadd.s32 $0xFFFFFFF0  }
0x165: {  	[bflag:$0x0] =	sbarrier.arrive $0xFFFF  }
0x166: {  	s28 =	rddreg [dreg:$0x3]  }
0x167: {  	[tilespmem:s5], [sflag:$0x3] =	stream.linear.gather [spmem:s28], $0x100, $0x38;
	[tilespmem:$0x1F810] =	vst v63  }
0x168: {  	_ =	swait.ge [sflag:s14], $0x100  }
0x169: {  	[sflag:s14] =	ssyncset.done $0x0  }
0x16a: {  	s17 =	simm.s32 $0x4040;
	[sflag:s14] =	ssyncadd.s32 $0xFFFFFF00  }
0x16b: {  	[tilespmem:s17+$0xFFFFFFC0] =	vst v0  }
0x16c: {  	[tilespmem:s17+$0x30] =	vst v0  }
0x16d: {  	[tilespmem:s17+$0x20] =	vst v0  }
0x16e: {  	[tilespmem:s17+$0x10] =	vst v0  }
0x16f: {  	[tilespmem:s17+$0x0] =	vst v0  }
0x170: {  	[tilespmem:s17+$0xFFFFFFF0] =	vst v0  }
0x171: {  	s20 =	simm.s32 $0x0;
	s18 =	simm.s32 $0x5800;
	[tilespmem:s17+$0xFFFFFFE0] =	vst v0  }
.LBB2_18:
0x172: {  	s20 =	sadd.s32 $0x80, s20;
	[tilespmem:s17+$0xFFFFFFD0] =	vst v0;
	s17 =	sadd.s32 $0x80, s17;
	s19 =	simm.s32 $0x17F0  }
0x173: {  	[tilespmem:s17+$0xFFFFFFC0] =	vst v0;
	p0 =	slt.u32 s20, $0x1780  }
0x174: {  	[tilespmem:s17+$0x30] =	vst v0  }
.Ltmp11:
0x175: {  	[tilespmem:s17+$0x20] =	vst v0;
	(pc) =	sbr.rel @p0 .LBB2_18-.Ltmp11, $4  }
0x176: {  	[tilespmem:s17+$0x10] =	vst v0  }
0x177: {  	[tilespmem:s17+$0x0] =	vst v0  }
0x178: {  	[tilespmem:s17+$0xFFFFFFF0] =	vst v0  }
0x179: {  	[tilespmem:s17+$0xFFFFFFE0] =	vst v0  }
0x17a: {  	[tilespmem:s17+$0xFFFFFFD0] =	vst v0  }
.LBB2_20:
0x17b: {  	s19 =	sadd.s32 $0x10, s19  }
0x17c: {  	p0 =	slt.u32 s19, $0x1860  }
.Ltmp12:
0x17d: {  	_ = 	snop;
	(pc) =	sbr.rel @p0 .LBB2_20-.Ltmp12, $2  }
0x17e: {  	_ =	sdelay $0x2  }
0x17f: {  	[tilespmem:s18+$0x0] =	vst v0;
	s18 =	sadd.s32 $0x10, s18  }
0x180: {  	v1 =	vld [tilespmem:$0x0];
	_ =	sdelay $0x4  }
0x181: {  	(v2sf) =	vpush v1, $0x0  }
0x182: {  	(v2sf) =	vpush v1, $0x1;
	_ =	sdelay $0xd  }
0x183: {  	s17 =	spop (v2sf)  }
0x184: {  	s18 =	spop (v2sf);
	p0 =	sgt.s32 s17, s3  }
0x185: {  	p1 =	sgt.s32 @!p0 s3, s18  }
0x186: {  	p0 =	por p0, p1  }
.Ltmp13:
0x187: {  	_ = 	snop;
	(pc) =	sbr.rel @p0 .LBB2_26-.Ltmp13, $1  }
0x188: {  	_ =	sdelay $0x3  }
0x189: {  	[tilespmem:s15], [sflag:$0x3] =	stream.linear.gather [hbm4b:s11+s5], $0x1870, $0x38;
	[tilespmem:$0x1F810] =	vst v63  }
0x18a: {  	_ =	swait.ge [sflag:s14], $0x1870  }
0x18b: {  	[sflag:s14] =	ssyncset.done $0x0  }
0x18c: {  	s17 =	simm.s32 $0x4040;
	[sflag:s14] =	ssyncadd.s32 $0xFFFFE790  }
0x18d: {  	s18 =	simm.s32 $0x58C0;
	v2 =	vld [tilespmem:s17+$0x30]  }
0x18e: {  	v3 =	vld [tilespmem:s18+$0x30]  }
0x18f: {  	v1 =	vld [tilespmem:s18+$0xFFFFFFC0]  }
0x190: {  	v4 =	vld [tilespmem:s17+$0xFFFFFFD0]  }
0x191: {  	v5 =	vld [tilespmem:s18+$0xFFFFFFD0]  }
0x192: {  	v6 =	vld [tilespmem:s17+$0xFFFFFFE0]  }
0x193: {  	v7 =	vld [tilespmem:s18+$0xFFFFFFE0]  }
0x194: {  	v8 =	vld [tilespmem:s17+$0xFFFFFFF0]  }
0x195: {  	v9 =	vld [tilespmem:s18+$0xFFFFFFF0]  }
0x196: {  	v10 =	vld [tilespmem:s17+$0x0]  }
0x197: {  	v11 =	vld [tilespmem:s18+$0x0];
	v3 =	vadd.f32 v3, v2  }
0x198: {  	v5 =	vadd.f32 v5, v4;
	v2 =	vld [tilespmem:s17+$0x10]  }
0x199: {  	v6 =	vadd.f32 v7, v6;
	v4 =	vld [tilespmem:s18+$0x10];
	[tilespmem:s17+$0x30] =	vst v3  }
0x19a: {  	v7 =	vadd.f32 v9, v8;
	[tilespmem:s17+$0xFFFFFFD0] =	vst v5;
	v3 =	vld [tilespmem:s17+$0x20]  }
0x19b: {  	[tilespmem:s17+$0xFFFFFFE0] =	vst v6;
	v5 =	vld [tilespmem:s18+$0x20]  }
0x19c: {  	s20 =	simm.s32 $0x0;
	s19 =	simm.s32 $0x7080;
	s21 =	simm.s32 $0x40C0;
	v6 =	vld [tilespmem:s17+$0xFFFFFFC0];
	[tilespmem:s17+$0xFFFFFFF0] =	vst v7;
	v7 =	vadd.f32 v11, v10  }
.LBB2_23:
0x19d: {  	v8 =	vld [tilespmem:s21+$0x30];
	s18 =	sadd.s32 $0x80, s18  }
0x19e: {  	s20 =	sadd.s32 $0x80, s20;
	v9 =	vld [tilespmem:s18+$0x30];
	[tilespmem:s17+$0x0] =	vst v7;
	v2 =	vadd.f32 v4, v2  }
0x19f: {  	p0 =	slt.u32 s20, $0x1780;
	v4 =	vld [tilespmem:s18+$0xFFFFFFC0]  }
0x1a0: {  	v7 =	vld [tilespmem:s21+$0xFFFFFFD0];
	[tilespmem:s17+$0x10] =	vst v2;
	v2 =	vadd.f32 v5, v3  }
0x1a1: {  	v3 =	vld [tilespmem:s18+$0xFFFFFFD0];
	v10 =	vadd.f32 v1, v6  }
0x1a2: {  	v5 =	vld [tilespmem:s21+$0xFFFFFFE0];
	[tilespmem:s17+$0x20] =	vst v2  }
0x1a3: {  	v2 =	vld [tilespmem:s18+$0xFFFFFFE0];
	v6 =	vadd.f32 v9, v8;
	[tilespmem:s17+$0xFFFFFFC0] =	vst v10;
	s17 =	smov.u32 s21  }
0x1a4: {  	v8 =	vld [tilespmem:s21+$0xFFFFFFF0];
	v1 =	vmov v4  }
0x1a5: {  	s23 =	simm.s32 $0x17F0;
	s26 =	simm.s32 $0x5800;
	v9 =	vld [tilespmem:s18+$0xFFFFFFF0];
	[tilespmem:s21+$0x30] =	vst v6  }
0x1a6: {  	v3 =	vadd.f32 v3, v7;
	v7 =	vld [tilespmem:s21+$0x0]  }
0x1a7: {  	v10 =	vld [tilespmem:s18+$0x0]  }
.Ltmp14:
0x1a8: {  	[tilespmem:s21+$0xFFFFFFD0] =	vst v3;
	v3 =	vadd.f32 v2, v5;
	v2 =	vld [tilespmem:s21+$0x10];
	(pc) =	sbr.rel @p0 .LBB2_23-.Ltmp14, $4  }
0x1a9: {  	v4 =	vld [tilespmem:s18+$0x10]  }
0x1aa: {  	[tilespmem:s21+$0xFFFFFFE0] =	vst v3;
	v8 =	vadd.f32 v9, v8;
	v3 =	vld [tilespmem:s21+$0x20]  }
0x1ab: {  	v5 =	vld [tilespmem:s18+$0x20]  }
0x1ac: {  	s21 =	sadd.s32 $0x80, s21;
	v6 =	vld [tilespmem:s17+$0xFFFFFFC0];
	[tilespmem:s17+$0xFFFFFFF0] =	vst v8;
	v7 =	vadd.f32 v10, v7  }
0x1ad: {  	_ =	sdelay $0x1  }
0x1ae: {  	v2 =	vadd.f32 v4, v2  }
0x1af: {  	[tilespmem:s17+$0x0] =	vst v7;
	v3 =	vadd.f32 v5, v3  }
0x1b0: {  	[tilespmem:s17+$0x10] =	vst v2;
	v1 =	vadd.f32 v1, v6  }
0x1b1: {  	[tilespmem:s17+$0x20] =	vst v3  }
0x1b2: {  	[tilespmem:s17+$0xFFFFFFC0] =	vst v1  }
.LBB2_25:
0x1b3: {  	v1 =	vld [tilespmem:s26+$0x0]  }
0x1b4: {  	v2 =	vld [tilespmem:s19+$0x0]  }
0x1b5: {  	s23 =	sadd.s32 $0x10, s23  }
0x1b6: {  	p0 =	slt.u32 s23, $0x1860  }
.Ltmp15:
0x1b7: {  	_ = 	snop;
	(pc) =	sbr.rel @p0 .LBB2_25-.Ltmp15, $3  }
0x1b8: {  	_ = 	snop  }
0x1b9: {  	v1 =	vadd.f32 v2, v1;
	_ =	sdelay $0x1  }
0x1ba: {  	s19 =	sadd.s32 $0x10, s19;
	[tilespmem:s26+$0x0] =	vst v1;
	s26 =	sadd.s32 $0x10, s26  }
.LBB2_26:
0x1bb: {  	v1 =	vld [tilespmem:$0x10];
	_ =	sdelay $0x4  }
0x1bc: {  	(v2sf) =	vpush v1, $0x0  }
0x1bd: {  	(v2sf) =	vpush v1, $0x1;
	_ =	sdelay $0xd  }
0x1be: {  	s17 =	spop (v2sf)  }
0x1bf: {  	s18 =	spop (v2sf);
	p0 =	sgt.s32 s17, s3  }
0x1c0: {  	p1 =	sgt.s32 @!p0 s3, s18  }
0x1c1: {  	p0 =	por p0, p1  }
.Ltmp16:
0x1c2: {  	_ = 	snop;
	(pc) =	sbr.rel @p0 .LBB2_31-.Ltmp16, $1  }
0x1c3: {  	_ =	sdelay $0x3  }
0x1c4: {  	s17 =	rddreg [dreg:$0x6]  }
0x1c5: {  	[tilespmem:s15], [sflag:$0x3] =	stream.linear.gather [hbm4b:s17+s5], $0x1870, $0x38;
	[tilespmem:$0x1F810] =	vst v63  }
0x1c6: {  	_ =	swait.ge [sflag:s14], $0x1870  }
0x1c7: {  	[sflag:s14] =	ssyncset.done $0x0  }
0x1c8: {  	s17 =	simm.s32 $0x4040;
	[sflag:s14] =	ssyncadd.s32 $0xFFFFE790  }
0x1c9: {  	s18 =	simm.s32 $0x58C0;
	v2 =	vld [tilespmem:s17+$0x30]  }
0x1ca: {  	v3 =	vld [tilespmem:s18+$0x30]  }
0x1cb: {  	v1 =	vld [tilespmem:s18+$0xFFFFFFC0]  }
0x1cc: {  	v4 =	vld [tilespmem:s17+$0xFFFFFFD0]  }
0x1cd: {  	v5 =	vld [tilespmem:s18+$0xFFFFFFD0]  }
0x1ce: {  	v6 =	vld [tilespmem:s17+$0xFFFFFFE0]  }
0x1cf: {  	v7 =	vld [tilespmem:s18+$0xFFFFFFE0]  }
0x1d0: {  	v8 =	vld [tilespmem:s17+$0xFFFFFFF0]  }
0x1d1: {  	v9 =	vld [tilespmem:s18+$0xFFFFFFF0]  }
0x1d2: {  	v10 =	vld [tilespmem:s17+$0x0]  }
0x1d3: {  	v11 =	vld [tilespmem:s18+$0x0];
	v3 =	vadd.f32 v3, v2  }
0x1d4: {  	v5 =	vadd.f32 v5, v4;
	v2 =	vld [tilespmem:s17+$0x10]  }
0x1d5: {  	v6 =	vadd.f32 v7, v6;
	v4 =	vld [tilespmem:s18+$0x10];
	[tilespmem:s17+$0x30] =	vst v3  }
0x1d6: {  	v7 =	vadd.f32 v9, v8;
	[tilespmem:s17+$0xFFFFFFD0] =	vst v5;
	v3 =	vld [tilespmem:s17+$0x20]  }
0x1d7: {  	[tilespmem:s17+$0xFFFFFFE0] =	vst v6;
	v5 =	vld [tilespmem:s18+$0x20]  }
0x1d8: {  	s20 =	simm.s32 $0x0;
	s19 =	simm.s32 $0x7080;
	s21 =	simm.s32 $0x40C0;
	v6 =	vld [tilespmem:s17+$0xFFFFFFC0];
	[tilespmem:s17+$0xFFFFFFF0] =	vst v7;
	v7 =	vadd.f32 v11, v10  }
.LBB2_28:
0x1d9: {  	v8 =	vld [tilespmem:s21+$0x30];
	s18 =	sadd.s32 $0x80, s18  }
0x1da: {  	s20 =	sadd.s32 $0x80, s20;
	v9 =	vld [tilespmem:s18+$0x30];
	[tilespmem:s17+$0x0] =	vst v7;
	v2 =	vadd.f32 v4, v2  }
0x1db: {  	p0 =	slt.u32 s20, $0x1780;
	v4 =	vld [tilespmem:s18+$0xFFFFFFC0]  }
0x1dc: {  	v7 =	vld [tilespmem:s21+$0xFFFFFFD0];
	[tilespmem:s17+$0x10] =	vst v2;
	v2 =	vadd.f32 v5, v3  }
0x1dd: {  	v3 =	vld [tilespmem:s18+$0xFFFFFFD0];
	v10 =	vadd.f32 v1, v6  }
0x1de: {  	v5 =	vld [tilespmem:s21+$0xFFFFFFE0];
	[tilespmem:s17+$0x20] =	vst v2  }
0x1df: {  	v2 =	vld [tilespmem:s18+$0xFFFFFFE0];
	v6 =	vadd.f32 v9, v8;
	[tilespmem:s17+$0xFFFFFFC0] =	vst v10;
	s17 =	smov.u32 s21  }
0x1e0: {  	v8 =	vld [tilespmem:s21+$0xFFFFFFF0];
	v1 =	vmov v4  }
0x1e1: {  	s23 =	simm.s32 $0x17F0;
	s26 =	simm.s32 $0x5800;
	v9 =	vld [tilespmem:s18+$0xFFFFFFF0];
	[tilespmem:s21+$0x30] =	vst v6  }
0x1e2: {  	v3 =	vadd.f32 v3, v7;
	v7 =	vld [tilespmem:s21+$0x0]  }
0x1e3: {  	v10 =	vld [tilespmem:s18+$0x0]  }
.Ltmp17:
0x1e4: {  	[tilespmem:s21+$0xFFFFFFD0] =	vst v3;
	v3 =	vadd.f32 v2, v5;
	v2 =	vld [tilespmem:s21+$0x10];
	(pc) =	sbr.rel @p0 .LBB2_28-.Ltmp17, $4  }
0x1e5: {  	v4 =	vld [tilespmem:s18+$0x10]  }
0x1e6: {  	[tilespmem:s21+$0xFFFFFFE0] =	vst v3;
	v8 =	vadd.f32 v9, v8;
	v3 =	vld [tilespmem:s21+$0x20]  }
0x1e7: {  	v5 =	vld [tilespmem:s18+$0x20]  }
0x1e8: {  	s21 =	sadd.s32 $0x80, s21;
	v6 =	vld [tilespmem:s17+$0xFFFFFFC0];
	[tilespmem:s17+$0xFFFFFFF0] =	vst v8;
	v7 =	vadd.f32 v10, v7  }
0x1e9: {  	_ =	sdelay $0x1  }
0x1ea: {  	v2 =	vadd.f32 v4, v2  }
0x1eb: {  	[tilespmem:s17+$0x0] =	vst v7;
	v3 =	vadd.f32 v5, v3  }
0x1ec: {  	[tilespmem:s17+$0x10] =	vst v2;
	v1 =	vadd.f32 v1, v6  }
0x1ed: {  	[tilespmem:s17+$0x20] =	vst v3  }
0x1ee: {  	[tilespmem:s17+$0xFFFFFFC0] =	vst v1  }
.LBB2_30:
0x1ef: {  	v1 =	vld [tilespmem:s26+$0x0]  }
0x1f0: {  	v2 =	vld [tilespmem:s19+$0x0]  }
0x1f1: {  	s23 =	sadd.s32 $0x10, s23  }
0x1f2: {  	p0 =	slt.u32 s23, $0x1860  }
.Ltmp18:
0x1f3: {  	_ = 	snop;
	(pc) =	sbr.rel @p0 .LBB2_30-.Ltmp18, $3  }
0x1f4: {  	_ = 	snop  }
0x1f5: {  	v1 =	vadd.f32 v2, v1;
	_ =	sdelay $0x1  }
0x1f6: {  	s19 =	sadd.s32 $0x10, s19;
	[tilespmem:s26+$0x0] =	vst v1;
	s26 =	sadd.s32 $0x10, s26  }
.LBB2_31:
0x1f7: {  	v1 =	vld [tilespmem:$0x20];
	_ =	sdelay $0x4  }
0x1f8: {  	(v2sf) =	vpush v1, $0x0  }
0x1f9: {  	(v2sf) =	vpush v1, $0x1;
	_ =	sdelay $0xd  }
0x1fa: {  	s17 =	spop (v2sf)  }
0x1fb: {  	s18 =	spop (v2sf);
	p0 =	sgt.s32 s17, s3  }
0x1fc: {  	p1 =	sgt.s32 @!p0 s3, s18  }
0x1fd: {  	p0 =	por p0, p1  }
.Ltmp19:
0x1fe: {  	_ = 	snop;
	(pc) =	sbr.rel @p0 .LBB2_36-.Ltmp19, $1  }
0x1ff: {  	_ =	sdelay $0x3  }
0x200: {  	s17 =	rddreg [dreg:$0x7]  }
0x201: {  	[tilespmem:s15], [sflag:$0x3] =	stream.linear.gather [hbm4b:s17+s5], $0x1870, $0x38;
	[tilespmem:$0x1F810] =	vst v63  }
0x202: {  	_ =	swait.ge [sflag:s14], $0x1870  }
0x203: {  	[sflag:s14] =	ssyncset.done $0x0  }
0x204: {  	s17 =	simm.s32 $0x4040;
	[sflag:s14] =	ssyncadd.s32 $0xFFFFE790  }
0x205: {  	s18 =	simm.s32 $0x58C0;
	v2 =	vld [tilespmem:s17+$0x30]  }
0x206: {  	v3 =	vld [tilespmem:s18+$0x30]  }
0x207: {  	v1 =	vld [tilespmem:s18+$0xFFFFFFC0]  }
0x208: {  	v4 =	vld [tilespmem:s17+$0xFFFFFFD0]  }
0x209: {  	v5 =	vld [tilespmem:s18+$0xFFFFFFD0]  }
0x20a: {  	v6 =	vld [tilespmem:s17+$0xFFFFFFE0]  }
0x20b: {  	v7 =	vld [tilespmem:s18+$0xFFFFFFE0]  }
0x20c: {  	v8 =	vld [tilespmem:s17+$0xFFFFFFF0]  }
0x20d: {  	v9 =	vld [tilespmem:s18+$0xFFFFFFF0]  }
0x20e: {  	v10 =	vld [tilespmem:s17+$0x0]  }
0x20f: {  	v11 =	vld [tilespmem:s18+$0x0];
	v3 =	vadd.f32 v3, v2  }
0x210: {  	v5 =	vadd.f32 v5, v4;
	v2 =	vld [tilespmem:s17+$0x10]  }
0x211: {  	v6 =	vadd.f32 v7, v6;
	v4 =	vld [tilespmem:s18+$0x10];
	[tilespmem:s17+$0x30] =	vst v3  }
0x212: {  	v7 =	vadd.f32 v9, v8;
	[tilespmem:s17+$0xFFFFFFD0] =	vst v5;
	v3 =	vld [tilespmem:s17+$0x20]  }
0x213: {  	[tilespmem:s17+$0xFFFFFFE0] =	vst v6;
	v5 =	vld [tilespmem:s18+$0x20]  }
0x214: {  	s20 =	simm.s32 $0x0;
	s19 =	simm.s32 $0x7080;
	s21 =	simm.s32 $0x40C0;
	v6 =	vld [tilespmem:s17+$0xFFFFFFC0];
	[tilespmem:s17+$0xFFFFFFF0] =	vst v7;
	v7 =	vadd.f32 v11, v10  }
.LBB2_33:
0x215: {  	v8 =	vld [tilespmem:s21+$0x30];
	s18 =	sadd.s32 $0x80, s18  }
0x216: {  	s20 =	sadd.s32 $0x80, s20;
	v9 =	vld [tilespmem:s18+$0x30];
	[tilespmem:s17+$0x0] =	vst v7;
	v2 =	vadd.f32 v4, v2  }
0x217: {  	p0 =	slt.u32 s20, $0x1780;
	v4 =	vld [tilespmem:s18+$0xFFFFFFC0]  }
0x218: {  	v7 =	vld [tilespmem:s21+$0xFFFFFFD0];
	[tilespmem:s17+$0x10] =	vst v2;
	v2 =	vadd.f32 v5, v3  }
0x219: {  	v3 =	vld [tilespmem:s18+$0xFFFFFFD0];
	v10 =	vadd.f32 v1, v6  }
0x21a: {  	v5 =	vld [tilespmem:s21+$0xFFFFFFE0];
	[tilespmem:s17+$0x20] =	vst v2  }
0x21b: {  	v2 =	vld [tilespmem:s18+$0xFFFFFFE0];
	v6 =	vadd.f32 v9, v8;
	[tilespmem:s17+$0xFFFFFFC0] =	vst v10;
	s17 =	smov.u32 s21  }
0x21c: {  	v8 =	vld [tilespmem:s21+$0xFFFFFFF0];
	v1 =	vmov v4  }
0x21d: {  	s23 =	simm.s32 $0x17F0;
	s26 =	simm.s32 $0x5800;
	v9 =	vld [tilespmem:s18+$0xFFFFFFF0];
	[tilespmem:s21+$0x30] =	vst v6  }
0x21e: {  	v3 =	vadd.f32 v3, v7;
	v7 =	vld [tilespmem:s21+$0x0]  }
0x21f: {  	v10 =	vld [tilespmem:s18+$0x0]  }
.Ltmp20:
0x220: {  	[tilespmem:s21+$0xFFFFFFD0] =	vst v3;
	v3 =	vadd.f32 v2, v5;
	v2 =	vld [tilespmem:s21+$0x10];
	(pc) =	sbr.rel @p0 .LBB2_33-.Ltmp20, $4  }
0x221: {  	v4 =	vld [tilespmem:s18+$0x10]  }
0x222: {  	[tilespmem:s21+$0xFFFFFFE0] =	vst v3;
	v8 =	vadd.f32 v9, v8;
	v3 =	vld [tilespmem:s21+$0x20]  }
0x223: {  	v5 =	vld [tilespmem:s18+$0x20]  }
0x224: {  	s21 =	sadd.s32 $0x80, s21;
	v6 =	vld [tilespmem:s17+$0xFFFFFFC0];
	[tilespmem:s17+$0xFFFFFFF0] =	vst v8;
	v7 =	vadd.f32 v10, v7  }
0x225: {  	_ =	sdelay $0x1  }
0x226: {  	v2 =	vadd.f32 v4, v2  }
0x227: {  	[tilespmem:s17+$0x0] =	vst v7;
	v3 =	vadd.f32 v5, v3  }
0x228: {  	[tilespmem:s17+$0x10] =	vst v2;
	v1 =	vadd.f32 v1, v6  }
0x229: {  	[tilespmem:s17+$0x20] =	vst v3  }
0x22a: {  	[tilespmem:s17+$0xFFFFFFC0] =	vst v1  }
.LBB2_35:
0x22b: {  	v1 =	vld [tilespmem:s26+$0x0]  }
0x22c: {  	v2 =	vld [tilespmem:s19+$0x0]  }
0x22d: {  	s23 =	sadd.s32 $0x10, s23  }
0x22e: {  	p0 =	slt.u32 s23, $0x1860  }
.Ltmp21:
0x22f: {  	_ = 	snop;
	(pc) =	sbr.rel @p0 .LBB2_35-.Ltmp21, $3  }
0x230: {  	_ = 	snop  }
0x231: {  	v1 =	vadd.f32 v2, v1;
	_ =	sdelay $0x1  }
0x232: {  	s19 =	sadd.s32 $0x10, s19;
	[tilespmem:s26+$0x0] =	vst v1;
	s26 =	sadd.s32 $0x10, s26  }
.LBB2_36:
0x233: {  	v1 =	vld [tilespmem:$0x30];
	_ =	sdelay $0x4  }
0x234: {  	(v2sf) =	vpush v1, $0x0  }
0x235: {  	(v2sf) =	vpush v1, $0x1;
	_ =	sdelay $0xd  }
0x236: {  	s17 =	spop (v2sf)  }
0x237: {  	s18 =	spop (v2sf);
	p0 =	sgt.s32 s17, s3  }
0x238: {  	p1 =	sgt.s32 @!p0 s3, s18  }
0x239: {  	p0 =	por p0, p1  }
.Ltmp22:
0x23a: {  	_ = 	snop;
	(pc) =	sbr.rel @p0 .LBB2_41-.Ltmp22, $1  }
0x23b: {  	_ =	sdelay $0x3  }
0x23c: {  	s17 =	rddreg [dreg:$0x8]  }
0x23d: {  	[tilespmem:s15], [sflag:$0x3] =	stream.linear.gather [hbm4b:s17+s5], $0x1870, $0x38;
	[tilespmem:$0x1F810] =	vst v63  }
0x23e: {  	_ =	swait.ge [sflag:s14], $0x1870  }
0x23f: {  	[sflag:s14] =	ssyncset.done $0x0  }
0x240: {  	s17 =	simm.s32 $0x4040;
	[sflag:s14] =	ssyncadd.s32 $0xFFFFE790  }
0x241: {  	s18 =	simm.s32 $0x58C0;
	v2 =	vld [tilespmem:s17+$0x30]  }
0x242: {  	v3 =	vld [tilespmem:s18+$0x30]  }
0x243: {  	v1 =	vld [tilespmem:s18+$0xFFFFFFC0]  }
0x244: {  	v4 =	vld [tilespmem:s17+$0xFFFFFFD0]  }
0x245: {  	v5 =	vld [tilespmem:s18+$0xFFFFFFD0]  }
0x246: {  	v6 =	vld [tilespmem:s17+$0xFFFFFFE0]  }
0x247: {  	v7 =	vld [tilespmem:s18+$0xFFFFFFE0]  }
0x248: {  	v8 =	vld [tilespmem:s17+$0xFFFFFFF0]  }
0x249: {  	v9 =	vld [tilespmem:s18+$0xFFFFFFF0]  }
0x24a: {  	v10 =	vld [tilespmem:s17+$0x0]  }
0x24b: {  	v11 =	vld [tilespmem:s18+$0x0];
	v3 =	vadd.f32 v3, v2  }
0x24c: {  	v5 =	vadd.f32 v5, v4;
	v2 =	vld [tilespmem:s17+$0x10]  }
0x24d: {  	v6 =	vadd.f32 v7, v6;
	v4 =	vld [tilespmem:s18+$0x10];
	[tilespmem:s17+$0x30] =	vst v3  }
0x24e: {  	v7 =	vadd.f32 v9, v8;
	[tilespmem:s17+$0xFFFFFFD0] =	vst v5;
	v3 =	vld [tilespmem:s17+$0x20]  }
0x24f: {  	[tilespmem:s17+$0xFFFFFFE0] =	vst v6;
	v5 =	vld [tilespmem:s18+$0x20]  }
0x250: {  	s20 =	simm.s32 $0x0;
	s19 =	simm.s32 $0x7080;
	s21 =	simm.s32 $0x40C0;
	v6 =	vld [tilespmem:s17+$0xFFFFFFC0];
	[tilespmem:s17+$0xFFFFFFF0] =	vst v7;
	v7 =	vadd.f32 v11, v10  }
.LBB2_38:
0x251: {  	v8 =	vld [tilespmem:s21+$0x30];
	s18 =	sadd.s32 $0x80, s18  }
0x252: {  	s20 =	sadd.s32 $0x80, s20;
	v9 =	vld [tilespmem:s18+$0x30];
	[tilespmem:s17+$0x0] =	vst v7;
	v2 =	vadd.f32 v4, v2  }
0x253: {  	p0 =	slt.u32 s20, $0x1780;
	v4 =	vld [tilespmem:s18+$0xFFFFFFC0]  }
0x254: {  	v7 =	vld [tilespmem:s21+$0xFFFFFFD0];
	[tilespmem:s17+$0x10] =	vst v2;
	v2 =	vadd.f32 v5, v3  }
0x255: {  	v3 =	vld [tilespmem:s18+$0xFFFFFFD0];
	v10 =	vadd.f32 v1, v6  }
0x256: {  	v5 =	vld [tilespmem:s21+$0xFFFFFFE0];
	[tilespmem:s17+$0x20] =	vst v2  }
0x257: {  	v2 =	vld [tilespmem:s18+$0xFFFFFFE0];
	v6 =	vadd.f32 v9, v8;
	[tilespmem:s17+$0xFFFFFFC0] =	vst v10;
	s17 =	smov.u32 s21  }
0x258: {  	v8 =	vld [tilespmem:s21+$0xFFFFFFF0];
	v1 =	vmov v4  }
0x259: {  	s23 =	simm.s32 $0x17F0;
	s26 =	simm.s32 $0x5800;
	v9 =	vld [tilespmem:s18+$0xFFFFFFF0];
	[tilespmem:s21+$0x30] =	vst v6  }
0x25a: {  	v3 =	vadd.f32 v3, v7;
	v7 =	vld [tilespmem:s21+$0x0]  }
0x25b: {  	v10 =	vld [tilespmem:s18+$0x0]  }
.Ltmp23:
0x25c: {  	[tilespmem:s21+$0xFFFFFFD0] =	vst v3;
	v3 =	vadd.f32 v2, v5;
	v2 =	vld [tilespmem:s21+$0x10];
	(pc) =	sbr.rel @p0 .LBB2_38-.Ltmp23, $4  }
0x25d: {  	v4 =	vld [tilespmem:s18+$0x10]  }
0x25e: {  	[tilespmem:s21+$0xFFFFFFE0] =	vst v3;
	v8 =	vadd.f32 v9, v8;
	v3 =	vld [tilespmem:s21+$0x20]  }
0x25f: {  	v5 =	vld [tilespmem:s18+$0x20]  }
0x260: {  	s21 =	sadd.s32 $0x80, s21;
	v6 =	vld [tilespmem:s17+$0xFFFFFFC0];
	[tilespmem:s17+$0xFFFFFFF0] =	vst v8;
	v7 =	vadd.f32 v10, v7  }
0x261: {  	_ =	sdelay $0x1  }
0x262: {  	v2 =	vadd.f32 v4, v2  }
0x263: {  	[tilespmem:s17+$0x0] =	vst v7;
	v3 =	vadd.f32 v5, v3  }
0x264: {  	[tilespmem:s17+$0x10] =	vst v2;
	v1 =	vadd.f32 v1, v6  }
0x265: {  	[tilespmem:s17+$0x20] =	vst v3  }
0x266: {  	[tilespmem:s17+$0xFFFFFFC0] =	vst v1  }
.LBB2_40:
0x267: {  	v1 =	vld [tilespmem:s26+$0x0]  }
0x268: {  	v2 =	vld [tilespmem:s19+$0x0]  }
0x269: {  	s23 =	sadd.s32 $0x10, s23  }
0x26a: {  	p0 =	slt.u32 s23, $0x1860  }
.Ltmp24:
0x26b: {  	_ = 	snop;
	(pc) =	sbr.rel @p0 .LBB2_40-.Ltmp24, $3  }
0x26c: {  	_ = 	snop  }
0x26d: {  	v1 =	vadd.f32 v2, v1;
	_ =	sdelay $0x1  }
0x26e: {  	s19 =	sadd.s32 $0x10, s19;
	[tilespmem:s26+$0x0] =	vst v1;
	s26 =	sadd.s32 $0x10, s26  }
.LBB2_41:
0x26f: {  	v1 =	vld [tilespmem:$0x40];
	_ =	sdelay $0x4  }
0x270: {  	(v2sf) =	vpush v1, $0x0  }
0x271: {  	(v2sf) =	vpush v1, $0x1;
	_ =	sdelay $0xd  }
0x272: {  	s17 =	spop (v2sf)  }
0x273: {  	s18 =	spop (v2sf);
	p0 =	sgt.s32 s17, s3  }
0x274: {  	p1 =	sgt.s32 @!p0 s3, s18  }
0x275: {  	p0 =	por p0, p1  }
.Ltmp25:
0x276: {  	_ = 	snop;
	(pc) =	sbr.rel @p0 .LBB2_46-.Ltmp25, $1  }
0x277: {  	_ =	sdelay $0x3  }
0x278: {  	s17 =	rddreg [dreg:$0x9]  }
0x279: {  	[tilespmem:s15], [sflag:$0x3] =	stream.linear.gather [hbm4b:s17+s5], $0x1870, $0x38;
	[tilespmem:$0x1F810] =	vst v63  }
0x27a: {  	_ =	swait.ge [sflag:s14], $0x1870  }
0x27b: {  	[sflag:s14] =	ssyncset.done $0x0  }
0x27c: {  	s17 =	simm.s32 $0x4040;
	[sflag:s14] =	ssyncadd.s32 $0xFFFFE790  }
0x27d: {  	s18 =	simm.s32 $0x58C0;
	v2 =	vld [tilespmem:s17+$0x30]  }
0x27e: {  	v3 =	vld [tilespmem:s18+$0x30]  }
0x27f: {  	v1 =	vld [tilespmem:s18+$0xFFFFFFC0]  }
0x280: {  	v4 =	vld [tilespmem:s17+$0xFFFFFFD0]  }
0x281: {  	v5 =	vld [tilespmem:s18+$0xFFFFFFD0]  }
0x282: {  	v6 =	vld [tilespmem:s17+$0xFFFFFFE0]  }
0x283: {  	v7 =	vld [tilespmem:s18+$0xFFFFFFE0]  }
0x284: {  	v8 =	vld [tilespmem:s17+$0xFFFFFFF0]  }
0x285: {  	v9 =	vld [tilespmem:s18+$0xFFFFFFF0]  }
0x286: {  	v10 =	vld [tilespmem:s17+$0x0]  }
0x287: {  	v11 =	vld [tilespmem:s18+$0x0];
	v3 =	vadd.f32 v3, v2  }
0x288: {  	v5 =	vadd.f32 v5, v4;
	v2 =	vld [tilespmem:s17+$0x10]  }
0x289: {  	v6 =	vadd.f32 v7, v6;
	v4 =	vld [tilespmem:s18+$0x10];
	[tilespmem:s17+$0x30] =	vst v3  }
0x28a: {  	v7 =	vadd.f32 v9, v8;
	[tilespmem:s17+$0xFFFFFFD0] =	vst v5;
	v3 =	vld [tilespmem:s17+$0x20]  }
0x28b: {  	[tilespmem:s17+$0xFFFFFFE0] =	vst v6;
	v5 =	vld [tilespmem:s18+$0x20]  }
0x28c: {  	s20 =	simm.s32 $0x0;
	s19 =	simm.s32 $0x7080;
	s21 =	simm.s32 $0x40C0;
	v6 =	vld [tilespmem:s17+$0xFFFFFFC0];
	[tilespmem:s17+$0xFFFFFFF0] =	vst v7;
	v7 =	vadd.f32 v11, v10  }
.LBB2_43:
0x28d: {  	v8 =	vld [tilespmem:s21+$0x30];
	s18 =	sadd.s32 $0x80, s18  }
0x28e: {  	s20 =	sadd.s32 $0x80, s20;
	v9 =	vld [tilespmem:s18+$0x30];
	[tilespmem:s17+$0x0] =	vst v7;
	v2 =	vadd.f32 v4, v2  }
0x28f: {  	p0 =	slt.u32 s20, $0x1780;
	v4 =	vld [tilespmem:s18+$0xFFFFFFC0]  }
0x290: {  	v7 =	vld [tilespmem:s21+$0xFFFFFFD0];
	[tilespmem:s17+$0x10] =	vst v2;
	v2 =	vadd.f32 v5, v3  }
0x291: {  	v3 =	vld [tilespmem:s18+$0xFFFFFFD0];
	v10 =	vadd.f32 v1, v6  }
0x292: {  	v5 =	vld [tilespmem:s21+$0xFFFFFFE0];
	[tilespmem:s17+$0x20] =	vst v2  }
0x293: {  	v2 =	vld [tilespmem:s18+$0xFFFFFFE0];
	v6 =	vadd.f32 v9, v8;
	[tilespmem:s17+$0xFFFFFFC0] =	vst v10;
	s17 =	smov.u32 s21  }
0x294: {  	v8 =	vld [tilespmem:s21+$0xFFFFFFF0];
	v1 =	vmov v4  }
0x295: {  	s23 =	simm.s32 $0x17F0;
	s26 =	simm.s32 $0x5800;
	v9 =	vld [tilespmem:s18+$0xFFFFFFF0];
	[tilespmem:s21+$0x30] =	vst v6  }
0x296: {  	v3 =	vadd.f32 v3, v7;
	v7 =	vld [tilespmem:s21+$0x0]  }
0x297: {  	v10 =	vld [tilespmem:s18+$0x0]  }
.Ltmp26:
0x298: {  	[tilespmem:s21+$0xFFFFFFD0] =	vst v3;
	v3 =	vadd.f32 v2, v5;
	v2 =	vld [tilespmem:s21+$0x10];
	(pc) =	sbr.rel @p0 .LBB2_43-.Ltmp26, $4  }
0x299: {  	v4 =	vld [tilespmem:s18+$0x10]  }
0x29a: {  	[tilespmem:s21+$0xFFFFFFE0] =	vst v3;
	v8 =	vadd.f32 v9, v8;
	v3 =	vld [tilespmem:s21+$0x20]  }
0x29b: {  	v5 =	vld [tilespmem:s18+$0x20]  }
0x29c: {  	s21 =	sadd.s32 $0x80, s21;
	v6 =	vld [tilespmem:s17+$0xFFFFFFC0];
	[tilespmem:s17+$0xFFFFFFF0] =	vst v8;
	v7 =	vadd.f32 v10, v7  }
0x29d: {  	_ =	sdelay $0x1  }
0x29e: {  	v2 =	vadd.f32 v4, v2  }
0x29f: {  	[tilespmem:s17+$0x0] =	vst v7;
	v3 =	vadd.f32 v5, v3  }
0x2a0: {  	[tilespmem:s17+$0x10] =	vst v2;
	v1 =	vadd.f32 v1, v6  }
0x2a1: {  	[tilespmem:s17+$0x20] =	vst v3  }
0x2a2: {  	[tilespmem:s17+$0xFFFFFFC0] =	vst v1  }
.LBB2_45:
0x2a3: {  	v1 =	vld [tilespmem:s26+$0x0]  }
0x2a4: {  	v2 =	vld [tilespmem:s19+$0x0]  }
0x2a5: {  	s23 =	sadd.s32 $0x10, s23  }
0x2a6: {  	p0 =	slt.u32 s23, $0x1860  }
.Ltmp27:
0x2a7: {  	_ = 	snop;
	(pc) =	sbr.rel @p0 .LBB2_45-.Ltmp27, $3  }
0x2a8: {  	_ = 	snop  }
0x2a9: {  	v1 =	vadd.f32 v2, v1;
	_ =	sdelay $0x1  }
0x2aa: {  	s19 =	sadd.s32 $0x10, s19;
	[tilespmem:s26+$0x0] =	vst v1;
	s26 =	sadd.s32 $0x10, s26  }
.LBB2_46:
0x2ab: {  	v1 =	vld [tilespmem:$0x50];
	_ =	sdelay $0x4  }
0x2ac: {  	(v2sf) =	vpush v1, $0x0  }
0x2ad: {  	(v2sf) =	vpush v1, $0x1;
	_ =	sdelay $0xd  }
0x2ae: {  	s17 =	spop (v2sf)  }
0x2af: {  	s18 =	spop (v2sf);
	p0 =	sgt.s32 s17, s3  }
0x2b0: {  	p1 =	sgt.s32 @!p0 s3, s18  }
0x2b1: {  	p0 =	por p0, p1  }
.Ltmp28:
0x2b2: {  	_ = 	snop;
	(pc) =	sbr.rel @p0 .LBB2_51-.Ltmp28, $1  }
0x2b3: {  	_ =	sdelay $0x3  }
0x2b4: {  	s17 =	rddreg [dreg:$0xa]  }
0x2b5: {  	[tilespmem:s15], [sflag:$0x3] =	stream.linear.gather [hbm4b:s17+s5], $0x1870, $0x38;
	[tilespmem:$0x1F810] =	vst v63  }
0x2b6: {  	_ =	swait.ge [sflag:s14], $0x1870  }
0x2b7: {  	[sflag:s14] =	ssyncset.done $0x0  }
0x2b8: {  	s17 =	simm.s32 $0x4040;
	[sflag:s14] =	ssyncadd.s32 $0xFFFFE790  }
0x2b9: {  	s18 =	simm.s32 $0x58C0;
	v2 =	vld [tilespmem:s17+$0x30]  }
0x2ba: {  	v3 =	vld [tilespmem:s18+$0x30]  }
0x2bb: {  	v1 =	vld [tilespmem:s18+$0xFFFFFFC0]  }
0x2bc: {  	v4 =	vld [tilespmem:s17+$0xFFFFFFD0]  }
0x2bd: {  	v5 =	vld [tilespmem:s18+$0xFFFFFFD0]  }
0x2be: {  	v6 =	vld [tilespmem:s17+$0xFFFFFFE0]  }
0x2bf: {  	v7 =	vld [tilespmem:s18+$0xFFFFFFE0]  }
0x2c0: {  	v8 =	vld [tilespmem:s17+$0xFFFFFFF0]  }
0x2c1: {  	v9 =	vld [tilespmem:s18+$0xFFFFFFF0]  }
0x2c2: {  	v10 =	vld [tilespmem:s17+$0x0]  }
0x2c3: {  	v11 =	vld [tilespmem:s18+$0x0];
	v3 =	vadd.f32 v3, v2  }
0x2c4: {  	v5 =	vadd.f32 v5, v4;
	v2 =	vld [tilespmem:s17+$0x10]  }
0x2c5: {  	v6 =	vadd.f32 v7, v6;
	v4 =	vld [tilespmem:s18+$0x10];
	[tilespmem:s17+$0x30] =	vst v3  }
0x2c6: {  	v7 =	vadd.f32 v9, v8;
	[tilespmem:s17+$0xFFFFFFD0] =	vst v5;
	v3 =	vld [tilespmem:s17+$0x20]  }
0x2c7: {  	[tilespmem:s17+$0xFFFFFFE0] =	vst v6;
	v5 =	vld [tilespmem:s18+$0x20]  }
0x2c8: {  	s20 =	simm.s32 $0x0;
	s19 =	simm.s32 $0x7080;
	s21 =	simm.s32 $0x40C0;
	v6 =	vld [tilespmem:s17+$0xFFFFFFC0];
	[tilespmem:s17+$0xFFFFFFF0] =	vst v7;
	v7 =	vadd.f32 v11, v10  }
.LBB2_48:
0x2c9: {  	v8 =	vld [tilespmem:s21+$0x30];
	s18 =	sadd.s32 $0x80, s18  }
0x2ca: {  	s20 =	sadd.s32 $0x80, s20;
	v9 =	vld [tilespmem:s18+$0x30];
	[tilespmem:s17+$0x0] =	vst v7;
	v2 =	vadd.f32 v4, v2  }
0x2cb: {  	p0 =	slt.u32 s20, $0x1780;
	v4 =	vld [tilespmem:s18+$0xFFFFFFC0]  }
0x2cc: {  	v7 =	vld [tilespmem:s21+$0xFFFFFFD0];
	[tilespmem:s17+$0x10] =	vst v2;
	v2 =	vadd.f32 v5, v3  }
0x2cd: {  	v3 =	vld [tilespmem:s18+$0xFFFFFFD0];
	v10 =	vadd.f32 v1, v6  }
0x2ce: {  	v5 =	vld [tilespmem:s21+$0xFFFFFFE0];
	[tilespmem:s17+$0x20] =	vst v2  }
0x2cf: {  	v2 =	vld [tilespmem:s18+$0xFFFFFFE0];
	v6 =	vadd.f32 v9, v8;
	[tilespmem:s17+$0xFFFFFFC0] =	vst v10;
	s17 =	smov.u32 s21  }
0x2d0: {  	v8 =	vld [tilespmem:s21+$0xFFFFFFF0];
	v1 =	vmov v4  }
0x2d1: {  	s23 =	simm.s32 $0x17F0;
	s26 =	simm.s32 $0x5800;
	v9 =	vld [tilespmem:s18+$0xFFFFFFF0];
	[tilespmem:s21+$0x30] =	vst v6  }
0x2d2: {  	v3 =	vadd.f32 v3, v7;
	v7 =	vld [tilespmem:s21+$0x0]  }
0x2d3: {  	v10 =	vld [tilespmem:s18+$0x0]  }
.Ltmp29:
0x2d4: {  	[tilespmem:s21+$0xFFFFFFD0] =	vst v3;
	v3 =	vadd.f32 v2, v5;
	v2 =	vld [tilespmem:s21+$0x10];
	(pc) =	sbr.rel @p0 .LBB2_48-.Ltmp29, $4  }
0x2d5: {  	v4 =	vld [tilespmem:s18+$0x10]  }
0x2d6: {  	[tilespmem:s21+$0xFFFFFFE0] =	vst v3;
	v8 =	vadd.f32 v9, v8;
	v3 =	vld [tilespmem:s21+$0x20]  }
0x2d7: {  	v5 =	vld [tilespmem:s18+$0x20]  }
0x2d8: {  	s21 =	sadd.s32 $0x80, s21;
	v6 =	vld [tilespmem:s17+$0xFFFFFFC0];
	[tilespmem:s17+$0xFFFFFFF0] =	vst v8;
	v7 =	vadd.f32 v10, v7  }
0x2d9: {  	_ =	sdelay $0x1  }
0x2da: {  	v2 =	vadd.f32 v4, v2  }
0x2db: {  	[tilespmem:s17+$0x0] =	vst v7;
	v3 =	vadd.f32 v5, v3  }
0x2dc: {  	[tilespmem:s17+$0x10] =	vst v2;
	v1 =	vadd.f32 v1, v6  }
0x2dd: {  	[tilespmem:s17+$0x20] =	vst v3  }
0x2de: {  	[tilespmem:s17+$0xFFFFFFC0] =	vst v1  }
.LBB2_50:
0x2df: {  	v1 =	vld [tilespmem:s26+$0x0]  }
0x2e0: {  	v2 =	vld [tilespmem:s19+$0x0]  }
0x2e1: {  	s23 =	sadd.s32 $0x10, s23  }
0x2e2: {  	p0 =	slt.u32 s23, $0x1860  }
.Ltmp30:
0x2e3: {  	_ = 	snop;
	(pc) =	sbr.rel @p0 .LBB2_50-.Ltmp30, $3  }
0x2e4: {  	_ = 	snop  }
0x2e5: {  	v1 =	vadd.f32 v2, v1;
	_ =	sdelay $0x1  }
0x2e6: {  	s19 =	sadd.s32 $0x10, s19;
	[tilespmem:s26+$0x0] =	vst v1;
	s26 =	sadd.s32 $0x10, s26  }
.LBB2_51:
0x2e7: {  	v1 =	vld [tilespmem:$0x60];
	_ =	sdelay $0x4  }
0x2e8: {  	(v2sf) =	vpush v1, $0x0  }
0x2e9: {  	(v2sf) =	vpush v1, $0x1;
	_ =	sdelay $0xd  }
0x2ea: {  	s17 =	spop (v2sf)  }
0x2eb: {  	s18 =	spop (v2sf);
	p0 =	sgt.s32 s17, s3  }
0x2ec: {  	p1 =	sgt.s32 @!p0 s3, s18  }
0x2ed: {  	p0 =	por p0, p1  }
.Ltmp31:
0x2ee: {  	_ = 	snop;
	(pc) =	sbr.rel @p0 .LBB2_56-.Ltmp31, $1  }
0x2ef: {  	_ =	sdelay $0x3  }
0x2f0: {  	s17 =	rddreg [dreg:$0xb]  }
0x2f1: {  	[tilespmem:s15], [sflag:$0x3] =	stream.linear.gather [hbm4b:s17+s5], $0x1870, $0x38;
	[tilespmem:$0x1F810] =	vst v63  }
0x2f2: {  	_ =	swait.ge [sflag:s14], $0x1870  }
0x2f3: {  	[sflag:s14] =	ssyncset.done $0x0  }
0x2f4: {  	s17 =	simm.s32 $0x4040;
	[sflag:s14] =	ssyncadd.s32 $0xFFFFE790  }
0x2f5: {  	s18 =	simm.s32 $0x58C0;
	v2 =	vld [tilespmem:s17+$0x30]  }
0x2f6: {  	v3 =	vld [tilespmem:s18+$0x30]  }
0x2f7: {  	v1 =	vld [tilespmem:s18+$0xFFFFFFC0]  }
0x2f8: {  	v4 =	vld [tilespmem:s17+$0xFFFFFFD0]  }
0x2f9: {  	v5 =	vld [tilespmem:s18+$0xFFFFFFD0]  }
0x2fa: {  	v6 =	vld [tilespmem:s17+$0xFFFFFFE0]  }
0x2fb: {  	v7 =	vld [tilespmem:s18+$0xFFFFFFE0]  }
0x2fc: {  	v8 =	vld [tilespmem:s17+$0xFFFFFFF0]  }
0x2fd: {  	v9 =	vld [tilespmem:s18+$0xFFFFFFF0]  }
0x2fe: {  	v10 =	vld [tilespmem:s17+$0x0]  }
0x2ff: {  	v11 =	vld [tilespmem:s18+$0x0];
	v3 =	vadd.f32 v3, v2  }
0x300: {  	v5 =	vadd.f32 v5, v4;
	v2 =	vld [tilespmem:s17+$0x10]  }
0x301: {  	v6 =	vadd.f32 v7, v6;
	v4 =	vld [tilespmem:s18+$0x10];
	[tilespmem:s17+$0x30] =	vst v3  }
0x302: {  	v7 =	vadd.f32 v9, v8;
	[tilespmem:s17+$0xFFFFFFD0] =	vst v5;
	v3 =	vld [tilespmem:s17+$0x20]  }
0x303: {  	[tilespmem:s17+$0xFFFFFFE0] =	vst v6;
	v5 =	vld [tilespmem:s18+$0x20]  }
0x304: {  	s20 =	simm.s32 $0x0;
	s19 =	simm.s32 $0x7080;
	s21 =	simm.s32 $0x40C0;
	v6 =	vld [tilespmem:s17+$0xFFFFFFC0];
	[tilespmem:s17+$0xFFFFFFF0] =	vst v7;
	v7 =	vadd.f32 v11, v10  }
.LBB2_53:
0x305: {  	v8 =	vld [tilespmem:s21+$0x30];
	s18 =	sadd.s32 $0x80, s18  }
0x306: {  	s20 =	sadd.s32 $0x80, s20;
	v9 =	vld [tilespmem:s18+$0x30];
	[tilespmem:s17+$0x0] =	vst v7;
	v2 =	vadd.f32 v4, v2  }
0x307: {  	p0 =	slt.u32 s20, $0x1780;
	v4 =	vld [tilespmem:s18+$0xFFFFFFC0]  }
0x308: {  	v7 =	vld [tilespmem:s21+$0xFFFFFFD0];
	[tilespmem:s17+$0x10] =	vst v2;
	v2 =	vadd.f32 v5, v3  }
0x309: {  	v3 =	vld [tilespmem:s18+$0xFFFFFFD0];
	v10 =	vadd.f32 v1, v6  }
0x30a: {  	v5 =	vld [tilespmem:s21+$0xFFFFFFE0];
	[tilespmem:s17+$0x20] =	vst v2  }
0x30b: {  	v2 =	vld [tilespmem:s18+$0xFFFFFFE0];
	v6 =	vadd.f32 v9, v8;
	[tilespmem:s17+$0xFFFFFFC0] =	vst v10;
	s17 =	smov.u32 s21  }
0x30c: {  	v8 =	vld [tilespmem:s21+$0xFFFFFFF0];
	v1 =	vmov v4  }
0x30d: {  	s23 =	simm.s32 $0x17F0;
	s26 =	simm.s32 $0x5800;
	v9 =	vld [tilespmem:s18+$0xFFFFFFF0];
	[tilespmem:s21+$0x30] =	vst v6  }
0x30e: {  	v3 =	vadd.f32 v3, v7;
	v7 =	vld [tilespmem:s21+$0x0]  }
0x30f: {  	v10 =	vld [tilespmem:s18+$0x0]  }
.Ltmp32:
0x310: {  	[tilespmem:s21+$0xFFFFFFD0] =	vst v3;
	v3 =	vadd.f32 v2, v5;
	v2 =	vld [tilespmem:s21+$0x10];
	(pc) =	sbr.rel @p0 .LBB2_53-.Ltmp32, $4  }
0x311: {  	v4 =	vld [tilespmem:s18+$0x10]  }
0x312: {  	[tilespmem:s21+$0xFFFFFFE0] =	vst v3;
	v8 =	vadd.f32 v9, v8;
	v3 =	vld [tilespmem:s21+$0x20]  }
0x313: {  	v5 =	vld [tilespmem:s18+$0x20]  }
0x314: {  	s21 =	sadd.s32 $0x80, s21;
	v6 =	vld [tilespmem:s17+$0xFFFFFFC0];
	[tilespmem:s17+$0xFFFFFFF0] =	vst v8;
	v7 =	vadd.f32 v10, v7  }
0x315: {  	_ =	sdelay $0x1  }
0x316: {  	v2 =	vadd.f32 v4, v2  }
0x317: {  	[tilespmem:s17+$0x0] =	vst v7;
	v3 =	vadd.f32 v5, v3  }
0x318: {  	[tilespmem:s17+$0x10] =	vst v2;
	v1 =	vadd.f32 v1, v6  }
0x319: {  	[tilespmem:s17+$0x20] =	vst v3  }
0x31a: {  	[tilespmem:s17+$0xFFFFFFC0] =	vst v1  }
.LBB2_55:
0x31b: {  	v1 =	vld [tilespmem:s26+$0x0]  }
0x31c: {  	v2 =	vld [tilespmem:s19+$0x0]  }
0x31d: {  	s23 =	sadd.s32 $0x10, s23  }
0x31e: {  	p0 =	slt.u32 s23, $0x1860  }
.Ltmp33:
0x31f: {  	_ = 	snop;
	(pc) =	sbr.rel @p0 .LBB2_55-.Ltmp33, $3  }
0x320: {  	_ = 	snop  }
0x321: {  	v1 =	vadd.f32 v2, v1;
	_ =	sdelay $0x1  }
0x322: {  	s19 =	sadd.s32 $0x10, s19;
	[tilespmem:s26+$0x0] =	vst v1;
	s26 =	sadd.s32 $0x10, s26  }
.LBB2_56:
0x323: {  	v1 =	vld [tilespmem:$0x70];
	_ =	sdelay $0x4  }
0x324: {  	(v2sf) =	vpush v1, $0x0  }
0x325: {  	(v2sf) =	vpush v1, $0x1;
	_ =	sdelay $0xd  }
0x326: {  	s17 =	spop (v2sf)  }
0x327: {  	s18 =	spop (v2sf);
	p0 =	sgt.s32 s17, s3  }
0x328: {  	p1 =	sgt.s32 @!p0 s3, s18  }
0x329: {  	p0 =	por p0, p1  }
.Ltmp34:
0x32a: {  	_ = 	snop;
	(pc) =	sbr.rel @p0 .LBB2_61-.Ltmp34, $1  }
0x32b: {  	_ =	sdelay $0x3  }
0x32c: {  	s17 =	rddreg [dreg:$0xc]  }
0x32d: {  	[tilespmem:s15], [sflag:$0x3] =	stream.linear.gather [hbm4b:s17+s5], $0x1870, $0x38;
	[tilespmem:$0x1F810] =	vst v63  }
0x32e: {  	_ =	swait.ge [sflag:s14], $0x1870  }
0x32f: {  	[sflag:s14] =	ssyncset.done $0x0  }
0x330: {  	s17 =	simm.s32 $0x4040;
	[sflag:s14] =	ssyncadd.s32 $0xFFFFE790  }
0x331: {  	s18 =	simm.s32 $0x58C0;
	v2 =	vld [tilespmem:s17+$0x30]  }
0x332: {  	v3 =	vld [tilespmem:s18+$0x30]  }
0x333: {  	v1 =	vld [tilespmem:s18+$0xFFFFFFC0]  }
0x334: {  	v4 =	vld [tilespmem:s17+$0xFFFFFFD0]  }
0x335: {  	v5 =	vld [tilespmem:s18+$0xFFFFFFD0]  }
0x336: {  	v6 =	vld [tilespmem:s17+$0xFFFFFFE0]  }
0x337: {  	v7 =	vld [tilespmem:s18+$0xFFFFFFE0]  }
0x338: {  	v8 =	vld [tilespmem:s17+$0xFFFFFFF0]  }
0x339: {  	v9 =	vld [tilespmem:s18+$0xFFFFFFF0]  }
0x33a: {  	v10 =	vld [tilespmem:s17+$0x0]  }
0x33b: {  	v11 =	vld [tilespmem:s18+$0x0];
	v3 =	vadd.f32 v3, v2  }
0x33c: {  	v5 =	vadd.f32 v5, v4;
	v2 =	vld [tilespmem:s17+$0x10]  }
0x33d: {  	v6 =	vadd.f32 v7, v6;
	v4 =	vld [tilespmem:s18+$0x10];
	[tilespmem:s17+$0x30] =	vst v3  }
0x33e: {  	v7 =	vadd.f32 v9, v8;
	[tilespmem:s17+$0xFFFFFFD0] =	vst v5;
	v3 =	vld [tilespmem:s17+$0x20]  }
0x33f: {  	[tilespmem:s17+$0xFFFFFFE0] =	vst v6;
	v5 =	vld [tilespmem:s18+$0x20]  }
0x340: {  	s20 =	simm.s32 $0x0;
	s19 =	simm.s32 $0x7080;
	s21 =	simm.s32 $0x40C0;
	v6 =	vld [tilespmem:s17+$0xFFFFFFC0];
	[tilespmem:s17+$0xFFFFFFF0] =	vst v7;
	v7 =	vadd.f32 v11, v10  }
.LBB2_58:
0x341: {  	v8 =	vld [tilespmem:s21+$0x30];
	s18 =	sadd.s32 $0x80, s18  }
0x342: {  	s20 =	sadd.s32 $0x80, s20;
	v9 =	vld [tilespmem:s18+$0x30];
	[tilespmem:s17+$0x0] =	vst v7;
	v2 =	vadd.f32 v4, v2  }
0x343: {  	p0 =	slt.u32 s20, $0x1780;
	v4 =	vld [tilespmem:s18+$0xFFFFFFC0]  }
0x344: {  	v7 =	vld [tilespmem:s21+$0xFFFFFFD0];
	[tilespmem:s17+$0x10] =	vst v2;
	v2 =	vadd.f32 v5, v3  }
0x345: {  	v3 =	vld [tilespmem:s18+$0xFFFFFFD0];
	v10 =	vadd.f32 v1, v6  }
0x346: {  	v5 =	vld [tilespmem:s21+$0xFFFFFFE0];
	[tilespmem:s17+$0x20] =	vst v2  }
0x347: {  	v2 =	vld [tilespmem:s18+$0xFFFFFFE0];
	v6 =	vadd.f32 v9, v8;
	[tilespmem:s17+$0xFFFFFFC0] =	vst v10;
	s17 =	smov.u32 s21  }
0x348: {  	v8 =	vld [tilespmem:s21+$0xFFFFFFF0];
	v1 =	vmov v4  }
0x349: {  	s23 =	simm.s32 $0x17F0;
	s26 =	simm.s32 $0x5800;
	v9 =	vld [tilespmem:s18+$0xFFFFFFF0];
	[tilespmem:s21+$0x30] =	vst v6  }
0x34a: {  	v3 =	vadd.f32 v3, v7;
	v7 =	vld [tilespmem:s21+$0x0]  }
0x34b: {  	v10 =	vld [tilespmem:s18+$0x0]  }
.Ltmp35:
0x34c: {  	[tilespmem:s21+$0xFFFFFFD0] =	vst v3;
	v3 =	vadd.f32 v2, v5;
	v2 =	vld [tilespmem:s21+$0x10];
	(pc) =	sbr.rel @p0 .LBB2_58-.Ltmp35, $4  }
0x34d: {  	v4 =	vld [tilespmem:s18+$0x10]  }
0x34e: {  	[tilespmem:s21+$0xFFFFFFE0] =	vst v3;
	v8 =	vadd.f32 v9, v8;
	v3 =	vld [tilespmem:s21+$0x20]  }
0x34f: {  	v5 =	vld [tilespmem:s18+$0x20]  }
0x350: {  	s21 =	sadd.s32 $0x80, s21;
	v6 =	vld [tilespmem:s17+$0xFFFFFFC0];
	[tilespmem:s17+$0xFFFFFFF0] =	vst v8;
	v7 =	vadd.f32 v10, v7  }
0x351: {  	_ =	sdelay $0x1  }
0x352: {  	v2 =	vadd.f32 v4, v2  }
0x353: {  	[tilespmem:s17+$0x0] =	vst v7;
	v3 =	vadd.f32 v5, v3  }
0x354: {  	[tilespmem:s17+$0x10] =	vst v2;
	v1 =	vadd.f32 v1, v6  }
0x355: {  	[tilespmem:s17+$0x20] =	vst v3  }
0x356: {  	[tilespmem:s17+$0xFFFFFFC0] =	vst v1  }
.LBB2_60:
0x357: {  	v1 =	vld [tilespmem:s26+$0x0]  }
0x358: {  	v2 =	vld [tilespmem:s19+$0x0]  }
0x359: {  	s23 =	sadd.s32 $0x10, s23  }
0x35a: {  	p0 =	slt.u32 s23, $0x1860  }
.Ltmp36:
0x35b: {  	_ = 	snop;
	(pc) =	sbr.rel @p0 .LBB2_60-.Ltmp36, $3  }
0x35c: {  	_ = 	snop  }
0x35d: {  	v1 =	vadd.f32 v2, v1;
	_ =	sdelay $0x1  }
0x35e: {  	s19 =	sadd.s32 $0x10, s19;
	[tilespmem:s26+$0x0] =	vst v1;
	s26 =	sadd.s32 $0x10, s26  }
.LBB2_61:
0x35f: {  	v1 =	vld [tilespmem:$0x80];
	_ =	sdelay $0x4  }
0x360: {  	(v2sf) =	vpush v1, $0x0  }
0x361: {  	(v2sf) =	vpush v1, $0x1;
	_ =	sdelay $0xd  }
0x362: {  	s17 =	spop (v2sf)  }
0x363: {  	s18 =	spop (v2sf);
	p0 =	sgt.s32 s17, s3  }
0x364: {  	p1 =	sgt.s32 @!p0 s3, s18  }
0x365: {  	p0 =	por p0, p1  }
.Ltmp37:
0x366: {  	_ = 	snop;
	(pc) =	sbr.rel @p0 .LBB2_66-.Ltmp37, $1  }
0x367: {  	_ =	sdelay $0x3  }
0x368: {  	s17 =	rddreg [dreg:$0xd]  }
0x369: {  	[tilespmem:s15], [sflag:$0x3] =	stream.linear.gather [hbm4b:s17+s5], $0x1870, $0x38;
	[tilespmem:$0x1F810] =	vst v63  }
0x36a: {  	_ =	swait.ge [sflag:s14], $0x1870  }
0x36b: {  	[sflag:s14] =	ssyncset.done $0x0  }
0x36c: {  	s17 =	simm.s32 $0x4040;
	[sflag:s14] =	ssyncadd.s32 $0xFFFFE790  }
0x36d: {  	s18 =	simm.s32 $0x58C0;
	v2 =	vld [tilespmem:s17+$0x30]  }
0x36e: {  	v3 =	vld [tilespmem:s18+$0x30]  }
0x36f: {  	v1 =	vld [tilespmem:s18+$0xFFFFFFC0]  }
0x370: {  	v4 =	vld [tilespmem:s17+$0xFFFFFFD0]  }
0x371: {  	v5 =	vld [tilespmem:s18+$0xFFFFFFD0]  }
0x372: {  	v6 =	vld [tilespmem:s17+$0xFFFFFFE0]  }
0x373: {  	v7 =	vld [tilespmem:s18+$0xFFFFFFE0]  }
0x374: {  	v8 =	vld [tilespmem:s17+$0xFFFFFFF0]  }
0x375: {  	v9 =	vld [tilespmem:s18+$0xFFFFFFF0]  }
0x376: {  	v10 =	vld [tilespmem:s17+$0x0]  }
0x377: {  	v11 =	vld [tilespmem:s18+$0x0];
	v3 =	vadd.f32 v3, v2  }
0x378: {  	v5 =	vadd.f32 v5, v4;
	v2 =	vld [tilespmem:s17+$0x10]  }
0x379: {  	v6 =	vadd.f32 v7, v6;
	v4 =	vld [tilespmem:s18+$0x10];
	[tilespmem:s17+$0x30] =	vst v3  }
0x37a: {  	v7 =	vadd.f32 v9, v8;
	[tilespmem:s17+$0xFFFFFFD0] =	vst v5;
	v3 =	vld [tilespmem:s17+$0x20]  }
0x37b: {  	[tilespmem:s17+$0xFFFFFFE0] =	vst v6;
	v5 =	vld [tilespmem:s18+$0x20]  }
0x37c: {  	s20 =	simm.s32 $0x0;
	s19 =	simm.s32 $0x7080;
	s21 =	simm.s32 $0x40C0;
	v6 =	vld [tilespmem:s17+$0xFFFFFFC0];
	[tilespmem:s17+$0xFFFFFFF0] =	vst v7;
	v7 =	vadd.f32 v11, v10  }
.LBB2_63:
0x37d: {  	v8 =	vld [tilespmem:s21+$0x30];
	s18 =	sadd.s32 $0x80, s18  }
0x37e: {  	s20 =	sadd.s32 $0x80, s20;
	v9 =	vld [tilespmem:s18+$0x30];
	[tilespmem:s17+$0x0] =	vst v7;
	v2 =	vadd.f32 v4, v2  }
0x37f: {  	p0 =	slt.u32 s20, $0x1780;
	v4 =	vld [tilespmem:s18+$0xFFFFFFC0]  }
0x380: {  	v7 =	vld [tilespmem:s21+$0xFFFFFFD0];
	[tilespmem:s17+$0x10] =	vst v2;
	v2 =	vadd.f32 v5, v3  }
0x381: {  	v3 =	vld [tilespmem:s18+$0xFFFFFFD0];
	v10 =	vadd.f32 v1, v6  }
0x382: {  	v5 =	vld [tilespmem:s21+$0xFFFFFFE0];
	[tilespmem:s17+$0x20] =	vst v2  }
0x383: {  	v2 =	vld [tilespmem:s18+$0xFFFFFFE0];
	v6 =	vadd.f32 v9, v8;
	[tilespmem:s17+$0xFFFFFFC0] =	vst v10;
	s17 =	smov.u32 s21  }
0x384: {  	v8 =	vld [tilespmem:s21+$0xFFFFFFF0];
	v1 =	vmov v4  }
0x385: {  	s23 =	simm.s32 $0x17F0;
	s26 =	simm.s32 $0x5800;
	v9 =	vld [tilespmem:s18+$0xFFFFFFF0];
	[tilespmem:s21+$0x30] =	vst v6  }
0x386: {  	v3 =	vadd.f32 v3, v7;
	v7 =	vld [tilespmem:s21+$0x0]  }
0x387: {  	v10 =	vld [tilespmem:s18+$0x0]  }
.Ltmp38:
0x388: {  	[tilespmem:s21+$0xFFFFFFD0] =	vst v3;
	v3 =	vadd.f32 v2, v5;
	v2 =	vld [tilespmem:s21+$0x10];
	(pc) =	sbr.rel @p0 .LBB2_63-.Ltmp38, $4  }
0x389: {  	v4 =	vld [tilespmem:s18+$0x10]  }
0x38a: {  	[tilespmem:s21+$0xFFFFFFE0] =	vst v3;
	v8 =	vadd.f32 v9, v8;
	v3 =	vld [tilespmem:s21+$0x20]  }
0x38b: {  	v5 =	vld [tilespmem:s18+$0x20]  }
0x38c: {  	s21 =	sadd.s32 $0x80, s21;
	v6 =	vld [tilespmem:s17+$0xFFFFFFC0];
	[tilespmem:s17+$0xFFFFFFF0] =	vst v8;
	v7 =	vadd.f32 v10, v7  }
0x38d: {  	_ =	sdelay $0x1  }
0x38e: {  	v2 =	vadd.f32 v4, v2  }
0x38f: {  	[tilespmem:s17+$0x0] =	vst v7;
	v3 =	vadd.f32 v5, v3  }
0x390: {  	[tilespmem:s17+$0x10] =	vst v2;
	v1 =	vadd.f32 v1, v6  }
0x391: {  	[tilespmem:s17+$0x20] =	vst v3  }
0x392: {  	[tilespmem:s17+$0xFFFFFFC0] =	vst v1  }
.LBB2_65:
0x393: {  	v1 =	vld [tilespmem:s26+$0x0]  }
0x394: {  	v2 =	vld [tilespmem:s19+$0x0]  }
0x395: {  	s23 =	sadd.s32 $0x10, s23  }
0x396: {  	p0 =	slt.u32 s23, $0x1860  }
.Ltmp39:
0x397: {  	_ = 	snop;
	(pc) =	sbr.rel @p0 .LBB2_65-.Ltmp39, $3  }
0x398: {  	_ = 	snop  }
0x399: {  	v1 =	vadd.f32 v2, v1;
	_ =	sdelay $0x1  }
0x39a: {  	s19 =	sadd.s32 $0x10, s19;
	[tilespmem:s26+$0x0] =	vst v1;
	s26 =	sadd.s32 $0x10, s26  }
.LBB2_66:
0x39b: {  	v1 =	vld [tilespmem:$0x90];
	_ =	sdelay $0x4  }
0x39c: {  	(v2sf) =	vpush v1, $0x0  }
0x39d: {  	(v2sf) =	vpush v1, $0x1;
	_ =	sdelay $0xd  }
0x39e: {  	s17 =	spop (v2sf)  }
0x39f: {  	s18 =	spop (v2sf);
	p0 =	sgt.s32 s17, s3  }
0x3a0: {  	p1 =	sgt.s32 @!p0 s3, s18  }
0x3a1: {  	p0 =	por p0, p1  }
.Ltmp40:
0x3a2: {  	_ = 	snop;
	(pc) =	sbr.rel @p0 .LBB2_71-.Ltmp40, $1  }
0x3a3: {  	_ =	sdelay $0x3  }
0x3a4: {  	s17 =	rddreg [dreg:$0xe]  }
0x3a5: {  	[tilespmem:s15], [sflag:$0x3] =	stream.linear.gather [hbm4b:s17+s5], $0x1870, $0x38;
	[tilespmem:$0x1F810] =	vst v63  }
0x3a6: {  	_ =	swait.ge [sflag:s14], $0x1870  }
0x3a7: {  	[sflag:s14] =	ssyncset.done $0x0  }
0x3a8: {  	s17 =	simm.s32 $0x4040;
	[sflag:s14] =	ssyncadd.s32 $0xFFFFE790  }
0x3a9: {  	s18 =	simm.s32 $0x58C0;
	v2 =	vld [tilespmem:s17+$0x30]  }
0x3aa: {  	v3 =	vld [tilespmem:s18+$0x30]  }
0x3ab: {  	v1 =	vld [tilespmem:s18+$0xFFFFFFC0]  }
0x3ac: {  	v4 =	vld [tilespmem:s17+$0xFFFFFFD0]  }
0x3ad: {  	v5 =	vld [tilespmem:s18+$0xFFFFFFD0]  }
0x3ae: {  	v6 =	vld [tilespmem:s17+$0xFFFFFFE0]  }
0x3af: {  	v7 =	vld [tilespmem:s18+$0xFFFFFFE0]  }
0x3b0: {  	v8 =	vld [tilespmem:s17+$0xFFFFFFF0]  }
0x3b1: {  	v9 =	vld [tilespmem:s18+$0xFFFFFFF0]  }
0x3b2: {  	v10 =	vld [tilespmem:s17+$0x0]  }
0x3b3: {  	v11 =	vld [tilespmem:s18+$0x0];
	v3 =	vadd.f32 v3, v2  }
0x3b4: {  	v5 =	vadd.f32 v5, v4;
	v2 =	vld [tilespmem:s17+$0x10]  }
0x3b5: {  	v6 =	vadd.f32 v7, v6;
	v4 =	vld [tilespmem:s18+$0x10];
	[tilespmem:s17+$0x30] =	vst v3  }
0x3b6: {  	v7 =	vadd.f32 v9, v8;
	[tilespmem:s17+$0xFFFFFFD0] =	vst v5;
	v3 =	vld [tilespmem:s17+$0x20]  }
0x3b7: {  	[tilespmem:s17+$0xFFFFFFE0] =	vst v6;
	v5 =	vld [tilespmem:s18+$0x20]  }
0x3b8: {  	s20 =	simm.s32 $0x0;
	s19 =	simm.s32 $0x7080;
	s21 =	simm.s32 $0x40C0;
	v6 =	vld [tilespmem:s17+$0xFFFFFFC0];
	[tilespmem:s17+$0xFFFFFFF0] =	vst v7;
	v7 =	vadd.f32 v11, v10  }
.LBB2_68:
0x3b9: {  	v8 =	vld [tilespmem:s21+$0x30];
	s18 =	sadd.s32 $0x80, s18  }
0x3ba: {  	s20 =	sadd.s32 $0x80, s20;
	v9 =	vld [tilespmem:s18+$0x30];
	[tilespmem:s17+$0x0] =	vst v7;
	v2 =	vadd.f32 v4, v2  }
0x3bb: {  	p0 =	slt.u32 s20, $0x1780;
	v4 =	vld [tilespmem:s18+$0xFFFFFFC0]  }
0x3bc: {  	v7 =	vld [tilespmem:s21+$0xFFFFFFD0];
	[tilespmem:s17+$0x10] =	vst v2;
	v2 =	vadd.f32 v5, v3  }
0x3bd: {  	v3 =	vld [tilespmem:s18+$0xFFFFFFD0];
	v10 =	vadd.f32 v1, v6  }
0x3be: {  	v5 =	vld [tilespmem:s21+$0xFFFFFFE0];
	[tilespmem:s17+$0x20] =	vst v2  }
0x3bf: {  	v2 =	vld [tilespmem:s18+$0xFFFFFFE0];
	v6 =	vadd.f32 v9, v8;
	[tilespmem:s17+$0xFFFFFFC0] =	vst v10;
	s17 =	smov.u32 s21  }
0x3c0: {  	v8 =	vld [tilespmem:s21+$0xFFFFFFF0];
	v1 =	vmov v4  }
0x3c1: {  	s23 =	simm.s32 $0x17F0;
	s26 =	simm.s32 $0x5800;
	v9 =	vld [tilespmem:s18+$0xFFFFFFF0];
	[tilespmem:s21+$0x30] =	vst v6  }
0x3c2: {  	v3 =	vadd.f32 v3, v7;
	v7 =	vld [tilespmem:s21+$0x0]  }
0x3c3: {  	v10 =	vld [tilespmem:s18+$0x0]  }
.Ltmp41:
0x3c4: {  	[tilespmem:s21+$0xFFFFFFD0] =	vst v3;
	v3 =	vadd.f32 v2, v5;
	v2 =	vld [tilespmem:s21+$0x10];
	(pc) =	sbr.rel @p0 .LBB2_68-.Ltmp41, $4  }
0x3c5: {  	v4 =	vld [tilespmem:s18+$0x10]  }
0x3c6: {  	[tilespmem:s21+$0xFFFFFFE0] =	vst v3;
	v8 =	vadd.f32 v9, v8;
	v3 =	vld [tilespmem:s21+$0x20]  }
0x3c7: {  	v5 =	vld [tilespmem:s18+$0x20]  }
0x3c8: {  	s21 =	sadd.s32 $0x80, s21;
	v6 =	vld [tilespmem:s17+$0xFFFFFFC0];
	[tilespmem:s17+$0xFFFFFFF0] =	vst v8;
	v7 =	vadd.f32 v10, v7  }
0x3c9: {  	_ =	sdelay $0x1  }
0x3ca: {  	v2 =	vadd.f32 v4, v2  }
0x3cb: {  	[tilespmem:s17+$0x0] =	vst v7;
	v3 =	vadd.f32 v5, v3  }
0x3cc: {  	[tilespmem:s17+$0x10] =	vst v2;
	v1 =	vadd.f32 v1, v6  }
0x3cd: {  	[tilespmem:s17+$0x20] =	vst v3  }
0x3ce: {  	[tilespmem:s17+$0xFFFFFFC0] =	vst v1  }
.LBB2_70:
0x3cf: {  	v1 =	vld [tilespmem:s26+$0x0]  }
0x3d0: {  	v2 =	vld [tilespmem:s19+$0x0]  }
0x3d1: {  	s23 =	sadd.s32 $0x10, s23  }
0x3d2: {  	p0 =	slt.u32 s23, $0x1860  }
.Ltmp42:
0x3d3: {  	_ = 	snop;
	(pc) =	sbr.rel @p0 .LBB2_70-.Ltmp42, $3  }
0x3d4: {  	_ = 	snop  }
0x3d5: {  	v1 =	vadd.f32 v2, v1;
	_ =	sdelay $0x1  }
0x3d6: {  	s19 =	sadd.s32 $0x10, s19;
	[tilespmem:s26+$0x0] =	vst v1;
	s26 =	sadd.s32 $0x10, s26  }
.LBB2_71:
0x3d7: {  	v1 =	vld [tilespmem:$0xA0];
	_ =	sdelay $0x4  }
0x3d8: {  	(v2sf) =	vpush v1, $0x0  }
0x3d9: {  	(v2sf) =	vpush v1, $0x1;
	_ =	sdelay $0xd  }
0x3da: {  	s17 =	spop (v2sf)  }
0x3db: {  	s18 =	spop (v2sf);
	p0 =	sgt.s32 s17, s3  }
0x3dc: {  	p1 =	sgt.s32 @!p0 s3, s18  }
0x3dd: {  	p0 =	por p0, p1  }
.Ltmp43:
0x3de: {  	_ = 	snop;
	(pc) =	sbr.rel @p0 .LBB2_76-.Ltmp43, $1  }
0x3df: {  	_ =	sdelay $0x3  }
0x3e0: {  	s17 =	rddreg [dreg:$0x10]  }
0x3e1: {  	[tilespmem:s15], [sflag:$0x3] =	stream.linear.gather [hbm4b:s17+s5], $0x1870, $0x38;
	[tilespmem:$0x1F810] =	vst v63  }
0x3e2: {  	_ =	swait.ge [sflag:s14], $0x1870  }
0x3e3: {  	[sflag:s14] =	ssyncset.done $0x0  }
0x3e4: {  	s17 =	simm.s32 $0x4040;
	[sflag:s14] =	ssyncadd.s32 $0xFFFFE790  }
0x3e5: {  	s18 =	simm.s32 $0x58C0;
	v2 =	vld [tilespmem:s17+$0x30]  }
0x3e6: {  	v3 =	vld [tilespmem:s18+$0x30]  }
0x3e7: {  	v1 =	vld [tilespmem:s18+$0xFFFFFFC0]  }
0x3e8: {  	v4 =	vld [tilespmem:s17+$0xFFFFFFD0]  }
0x3e9: {  	v5 =	vld [tilespmem:s18+$0xFFFFFFD0]  }
0x3ea: {  	v6 =	vld [tilespmem:s17+$0xFFFFFFE0]  }
0x3eb: {  	v7 =	vld [tilespmem:s18+$0xFFFFFFE0]  }
0x3ec: {  	v8 =	vld [tilespmem:s17+$0xFFFFFFF0]  }
0x3ed: {  	v9 =	vld [tilespmem:s18+$0xFFFFFFF0]  }
0x3ee: {  	v10 =	vld [tilespmem:s17+$0x0]  }
0x3ef: {  	v11 =	vld [tilespmem:s18+$0x0];
	v3 =	vadd.f32 v3, v2  }
0x3f0: {  	v5 =	vadd.f32 v5, v4;
	v2 =	vld [tilespmem:s17+$0x10]  }
0x3f1: {  	v6 =	vadd.f32 v7, v6;
	v4 =	vld [tilespmem:s18+$0x10];
	[tilespmem:s17+$0x30] =	vst v3  }
0x3f2: {  	v7 =	vadd.f32 v9, v8;
	[tilespmem:s17+$0xFFFFFFD0] =	vst v5;
	v3 =	vld [tilespmem:s17+$0x20]  }
0x3f3: {  	[tilespmem:s17+$0xFFFFFFE0] =	vst v6;
	v5 =	vld [tilespmem:s18+$0x20]  }
0x3f4: {  	s20 =	simm.s32 $0x0;
	s19 =	simm.s32 $0x7080;
	s21 =	simm.s32 $0x40C0;
	v6 =	vld [tilespmem:s17+$0xFFFFFFC0];
	[tilespmem:s17+$0xFFFFFFF0] =	vst v7;
	v7 =	vadd.f32 v11, v10  }
.LBB2_73:
0x3f5: {  	v8 =	vld [tilespmem:s21+$0x30];
	s18 =	sadd.s32 $0x80, s18  }
0x3f6: {  	s20 =	sadd.s32 $0x80, s20;
	v9 =	vld [tilespmem:s18+$0x30];
	[tilespmem:s17+$0x0] =	vst v7;
	v2 =	vadd.f32 v4, v2  }
0x3f7: {  	p0 =	slt.u32 s20, $0x1780;
	v4 =	vld [tilespmem:s18+$0xFFFFFFC0]  }
0x3f8: {  	v7 =	vld [tilespmem:s21+$0xFFFFFFD0];
	[tilespmem:s17+$0x10] =	vst v2;
	v2 =	vadd.f32 v5, v3  }
0x3f9: {  	v3 =	vld [tilespmem:s18+$0xFFFFFFD0];
	v10 =	vadd.f32 v1, v6  }
0x3fa: {  	v5 =	vld [tilespmem:s21+$0xFFFFFFE0];
	[tilespmem:s17+$0x20] =	vst v2  }
0x3fb: {  	v2 =	vld [tilespmem:s18+$0xFFFFFFE0];
	v6 =	vadd.f32 v9, v8;
	[tilespmem:s17+$0xFFFFFFC0] =	vst v10;
	s17 =	smov.u32 s21  }
0x3fc: {  	v8 =	vld [tilespmem:s21+$0xFFFFFFF0];
	v1 =	vmov v4  }
0x3fd: {  	s23 =	simm.s32 $0x17F0;
	s26 =	simm.s32 $0x5800;
	v9 =	vld [tilespmem:s18+$0xFFFFFFF0];
	[tilespmem:s21+$0x30] =	vst v6  }
0x3fe: {  	v3 =	vadd.f32 v3, v7;
	v7 =	vld [tilespmem:s21+$0x0]  }
0x3ff: {  	v10 =	vld [tilespmem:s18+$0x0]  }
.Ltmp44:
0x400: {  	[tilespmem:s21+$0xFFFFFFD0] =	vst v3;
	v3 =	vadd.f32 v2, v5;
	v2 =	vld [tilespmem:s21+$0x10];
	(pc) =	sbr.rel @p0 .LBB2_73-.Ltmp44, $4  }
0x401: {  	v4 =	vld [tilespmem:s18+$0x10]  }
0x402: {  	[tilespmem:s21+$0xFFFFFFE0] =	vst v3;
	v8 =	vadd.f32 v9, v8;
	v3 =	vld [tilespmem:s21+$0x20]  }
0x403: {  	v5 =	vld [tilespmem:s18+$0x20]  }
0x404: {  	s21 =	sadd.s32 $0x80, s21;
	v6 =	vld [tilespmem:s17+$0xFFFFFFC0];
	[tilespmem:s17+$0xFFFFFFF0] =	vst v8;
	v7 =	vadd.f32 v10, v7  }
0x405: {  	_ =	sdelay $0x1  }
0x406: {  	v2 =	vadd.f32 v4, v2  }
0x407: {  	[tilespmem:s17+$0x0] =	vst v7;
	v3 =	vadd.f32 v5, v3  }
0x408: {  	[tilespmem:s17+$0x10] =	vst v2;
	v1 =	vadd.f32 v1, v6  }
0x409: {  	[tilespmem:s17+$0x20] =	vst v3  }
0x40a: {  	[tilespmem:s17+$0xFFFFFFC0] =	vst v1  }
.LBB2_75:
0x40b: {  	v1 =	vld [tilespmem:s26+$0x0]  }
0x40c: {  	v2 =	vld [tilespmem:s19+$0x0]  }
0x40d: {  	s23 =	sadd.s32 $0x10, s23  }
0x40e: {  	p0 =	slt.u32 s23, $0x1860  }
.Ltmp45:
0x40f: {  	_ = 	snop;
	(pc) =	sbr.rel @p0 .LBB2_75-.Ltmp45, $3  }
0x410: {  	_ = 	snop  }
0x411: {  	v1 =	vadd.f32 v2, v1;
	_ =	sdelay $0x1  }
0x412: {  	s19 =	sadd.s32 $0x10, s19;
	[tilespmem:s26+$0x0] =	vst v1;
	s26 =	sadd.s32 $0x10, s26  }
.LBB2_76:
0x413: {  	v1 =	vld [tilespmem:$0xB0];
	_ =	sdelay $0x4  }
0x414: {  	(v2sf) =	vpush v1, $0x0  }
0x415: {  	(v2sf) =	vpush v1, $0x1;
	_ =	sdelay $0xd  }
0x416: {  	s17 =	spop (v2sf)  }
0x417: {  	s18 =	spop (v2sf);
	p0 =	sgt.s32 s17, s3  }
0x418: {  	p1 =	sgt.s32 @!p0 s3, s18  }
0x419: {  	p0 =	por p0, p1  }
.Ltmp46:
0x41a: {  	_ = 	snop;
	(pc) =	sbr.rel @p0 .LBB2_81-.Ltmp46, $1  }
0x41b: {  	_ =	sdelay $0x3  }
0x41c: {  	s17 =	rddreg [dreg:$0x11]  }
0x41d: {  	[tilespmem:s15], [sflag:$0x3] =	stream.linear.gather [hbm4b:s17+s5], $0x1870, $0x38;
	[tilespmem:$0x1F810] =	vst v63  }
0x41e: {  	_ =	swait.ge [sflag:s14], $0x1870  }
0x41f: {  	[sflag:s14] =	ssyncset.done $0x0  }
0x420: {  	s17 =	simm.s32 $0x4040;
	[sflag:s14] =	ssyncadd.s32 $0xFFFFE790  }
0x421: {  	s18 =	simm.s32 $0x58C0;
	v2 =	vld [tilespmem:s17+$0x30]  }
0x422: {  	v3 =	vld [tilespmem:s18+$0x30]  }
0x423: {  	v1 =	vld [tilespmem:s18+$0xFFFFFFC0]  }
0x424: {  	v4 =	vld [tilespmem:s17+$0xFFFFFFD0]  }
0x425: {  	v5 =	vld [tilespmem:s18+$0xFFFFFFD0]  }
0x426: {  	v6 =	vld [tilespmem:s17+$0xFFFFFFE0]  }
0x427: {  	v7 =	vld [tilespmem:s18+$0xFFFFFFE0]  }
0x428: {  	v8 =	vld [tilespmem:s17+$0xFFFFFFF0]  }
0x429: {  	v9 =	vld [tilespmem:s18+$0xFFFFFFF0]  }
0x42a: {  	v10 =	vld [tilespmem:s17+$0x0]  }
0x42b: {  	v11 =	vld [tilespmem:s18+$0x0];
	v3 =	vadd.f32 v3, v2  }
0x42c: {  	v5 =	vadd.f32 v5, v4;
	v2 =	vld [tilespmem:s17+$0x10]  }
0x42d: {  	v6 =	vadd.f32 v7, v6;
	v4 =	vld [tilespmem:s18+$0x10];
	[tilespmem:s17+$0x30] =	vst v3  }
0x42e: {  	v7 =	vadd.f32 v9, v8;
	[tilespmem:s17+$0xFFFFFFD0] =	vst v5;
	v3 =	vld [tilespmem:s17+$0x20]  }
0x42f: {  	[tilespmem:s17+$0xFFFFFFE0] =	vst v6;
	v5 =	vld [tilespmem:s18+$0x20]  }
0x430: {  	s20 =	simm.s32 $0x0;
	s19 =	simm.s32 $0x7080;
	s21 =	simm.s32 $0x40C0;
	v6 =	vld [tilespmem:s17+$0xFFFFFFC0];
	[tilespmem:s17+$0xFFFFFFF0] =	vst v7;
	v7 =	vadd.f32 v11, v10  }
.LBB2_78:
0x431: {  	v8 =	vld [tilespmem:s21+$0x30];
	s18 =	sadd.s32 $0x80, s18  }
0x432: {  	s20 =	sadd.s32 $0x80, s20;
	v9 =	vld [tilespmem:s18+$0x30];
	[tilespmem:s17+$0x0] =	vst v7;
	v2 =	vadd.f32 v4, v2  }
0x433: {  	p0 =	slt.u32 s20, $0x1780;
	v4 =	vld [tilespmem:s18+$0xFFFFFFC0]  }
0x434: {  	v7 =	vld [tilespmem:s21+$0xFFFFFFD0];
	[tilespmem:s17+$0x10] =	vst v2;
	v2 =	vadd.f32 v5, v3  }
0x435: {  	v3 =	vld [tilespmem:s18+$0xFFFFFFD0];
	v10 =	vadd.f32 v1, v6  }
0x436: {  	v5 =	vld [tilespmem:s21+$0xFFFFFFE0];
	[tilespmem:s17+$0x20] =	vst v2  }
0x437: {  	v2 =	vld [tilespmem:s18+$0xFFFFFFE0];
	v6 =	vadd.f32 v9, v8;
	[tilespmem:s17+$0xFFFFFFC0] =	vst v10;
	s17 =	smov.u32 s21  }
0x438: {  	v8 =	vld [tilespmem:s21+$0xFFFFFFF0];
	v1 =	vmov v4  }
0x439: {  	s23 =	simm.s32 $0x17F0;
	s26 =	simm.s32 $0x5800;
	v9 =	vld [tilespmem:s18+$0xFFFFFFF0];
	[tilespmem:s21+$0x30] =	vst v6  }
0x43a: {  	v3 =	vadd.f32 v3, v7;
	v7 =	vld [tilespmem:s21+$0x0]  }
0x43b: {  	v10 =	vld [tilespmem:s18+$0x0]  }
.Ltmp47:
0x43c: {  	[tilespmem:s21+$0xFFFFFFD0] =	vst v3;
	v3 =	vadd.f32 v2, v5;
	v2 =	vld [tilespmem:s21+$0x10];
	(pc) =	sbr.rel @p0 .LBB2_78-.Ltmp47, $4  }
0x43d: {  	v4 =	vld [tilespmem:s18+$0x10]  }
0x43e: {  	[tilespmem:s21+$0xFFFFFFE0] =	vst v3;
	v8 =	vadd.f32 v9, v8;
	v3 =	vld [tilespmem:s21+$0x20]  }
0x43f: {  	v5 =	vld [tilespmem:s18+$0x20]  }
0x440: {  	s21 =	sadd.s32 $0x80, s21;
	v6 =	vld [tilespmem:s17+$0xFFFFFFC0];
	[tilespmem:s17+$0xFFFFFFF0] =	vst v8;
	v7 =	vadd.f32 v10, v7  }
0x441: {  	_ =	sdelay $0x1  }
0x442: {  	v2 =	vadd.f32 v4, v2  }
0x443: {  	[tilespmem:s17+$0x0] =	vst v7;
	v3 =	vadd.f32 v5, v3  }
0x444: {  	[tilespmem:s17+$0x10] =	vst v2;
	v1 =	vadd.f32 v1, v6  }
0x445: {  	[tilespmem:s17+$0x20] =	vst v3  }
0x446: {  	[tilespmem:s17+$0xFFFFFFC0] =	vst v1  }
.LBB2_80:
0x447: {  	v1 =	vld [tilespmem:s26+$0x0]  }
0x448: {  	v2 =	vld [tilespmem:s19+$0x0]  }
0x449: {  	s23 =	sadd.s32 $0x10, s23  }
0x44a: {  	p0 =	slt.u32 s23, $0x1860  }
.Ltmp48:
0x44b: {  	_ = 	snop;
	(pc) =	sbr.rel @p0 .LBB2_80-.Ltmp48, $3  }
0x44c: {  	_ = 	snop  }
0x44d: {  	v1 =	vadd.f32 v2, v1;
	_ =	sdelay $0x1  }
0x44e: {  	s19 =	sadd.s32 $0x10, s19;
	[tilespmem:s26+$0x0] =	vst v1;
	s26 =	sadd.s32 $0x10, s26  }
.LBB2_81:
0x44f: {  	v1 =	vld [tilespmem:$0xC0];
	_ =	sdelay $0x4  }
0x450: {  	(v2sf) =	vpush v1, $0x0  }
0x451: {  	(v2sf) =	vpush v1, $0x1;
	_ =	sdelay $0xd  }
0x452: {  	s17 =	spop (v2sf)  }
0x453: {  	s18 =	spop (v2sf);
	p0 =	sgt.s32 s17, s3  }
0x454: {  	p1 =	sgt.s32 @!p0 s3, s18  }
0x455: {  	p0 =	por p0, p1  }
.Ltmp49:
0x456: {  	_ = 	snop;
	(pc) =	sbr.rel @p0 .LBB2_86-.Ltmp49, $1  }
0x457: {  	_ =	sdelay $0x3  }
0x458: {  	s17 =	rddreg [dreg:$0x12]  }
0x459: {  	[tilespmem:s15], [sflag:$0x3] =	stream.linear.gather [hbm4b:s17+s5], $0x1870, $0x38;
	[tilespmem:$0x1F810] =	vst v63  }
0x45a: {  	_ =	swait.ge [sflag:s14], $0x1870  }
0x45b: {  	[sflag:s14] =	ssyncset.done $0x0  }
0x45c: {  	s17 =	simm.s32 $0x4040;
	[sflag:s14] =	ssyncadd.s32 $0xFFFFE790  }
0x45d: {  	s18 =	simm.s32 $0x58C0;
	v2 =	vld [tilespmem:s17+$0x30]  }
0x45e: {  	v3 =	vld [tilespmem:s18+$0x30]  }
0x45f: {  	v1 =	vld [tilespmem:s18+$0xFFFFFFC0]  }
0x460: {  	v4 =	vld [tilespmem:s17+$0xFFFFFFD0]  }
0x461: {  	v5 =	vld [tilespmem:s18+$0xFFFFFFD0]  }
0x462: {  	v6 =	vld [tilespmem:s17+$0xFFFFFFE0]  }
0x463: {  	v7 =	vld [tilespmem:s18+$0xFFFFFFE0]  }
0x464: {  	v8 =	vld [tilespmem:s17+$0xFFFFFFF0]  }
0x465: {  	v9 =	vld [tilespmem:s18+$0xFFFFFFF0]  }
0x466: {  	v10 =	vld [tilespmem:s17+$0x0]  }
0x467: {  	v11 =	vld [tilespmem:s18+$0x0];
	v3 =	vadd.f32 v3, v2  }
0x468: {  	v5 =	vadd.f32 v5, v4;
	v2 =	vld [tilespmem:s17+$0x10]  }
0x469: {  	v6 =	vadd.f32 v7, v6;
	v4 =	vld [tilespmem:s18+$0x10];
	[tilespmem:s17+$0x30] =	vst v3  }
0x46a: {  	v7 =	vadd.f32 v9, v8;
	[tilespmem:s17+$0xFFFFFFD0] =	vst v5;
	v3 =	vld [tilespmem:s17+$0x20]  }
0x46b: {  	[tilespmem:s17+$0xFFFFFFE0] =	vst v6;
	v5 =	vld [tilespmem:s18+$0x20]  }
0x46c: {  	s20 =	simm.s32 $0x0;
	s19 =	simm.s32 $0x7080;
	s21 =	simm.s32 $0x40C0;
	v6 =	vld [tilespmem:s17+$0xFFFFFFC0];
	[tilespmem:s17+$0xFFFFFFF0] =	vst v7;
	v7 =	vadd.f32 v11, v10  }
.LBB2_83:
0x46d: {  	v8 =	vld [tilespmem:s21+$0x30];
	s18 =	sadd.s32 $0x80, s18  }
0x46e: {  	s20 =	sadd.s32 $0x80, s20;
	v9 =	vld [tilespmem:s18+$0x30];
	[tilespmem:s17+$0x0] =	vst v7;
	v2 =	vadd.f32 v4, v2  }
0x46f: {  	p0 =	slt.u32 s20, $0x1780;
	v4 =	vld [tilespmem:s18+$0xFFFFFFC0]  }
0x470: {  	v7 =	vld [tilespmem:s21+$0xFFFFFFD0];
	[tilespmem:s17+$0x10] =	vst v2;
	v2 =	vadd.f32 v5, v3  }
0x471: {  	v3 =	vld [tilespmem:s18+$0xFFFFFFD0];
	v10 =	vadd.f32 v1, v6  }
0x472: {  	v5 =	vld [tilespmem:s21+$0xFFFFFFE0];
	[tilespmem:s17+$0x20] =	vst v2  }
0x473: {  	v2 =	vld [tilespmem:s18+$0xFFFFFFE0];
	v6 =	vadd.f32 v9, v8;
	[tilespmem:s17+$0xFFFFFFC0] =	vst v10;
	s17 =	smov.u32 s21  }
0x474: {  	v8 =	vld [tilespmem:s21+$0xFFFFFFF0];
	v1 =	vmov v4  }
0x475: {  	s23 =	simm.s32 $0x17F0;
	s26 =	simm.s32 $0x5800;
	v9 =	vld [tilespmem:s18+$0xFFFFFFF0];
	[tilespmem:s21+$0x30] =	vst v6  }
0x476: {  	v3 =	vadd.f32 v3, v7;
	v7 =	vld [tilespmem:s21+$0x0]  }
0x477: {  	v10 =	vld [tilespmem:s18+$0x0]  }
.Ltmp50:
0x478: {  	[tilespmem:s21+$0xFFFFFFD0] =	vst v3;
	v3 =	vadd.f32 v2, v5;
	v2 =	vld [tilespmem:s21+$0x10];
	(pc) =	sbr.rel @p0 .LBB2_83-.Ltmp50, $4  }
0x479: {  	v4 =	vld [tilespmem:s18+$0x10]  }
0x47a: {  	[tilespmem:s21+$0xFFFFFFE0] =	vst v3;
	v8 =	vadd.f32 v9, v8;
	v3 =	vld [tilespmem:s21+$0x20]  }
0x47b: {  	v5 =	vld [tilespmem:s18+$0x20]  }
0x47c: {  	s21 =	sadd.s32 $0x80, s21;
	v6 =	vld [tilespmem:s17+$0xFFFFFFC0];
	[tilespmem:s17+$0xFFFFFFF0] =	vst v8;
	v7 =	vadd.f32 v10, v7  }
0x47d: {  	_ =	sdelay $0x1  }
0x47e: {  	v2 =	vadd.f32 v4, v2  }
0x47f: {  	[tilespmem:s17+$0x0] =	vst v7;
	v3 =	vadd.f32 v5, v3  }
0x480: {  	[tilespmem:s17+$0x10] =	vst v2;
	v1 =	vadd.f32 v1, v6  }
0x481: {  	[tilespmem:s17+$0x20] =	vst v3  }
0x482: {  	[tilespmem:s17+$0xFFFFFFC0] =	vst v1  }
.LBB2_85:
0x483: {  	v1 =	vld [tilespmem:s26+$0x0]  }
0x484: {  	v2 =	vld [tilespmem:s19+$0x0]  }
0x485: {  	s23 =	sadd.s32 $0x10, s23  }
0x486: {  	p0 =	slt.u32 s23, $0x1860  }
.Ltmp51:
0x487: {  	_ = 	snop;
	(pc) =	sbr.rel @p0 .LBB2_85-.Ltmp51, $3  }
0x488: {  	_ = 	snop  }
0x489: {  	v1 =	vadd.f32 v2, v1;
	_ =	sdelay $0x1  }
0x48a: {  	s19 =	sadd.s32 $0x10, s19;
	[tilespmem:s26+$0x0] =	vst v1;
	s26 =	sadd.s32 $0x10, s26  }
.LBB2_86:
0x48b: {  	v1 =	vld [tilespmem:$0xD0];
	_ =	sdelay $0x4  }
0x48c: {  	(v2sf) =	vpush v1, $0x0  }
0x48d: {  	(v2sf) =	vpush v1, $0x1;
	_ =	sdelay $0xd  }
0x48e: {  	s17 =	spop (v2sf)  }
0x48f: {  	s18 =	spop (v2sf);
	p0 =	sgt.s32 s17, s3  }
0x490: {  	p1 =	sgt.s32 @!p0 s3, s18  }
0x491: {  	p0 =	por p0, p1  }
.Ltmp52:
0x492: {  	_ = 	snop;
	(pc) =	sbr.rel @p0 .LBB2_91-.Ltmp52, $1  }
0x493: {  	_ =	sdelay $0x3  }
0x494: {  	[tilespmem:s15], [sflag:$0x3] =	stream.linear.gather [hbm4b:s29+s5], $0x1870, $0x38;
	[tilespmem:$0x1F810] =	vst v63  }
0x495: {  	_ =	swait.ge [sflag:s14], $0x1870  }
0x496: {  	[sflag:s14] =	ssyncset.done $0x0  }
0x497: {  	s17 =	simm.s32 $0x4040;
	[sflag:s14] =	ssyncadd.s32 $0xFFFFE790  }
0x498: {  	s18 =	simm.s32 $0x58C0;
	v2 =	vld [tilespmem:s17+$0x30]  }
0x499: {  	v3 =	vld [tilespmem:s18+$0x30]  }
0x49a: {  	v1 =	vld [tilespmem:s18+$0xFFFFFFC0]  }
0x49b: {  	v4 =	vld [tilespmem:s17+$0xFFFFFFD0]  }
0x49c: {  	v5 =	vld [tilespmem:s18+$0xFFFFFFD0]  }
0x49d: {  	v6 =	vld [tilespmem:s17+$0xFFFFFFE0]  }
0x49e: {  	v7 =	vld [tilespmem:s18+$0xFFFFFFE0]  }
0x49f: {  	v8 =	vld [tilespmem:s17+$0xFFFFFFF0]  }
0x4a0: {  	v9 =	vld [tilespmem:s18+$0xFFFFFFF0]  }
0x4a1: {  	v10 =	vld [tilespmem:s17+$0x0]  }
0x4a2: {  	v11 =	vld [tilespmem:s18+$0x0];
	v3 =	vadd.f32 v3, v2  }
0x4a3: {  	v5 =	vadd.f32 v5, v4;
	v2 =	vld [tilespmem:s17+$0x10]  }
0x4a4: {  	v6 =	vadd.f32 v7, v6;
	v4 =	vld [tilespmem:s18+$0x10];
	[tilespmem:s17+$0x30] =	vst v3  }
0x4a5: {  	v7 =	vadd.f32 v9, v8;
	[tilespmem:s17+$0xFFFFFFD0] =	vst v5;
	v3 =	vld [tilespmem:s17+$0x20]  }
0x4a6: {  	[tilespmem:s17+$0xFFFFFFE0] =	vst v6;
	v5 =	vld [tilespmem:s18+$0x20]  }
0x4a7: {  	s20 =	simm.s32 $0x0;
	s19 =	simm.s32 $0x7080;
	s21 =	simm.s32 $0x40C0;
	v6 =	vld [tilespmem:s17+$0xFFFFFFC0];
	[tilespmem:s17+$0xFFFFFFF0] =	vst v7;
	v7 =	vadd.f32 v11, v10  }
.LBB2_88:
0x4a8: {  	v8 =	vld [tilespmem:s21+$0x30];
	s18 =	sadd.s32 $0x80, s18  }
0x4a9: {  	s20 =	sadd.s32 $0x80, s20;
	v9 =	vld [tilespmem:s18+$0x30];
	[tilespmem:s17+$0x0] =	vst v7;
	v2 =	vadd.f32 v4, v2  }
0x4aa: {  	p0 =	slt.u32 s20, $0x1780;
	v4 =	vld [tilespmem:s18+$0xFFFFFFC0]  }
0x4ab: {  	v7 =	vld [tilespmem:s21+$0xFFFFFFD0];
	[tilespmem:s17+$0x10] =	vst v2;
	v2 =	vadd.f32 v5, v3  }
0x4ac: {  	v3 =	vld [tilespmem:s18+$0xFFFFFFD0];
	v10 =	vadd.f32 v1, v6  }
0x4ad: {  	v5 =	vld [tilespmem:s21+$0xFFFFFFE0];
	[tilespmem:s17+$0x20] =	vst v2  }
0x4ae: {  	v2 =	vld [tilespmem:s18+$0xFFFFFFE0];
	v6 =	vadd.f32 v9, v8;
	[tilespmem:s17+$0xFFFFFFC0] =	vst v10;
	s17 =	smov.u32 s21  }
0x4af: {  	v8 =	vld [tilespmem:s21+$0xFFFFFFF0];
	v1 =	vmov v4  }
0x4b0: {  	s23 =	simm.s32 $0x17F0;
	s26 =	simm.s32 $0x5800;
	v9 =	vld [tilespmem:s18+$0xFFFFFFF0];
	[tilespmem:s21+$0x30] =	vst v6  }
0x4b1: {  	v3 =	vadd.f32 v3, v7;
	v7 =	vld [tilespmem:s21+$0x0]  }
0x4b2: {  	v10 =	vld [tilespmem:s18+$0x0]  }
.Ltmp53:
0x4b3: {  	[tilespmem:s21+$0xFFFFFFD0] =	vst v3;
	v3 =	vadd.f32 v2, v5;
	v2 =	vld [tilespmem:s21+$0x10];
	(pc) =	sbr.rel @p0 .LBB2_88-.Ltmp53, $4  }
0x4b4: {  	v4 =	vld [tilespmem:s18+$0x10]  }
0x4b5: {  	[tilespmem:s21+$0xFFFFFFE0] =	vst v3;
	v8 =	vadd.f32 v9, v8;
	v3 =	vld [tilespmem:s21+$0x20]  }
0x4b6: {  	v5 =	vld [tilespmem:s18+$0x20]  }
0x4b7: {  	s21 =	sadd.s32 $0x80, s21;
	v6 =	vld [tilespmem:s17+$0xFFFFFFC0];
	[tilespmem:s17+$0xFFFFFFF0] =	vst v8;
	v7 =	vadd.f32 v10, v7  }
0x4b8: {  	_ =	sdelay $0x1  }
0x4b9: {  	v2 =	vadd.f32 v4, v2  }
0x4ba: {  	[tilespmem:s17+$0x0] =	vst v7;
	v3 =	vadd.f32 v5, v3  }
0x4bb: {  	[tilespmem:s17+$0x10] =	vst v2;
	v1 =	vadd.f32 v1, v6  }
0x4bc: {  	[tilespmem:s17+$0x20] =	vst v3  }
0x4bd: {  	[tilespmem:s17+$0xFFFFFFC0] =	vst v1  }
.LBB2_90:
0x4be: {  	v1 =	vld [tilespmem:s26+$0x0]  }
0x4bf: {  	v2 =	vld [tilespmem:s19+$0x0]  }
0x4c0: {  	s23 =	sadd.s32 $0x10, s23  }
0x4c1: {  	p0 =	slt.u32 s23, $0x1860  }
.Ltmp54:
0x4c2: {  	_ = 	snop;
	(pc) =	sbr.rel @p0 .LBB2_90-.Ltmp54, $3  }
0x4c3: {  	_ = 	snop  }
0x4c4: {  	v1 =	vadd.f32 v2, v1;
	_ =	sdelay $0x1  }
0x4c5: {  	s19 =	sadd.s32 $0x10, s19;
	[tilespmem:s26+$0x0] =	vst v1;
	s26 =	sadd.s32 $0x10, s26  }
.LBB2_91:
0x4c6: {  	v1 =	vld [tilespmem:$0xE0];
	_ =	sdelay $0x4  }
0x4c7: {  	(v2sf) =	vpush v1, $0x0  }
0x4c8: {  	(v2sf) =	vpush v1, $0x1;
	_ =	sdelay $0xd  }
0x4c9: {  	s17 =	spop (v2sf)  }
0x4ca: {  	s18 =	spop (v2sf);
	p0 =	sgt.s32 s17, s3  }
0x4cb: {  	p1 =	sgt.s32 @!p0 s3, s18  }
0x4cc: {  	p0 =	por p0, p1  }
.Ltmp55:
0x4cd: {  	_ = 	snop;
	(pc) =	sbr.rel @p0 .LBB2_96-.Ltmp55, $1  }
0x4ce: {  	_ =	sdelay $0x3  }
0x4cf: {  	[tilespmem:s15], [sflag:$0x3] =	stream.linear.gather [hbm4b:s30+s5], $0x1870, $0x38;
	[tilespmem:$0x1F810] =	vst v63  }
0x4d0: {  	_ =	swait.ge [sflag:s14], $0x1870  }
0x4d1: {  	[sflag:s14] =	ssyncset.done $0x0  }
0x4d2: {  	s17 =	simm.s32 $0x4040;
	[sflag:s14] =	ssyncadd.s32 $0xFFFFE790  }
0x4d3: {  	s18 =	simm.s32 $0x58C0;
	v2 =	vld [tilespmem:s17+$0x30]  }
0x4d4: {  	v3 =	vld [tilespmem:s18+$0x30]  }
0x4d5: {  	v1 =	vld [tilespmem:s18+$0xFFFFFFC0]  }
0x4d6: {  	v4 =	vld [tilespmem:s17+$0xFFFFFFD0]  }
0x4d7: {  	v5 =	vld [tilespmem:s18+$0xFFFFFFD0]  }
0x4d8: {  	v6 =	vld [tilespmem:s17+$0xFFFFFFE0]  }
0x4d9: {  	v7 =	vld [tilespmem:s18+$0xFFFFFFE0]  }
0x4da: {  	v8 =	vld [tilespmem:s17+$0xFFFFFFF0]  }
0x4db: {  	v9 =	vld [tilespmem:s18+$0xFFFFFFF0]  }
0x4dc: {  	v10 =	vld [tilespmem:s17+$0x0]  }
0x4dd: {  	v11 =	vld [tilespmem:s18+$0x0];
	v3 =	vadd.f32 v3, v2  }
0x4de: {  	v5 =	vadd.f32 v5, v4;
	v2 =	vld [tilespmem:s17+$0x10]  }
0x4df: {  	v6 =	vadd.f32 v7, v6;
	v4 =	vld [tilespmem:s18+$0x10];
	[tilespmem:s17+$0x30] =	vst v3  }
0x4e0: {  	v7 =	vadd.f32 v9, v8;
	[tilespmem:s17+$0xFFFFFFD0] =	vst v5;
	v3 =	vld [tilespmem:s17+$0x20]  }
0x4e1: {  	[tilespmem:s17+$0xFFFFFFE0] =	vst v6;
	v5 =	vld [tilespmem:s18+$0x20]  }
0x4e2: {  	s20 =	simm.s32 $0x0;
	s19 =	simm.s32 $0x7080;
	s21 =	simm.s32 $0x40C0;
	v6 =	vld [tilespmem:s17+$0xFFFFFFC0];
	[tilespmem:s17+$0xFFFFFFF0] =	vst v7;
	v7 =	vadd.f32 v11, v10  }
.LBB2_93:
0x4e3: {  	v8 =	vld [tilespmem:s21+$0x30];
	s18 =	sadd.s32 $0x80, s18  }
0x4e4: {  	s20 =	sadd.s32 $0x80, s20;
	v9 =	vld [tilespmem:s18+$0x30];
	[tilespmem:s17+$0x0] =	vst v7;
	v2 =	vadd.f32 v4, v2  }
0x4e5: {  	p0 =	slt.u32 s20, $0x1780;
	v4 =	vld [tilespmem:s18+$0xFFFFFFC0]  }
0x4e6: {  	v7 =	vld [tilespmem:s21+$0xFFFFFFD0];
	[tilespmem:s17+$0x10] =	vst v2;
	v2 =	vadd.f32 v5, v3  }
0x4e7: {  	v3 =	vld [tilespmem:s18+$0xFFFFFFD0];
	v10 =	vadd.f32 v1, v6  }
0x4e8: {  	v5 =	vld [tilespmem:s21+$0xFFFFFFE0];
	[tilespmem:s17+$0x20] =	vst v2  }
0x4e9: {  	v2 =	vld [tilespmem:s18+$0xFFFFFFE0];
	v6 =	vadd.f32 v9, v8;
	[tilespmem:s17+$0xFFFFFFC0] =	vst v10;
	s17 =	smov.u32 s21  }
0x4ea: {  	v8 =	vld [tilespmem:s21+$0xFFFFFFF0];
	v1 =	vmov v4  }
0x4eb: {  	s23 =	simm.s32 $0x17F0;
	s26 =	simm.s32 $0x5800;
	v9 =	vld [tilespmem:s18+$0xFFFFFFF0];
	[tilespmem:s21+$0x30] =	vst v6  }
0x4ec: {  	v3 =	vadd.f32 v3, v7;
	v7 =	vld [tilespmem:s21+$0x0]  }
0x4ed: {  	v10 =	vld [tilespmem:s18+$0x0]  }
.Ltmp56:
0x4ee: {  	[tilespmem:s21+$0xFFFFFFD0] =	vst v3;
	v3 =	vadd.f32 v2, v5;
	v2 =	vld [tilespmem:s21+$0x10];
	(pc) =	sbr.rel @p0 .LBB2_93-.Ltmp56, $4  }
0x4ef: {  	v4 =	vld [tilespmem:s18+$0x10]  }
0x4f0: {  	[tilespmem:s21+$0xFFFFFFE0] =	vst v3;
	v8 =	vadd.f32 v9, v8;
	v3 =	vld [tilespmem:s21+$0x20]  }
0x4f1: {  	v5 =	vld [tilespmem:s18+$0x20]  }
0x4f2: {  	s21 =	sadd.s32 $0x80, s21;
	v6 =	vld [tilespmem:s17+$0xFFFFFFC0];
	[tilespmem:s17+$0xFFFFFFF0] =	vst v8;
	v7 =	vadd.f32 v10, v7  }
0x4f3: {  	_ =	sdelay $0x1  }
0x4f4: {  	v2 =	vadd.f32 v4, v2  }
0x4f5: {  	[tilespmem:s17+$0x0] =	vst v7;
	v3 =	vadd.f32 v5, v3  }
0x4f6: {  	[tilespmem:s17+$0x10] =	vst v2;
	v1 =	vadd.f32 v1, v6  }
0x4f7: {  	[tilespmem:s17+$0x20] =	vst v3  }
0x4f8: {  	[tilespmem:s17+$0xFFFFFFC0] =	vst v1  }
.LBB2_95:
0x4f9: {  	v1 =	vld [tilespmem:s26+$0x0]  }
0x4fa: {  	v2 =	vld [tilespmem:s19+$0x0]  }
0x4fb: {  	s23 =	sadd.s32 $0x10, s23  }
0x4fc: {  	p0 =	slt.u32 s23, $0x1860  }
.Ltmp57:
0x4fd: {  	_ = 	snop;
	(pc) =	sbr.rel @p0 .LBB2_95-.Ltmp57, $3  }
0x4fe: {  	_ = 	snop  }
0x4ff: {  	v1 =	vadd.f32 v2, v1;
	_ =	sdelay $0x1  }
0x500: {  	s19 =	sadd.s32 $0x10, s19;
	[tilespmem:s26+$0x0] =	vst v1;
	s26 =	sadd.s32 $0x10, s26  }
.LBB2_96:
0x501: {  	v1 =	vld [tilespmem:$0xF0];
	_ =	sdelay $0x4  }
0x502: {  	(v2sf) =	vpush v1, $0x0  }
0x503: {  	(v2sf) =	vpush v1, $0x1;
	_ =	sdelay $0xd  }
0x504: {  	s17 =	spop (v2sf)  }
0x505: {  	s18 =	spop (v2sf);
	p0 =	sgt.s32 s17, s3  }
0x506: {  	p1 =	sgt.s32 @!p0 s3, s18  }
0x507: {  	p0 =	por p0, p1  }
.Ltmp58:
0x508: {  	_ = 	snop;
	(pc) =	sbr.rel @p0 .LBB2_101-.Ltmp58, $1  }
0x509: {  	_ =	sdelay $0x3  }
0x50a: {  	[tilespmem:s15], [sflag:$0x3] =	stream.linear.gather [hbm4b:s31+s5], $0x1870, $0x38;
	[tilespmem:$0x1F810] =	vst v63  }
0x50b: {  	_ =	swait.ge [sflag:s14], $0x1870  }
0x50c: {  	[sflag:s14] =	ssyncset.done $0x0  }
0x50d: {  	s17 =	simm.s32 $0x4040;
	[sflag:s14] =	ssyncadd.s32 $0xFFFFE790  }
0x50e: {  	s18 =	simm.s32 $0x58C0;
	v2 =	vld [tilespmem:s17+$0x30]  }
0x50f: {  	v3 =	vld [tilespmem:s18+$0x30]  }
0x510: {  	v1 =	vld [tilespmem:s18+$0xFFFFFFC0]  }
0x511: {  	v4 =	vld [tilespmem:s17+$0xFFFFFFD0]  }
0x512: {  	v5 =	vld [tilespmem:s18+$0xFFFFFFD0]  }
0x513: {  	v6 =	vld [tilespmem:s17+$0xFFFFFFE0]  }
0x514: {  	v7 =	vld [tilespmem:s18+$0xFFFFFFE0]  }
0x515: {  	v8 =	vld [tilespmem:s17+$0xFFFFFFF0]  }
0x516: {  	v9 =	vld [tilespmem:s18+$0xFFFFFFF0]  }
0x517: {  	v10 =	vld [tilespmem:s17+$0x0]  }
0x518: {  	v11 =	vld [tilespmem:s18+$0x0];
	v3 =	vadd.f32 v3, v2  }
0x519: {  	v5 =	vadd.f32 v5, v4;
	v2 =	vld [tilespmem:s17+$0x10]  }
0x51a: {  	v6 =	vadd.f32 v7, v6;
	v4 =	vld [tilespmem:s18+$0x10];
	[tilespmem:s17+$0x30] =	vst v3  }
0x51b: {  	v7 =	vadd.f32 v9, v8;
	[tilespmem:s17+$0xFFFFFFD0] =	vst v5;
	v3 =	vld [tilespmem:s17+$0x20]  }
0x51c: {  	[tilespmem:s17+$0xFFFFFFE0] =	vst v6;
	v5 =	vld [tilespmem:s18+$0x20]  }
0x51d: {  	s20 =	simm.s32 $0x0;
	s19 =	simm.s32 $0x7080;
	s21 =	simm.s32 $0x40C0;
	v6 =	vld [tilespmem:s17+$0xFFFFFFC0];
	[tilespmem:s17+$0xFFFFFFF0] =	vst v7;
	v7 =	vadd.f32 v11, v10  }
.LBB2_98:
0x51e: {  	v8 =	vld [tilespmem:s21+$0x30];
	s18 =	sadd.s32 $0x80, s18  }
0x51f: {  	s20 =	sadd.s32 $0x80, s20;
	v9 =	vld [tilespmem:s18+$0x30];
	[tilespmem:s17+$0x0] =	vst v7;
	v2 =	vadd.f32 v4, v2  }
0x520: {  	p0 =	slt.u32 s20, $0x1780;
	v4 =	vld [tilespmem:s18+$0xFFFFFFC0]  }
0x521: {  	v7 =	vld [tilespmem:s21+$0xFFFFFFD0];
	[tilespmem:s17+$0x10] =	vst v2;
	v2 =	vadd.f32 v5, v3  }
0x522: {  	v3 =	vld [tilespmem:s18+$0xFFFFFFD0];
	v10 =	vadd.f32 v1, v6  }
0x523: {  	v5 =	vld [tilespmem:s21+$0xFFFFFFE0];
	[tilespmem:s17+$0x20] =	vst v2  }
0x524: {  	v2 =	vld [tilespmem:s18+$0xFFFFFFE0];
	v6 =	vadd.f32 v9, v8;
	[tilespmem:s17+$0xFFFFFFC0] =	vst v10;
	s17 =	smov.u32 s21  }
0x525: {  	v8 =	vld [tilespmem:s21+$0xFFFFFFF0];
	v1 =	vmov v4  }
0x526: {  	s23 =	simm.s32 $0x17F0;
	s26 =	simm.s32 $0x5800;
	v9 =	vld [tilespmem:s18+$0xFFFFFFF0];
	[tilespmem:s21+$0x30] =	vst v6  }
0x527: {  	v3 =	vadd.f32 v3, v7;
	v7 =	vld [tilespmem:s21+$0x0]  }
0x528: {  	v10 =	vld [tilespmem:s18+$0x0]  }
.Ltmp59:
0x529: {  	[tilespmem:s21+$0xFFFFFFD0] =	vst v3;
	v3 =	vadd.f32 v2, v5;
	v2 =	vld [tilespmem:s21+$0x10];
	(pc) =	sbr.rel @p0 .LBB2_98-.Ltmp59, $4  }
0x52a: {  	v4 =	vld [tilespmem:s18+$0x10]  }
0x52b: {  	[tilespmem:s21+$0xFFFFFFE0] =	vst v3;
	v8 =	vadd.f32 v9, v8;
	v3 =	vld [tilespmem:s21+$0x20]  }
0x52c: {  	v5 =	vld [tilespmem:s18+$0x20]  }
0x52d: {  	s21 =	sadd.s32 $0x80, s21;
	v6 =	vld [tilespmem:s17+$0xFFFFFFC0];
	[tilespmem:s17+$0xFFFFFFF0] =	vst v8;
	v7 =	vadd.f32 v10, v7  }
0x52e: {  	_ =	sdelay $0x1  }
0x52f: {  	v2 =	vadd.f32 v4, v2  }
0x530: {  	[tilespmem:s17+$0x0] =	vst v7;
	v3 =	vadd.f32 v5, v3  }
0x531: {  	[tilespmem:s17+$0x10] =	vst v2;
	v1 =	vadd.f32 v1, v6  }
0x532: {  	[tilespmem:s17+$0x20] =	vst v3  }
0x533: {  	[tilespmem:s17+$0xFFFFFFC0] =	vst v1  }
.LBB2_100:
0x534: {  	v1 =	vld [tilespmem:s26+$0x0]  }
0x535: {  	v2 =	vld [tilespmem:s19+$0x0]  }
0x536: {  	s23 =	sadd.s32 $0x10, s23  }
0x537: {  	p0 =	slt.u32 s23, $0x1860  }
.Ltmp60:
0x538: {  	_ = 	snop;
	(pc) =	sbr.rel @p0 .LBB2_100-.Ltmp60, $3  }
0x539: {  	_ = 	snop  }
0x53a: {  	v1 =	vadd.f32 v2, v1;
	_ =	sdelay $0x1  }
0x53b: {  	s19 =	sadd.s32 $0x10, s19;
	[tilespmem:s26+$0x0] =	vst v1;
	s26 =	sadd.s32 $0x10, s26  }
.Ltmp61:
0x53c: {  	_ = 	snop;
	(pc) =	sbr.rel .LBB2_101-.Ltmp61, $1  }
0x53d: {  	_ =	sdelay $0x3  }
.LBB2_102:
0x53e: {  	_ =	sfence.sel $0x180000  }
0x53f: {  	[bflag:$0x0] =	sbarrier.arrive $0xFFFF  }
0x540: {  	_ =	strace $0x90000047  }
0x541: {  	[bflag:$0x2] =	sbarrier.arrive $0xFFFF  }
0x542: {  	p0 =	sne.s32 s3, $0x0;
	s0 =	rddreg [dreg:$0x4]  }
0x543: {  	s0 =	sadd.s32 @!p0 $0x100000, s0  }
0x544: {  	[sflag:s0] =	ssyncadd.tile.s32 @!p0 $0x1;
	_ =	shalt  }
.Lfunc_end2:
_tile_overlayer_lowered:
.L_overlay_start_2:
0x545: {  	(tag) =	ssettag $0x2  }
0x546: {  	s0 =	rddreg [dreg:$0x0];
	s2 =	stileid.u32  }
0x547: {  	s1 =	rddreg [dreg:$0x1];
	p0 =	sne.s32 s2, $0x0  }
0x548: {  	s3 =	rddreg [dreg:$0x2];
	[bflag:$0x3] =	sbarrier.arrive $0xFFFF;
	s2 =	simm.s32 @!p0 $0x1C03  }
0x549: {  	[timem:s3], [sflag:s2] =	dma.local @!p0 [hbm:s0], s1  }
0x54a: {  	s0 =	simm.s32 @!p0 $0x3  }
0x54b: {  	_ =	swait.ge @!p0 [sflag:s0], s1  }
0x54c: {  	s1 =	ssub.s32 @!p0 $0x0, s1;
	[sflag:s0] =	ssyncset.done @!p0 $0x0  }
0x54d: {  	[sflag:s0] =	ssyncadd.s32 @!p0 s1  }
0x54e: {  	[bflag:$0x3] =	sbarrier.arrive $0xFFFF  }
0x54f: {  	_ =	shalt  }

</sc_bundles>
